<compile_context>
chip_gen: v7x
topology: tpu7x:2x2x1
jax: 0.10.2.dev20260603
libtpu: 0.0.44.dev20260713+nightly
codegen_flags: <defaults>
</compile_context>

<pallas_src>
import functools

import jax
import jax.numpy as jnp
from jax import lax
from jax.experimental import pallas as pl
from jax.experimental.pallas import tpu as pltpu
from jax.experimental.pallas import tpu_sc as plsc

_B, _N, _K, _DP, _C = 8, 2048, 16, 3, 64
_EPS = 1e-3
_RT = 512
_R2 = 512
_E = _B * _N * _K
_NC, _NS = 2, 16
_NW = _NC * _NS
_EPW = _E // _NW
_CHUNK = 128
_NCHUNK = _EPW // _CHUNK
_HALVES = 4


def _topk_body(b_off, pts_ref, ptsT_ref, idx_ref):
    b = pl.program_id(0) + b_off
    p_tile = pts_ref[0]
    p_all_t = ptsT_ref[0]
    r_tile = jnp.sum(p_tile * p_tile, axis=1, keepdims=True)
    r_all = jnp.sum(p_all_t * p_all_t, axis=0, keepdims=True)
    m = jnp.dot(p_tile, p_all_t, preferred_element_type=jnp.float32)
    d = r_tile - 2.0 * m + r_all
    ib = lax.bitcast_convert_type(d + 64.0, jnp.int32)
    ik = jnp.clip((ib - 0x42800000) >> 2, -0x800, 0xFD000)
    iota = lax.broadcasted_iota(jnp.int32, (_RT, _N), 1)
    fkey = lax.bitcast_convert_type(((ik + 0x1000) << 11) | iota,
                                    jnp.float32)
    big = jnp.float32(1e38)
    cols = []
    kmin = jnp.min(fkey, axis=1, keepdims=True)
    for _ in range(_K):
        kmin = jnp.min(jnp.where(fkey > kmin, fkey, big), axis=1,
                       keepdims=True)
        cols.append(lax.bitcast_convert_type(kmin, jnp.int32) & 0x7FF)
    idx_ref[0] = jnp.concatenate(cols, axis=1) + b * _N


@functools.lru_cache(maxsize=None)
def _topk_call(nb, b_off):
    return pl.pallas_call(
        functools.partial(_topk_body, b_off),
        grid=(nb, _N // _RT),
        in_specs=[
            pl.BlockSpec((1, _RT, _DP), lambda b, i: (b + b_off, i, 0)),
            pl.BlockSpec((1, _DP, _N), lambda b, i: (b + b_off, 0, 0)),
        ],
        out_specs=pl.BlockSpec((1, _RT, _K), lambda b, i: (b, i, 0)),
        out_shape=jax.ShapeDtypeStruct((nb, _N, _K), jnp.int32),
    )


_CP = 128


def _gather_body(nchunk, feat_hbm, idx_hbm, out_hbm, idx_v, rows_v, sem):
    wid = lax.axis_index("s") * _NC + lax.axis_index("c")
    base = wid * nchunk * _CHUNK
    pltpu.sync_copy(idx_hbm.at[pl.ds(wid * nchunk, nchunk)], idx_v)

    def chunk(j, carry):
        pltpu.async_copy(feat_hbm.at[idx_v.at[j]], rows_v, sem).wait()
        pltpu.sync_copy(rows_v, out_hbm.at[pl.ds(base + j * _CHUNK, _CHUNK)])
        return carry

    lax.fori_loop(0, nchunk, chunk, 0)


@functools.lru_cache(maxsize=None)
def _gather_call(ne):
    nchunk = ne // _NW // _CHUNK
    return pl.kernel(
        functools.partial(_gather_body, nchunk),
        out_type=jax.ShapeDtypeStruct((ne, _CP), jnp.float32),
        mesh=plsc.VectorSubcoreMesh(core_axis_name="c", subcore_axis_name="s"),
        scratch_types=[
            pltpu.VMEM((nchunk, _CHUNK), jnp.int32),
            pltpu.VMEM((_CHUNK, _CP), jnp.float32),
            pltpu.SemaphoreType.DMA,
        ],
    )


def _mlp_body(knn_ref, f_ref, w0a_ref, w0b_ref, w1_ref, w2_ref, wsc_ref,
              b0_ref, b1_ref, b2_ref, bsc_ref, o_ref):
    f = f_ref[...]
    d = knn_ref[:, :_C].reshape(_R2, _K, _C) - f[:, None, :]
    y0 = jnp.dot(f, w0a_ref[...], preferred_element_type=jnp.float32)
    z0 = jnp.dot(d.reshape(_R2 * _K, _C), w0b_ref[...],
                 preferred_element_type=jnp.float32)
    a0 = jnp.maximum(z0.reshape(_R2, _K, _C) + y0[:, None, :] + b0_ref[...],
                     0.0)
    a1 = jnp.maximum(
        jnp.dot(a0.reshape(_R2 * _K, _C), w1_ref[...],
                preferred_element_type=jnp.float32) + b1_ref[...], 0.0)
    a2 = jnp.maximum(
        jnp.dot(a1, w2_ref[...], preferred_element_type=jnp.float32)
        + b2_ref[...], 0.0)
    fts = jnp.sum(a2.reshape(_R2, _K, _C), axis=1) * (1.0 / _K)
    sc = jnp.dot(f, wsc_ref[...], preferred_element_type=jnp.float32) \
        + bsc_ref[...]
    o_ref[...] = jnp.maximum(sc + fts, 0.0)


@functools.lru_cache(maxsize=None)
def _mlp_call(nrows, row_off):
    return pl.pallas_call(
        _mlp_body,
        grid=(nrows // _R2,),
        in_specs=[
            pl.BlockSpec((_R2 * _K, _CP), lambda i: (i, 0)),
            pl.BlockSpec((_R2, _C), lambda i: (i + row_off // _R2, 0)),
        ] + [pl.BlockSpec((_C, _C), lambda i: (0, 0))] * 5
          + [pl.BlockSpec((1, _C), lambda i: (0, 0))] * 4,
        out_specs=pl.BlockSpec((_R2, _C), lambda i: (i, 0)),
        out_shape=jax.ShapeDtypeStruct((nrows, _C), jnp.float32),
    )


def kernel(points, features, W0, W1, W2, Wsc,
           g0, b0, g1, b1, g2, b2, gsc, bsc):
    s = 1.0 / jnp.sqrt(jnp.float32(1.0 + _EPS))
    w0a = W0[:_C] * (g0 * s)[None, :]
    w0b = W0[_C:] * (g0 * s)[None, :]
    w1 = W1 * (g1 * s)[None, :]
    w2 = W2 * (g2 * s)[None, :]
    wsc = Wsc * (gsc * s)[None, :]

    points_t = jnp.swapaxes(points, 1, 2)
    feat_flat = features.reshape(_B * _N, _C)
    feat_pad = jnp.pad(feat_flat, ((0, 0), (0, _CP - _C)))

    nh = _B // _HALVES
    idxs = [_topk_call(nh, h * nh)(points, points_t) for h in range(_HALVES)]
    outs = []
    for h in range(_HALVES):
        ne = nh * _N * _K
        knn = _gather_call(ne)(feat_pad, idxs[h].reshape(ne // _CHUNK, _CHUNK))
        outs.append(_mlp_call(nh * _N, h * nh * _N)(
            knn, feat_flat, w0a, w0b, w1, w2, wsc,
            b0[None, :], b1[None, :], b2[None, :], bsc[None, :]))
    return jnp.concatenate(outs).reshape(_B, _N, _C)

# --- scband reference (transcript-rebuilt; emitter-appended) ---
"""Pipeline reference for scband-edge-conv-16114717294920 (READ-ONLY COPY).

The authoritative reference and input builder live on the scoring server;
editing this copy changes nothing except your own understanding.
"""

import jax, jax.numpy as jnp
import numpy as np

B, N, K = 8, 2048, 16
DP, C = 3, 64
CH = [64, 64, 64]
EPS = 1e-3


def _glorot(key, shape):
    fan_in, fan_out = shape[0], shape[1]
    std = (2.0 / (fan_in + fan_out)) ** 0.5
    return jax.random.normal(key, shape, dtype=jnp.float32) * std


def setup_inputs(seed: int = 0) -> dict:
    key = jax.random.key(seed)
    ks = jax.random.split(key, 8)
    points = jax.random.normal(ks[0], (B, N, DP), dtype=jnp.float32)
    features = jax.random.normal(ks[1], (B, N, C), dtype=jnp.float32)
    W0 = _glorot(ks[2], (2 * C, CH[0]))
    W1 = _glorot(ks[3], (CH[0], CH[1]))
    W2 = _glorot(ks[4], (CH[1], CH[2]))
    Wsc = _glorot(ks[5], (C, CH[2]))
    g0 = jnp.ones((CH[0],), jnp.float32); b0 = jnp.zeros((CH[0],), jnp.float32)
    g1 = jnp.ones((CH[1],), jnp.float32); b1 = jnp.zeros((CH[1],), jnp.float32)
    g2 = jnp.ones((CH[2],), jnp.float32); b2 = jnp.zeros((CH[2],), jnp.float32)
    gsc = jnp.ones((CH[2],), jnp.float32); bsc = jnp.zeros((CH[2],), jnp.float32)
    return {"points": points, "features": features, "W0": W0, "W1": W1, "W2": W2,
            "Wsc": Wsc, "g0": g0, "b0": b0, "g1": g1, "b1": b1, "g2": g2, "b2": b2,
            "gsc": gsc, "bsc": bsc}


def _bn(x, g, b):
    # BatchNormalization in inference mode with moving_mean=0, moving_var=1, eps=1e-3
    return g * x / jnp.sqrt(1.0 + EPS) + b


def reference(points, features, W0, W1, W2, Wsc, g0, b0, g1, b1, g2, b2, gsc, bsc):
    # batch_distance_matrix_general
    r = jnp.sum(points * points, axis=2, keepdims=True)           # [B,N,1]
    m = jnp.matmul(points, jnp.transpose(points, (0, 2, 1)))      # [B,N,N]
    D = r - 2.0 * m + jnp.transpose(r, (0, 2, 1))                 # [B,N,N]
    # top_k of -D, drop self (first neighbor)
    _, idx = jax.lax.top_k(-D, K + 1)                             # [B,N,K+1]
    idx = idx[:, :, 1:]                                           # [B,N,K]
    # knn gather (gather_nd equivalent)
    knn_fts = jax.vmap(lambda f, i: f[i])(features, idx)          # [B,N,K,C]
    center = jnp.broadcast_to(features[:, :, None, :], (B, N, K, C))
    x = jnp.concatenate([center, knn_fts - center], axis=-1)      # [B,N,K,2C]
    # 1x1 Conv2D stacks == per-point matmuls
    x = jax.nn.relu(_bn(jnp.matmul(x, W0), g0, b0))
    x = jax.nn.relu(_bn(jnp.matmul(x, W1), g1, b1))
    x = jax.nn.relu(_bn(jnp.matmul(x, W2), g2, b2))
    # pooling == 'average'
    fts = jnp.mean(x, axis=2)                                     # [B,N,CH[-1]]
    # shortcut 1x1 conv + bn
    sc = _bn(jnp.matmul(features, Wsc), gsc, bsc)                 # [B,N,CH[-1]]
    return jax.nn.relu(sc + fts)

if __name__ == "__main__":
    import jax
    _d = setup_inputs()
    print(jax.jit(kernel)(*tuple(_d.values())))

</pallas_src>

<mosaic_0001>
#map = affine_map<(d0, d1) -> (0, 0)>
module attributes {stable_mosaic.version = 14 : i64} {
  func.func @_gather_body(%arg0: i32, %arg1: i32, %arg2: memref<16384x128xf32, #tpu.memory_space<hbm>>, %arg3: memref<512x128xi32, #tpu.memory_space<hbm>>, %arg4: memref<65536x128xf32, #tpu.memory_space<hbm>>, %arg5: memref<16x128xi32, #tpu.memory_space<vmem>>, %arg6: memref<128x128xf32, #tpu.memory_space<vmem>>, %arg7: memref<!tpu.dma_semaphore, #tpu.memory_space<semaphore_mem>>) attributes {dimension_semantics = [#tpu.dimension_semantics<core_parallel>, #tpu.dimension_semantics<subcore_parallel>], iteration_bounds = array<i64: 2, 16>, scalar_prefetch = 0 : i64, scratch_operands = 3 : i64, tpu.core_type = #tpu.core_type<sc_vector_subcore>, window_params = [{transform_indices = #map}, {transform_indices = #map}, {transform_indices = #map}]} {
    %mul3A = arith.constant 2 : i32
    %mul3A_0 = arith.muli %arg1, %mul3A : i32
    %add3A = arith.addi %mul3A_0, %arg0 : i32
    %mul3A_1 = arith.constant 16 : i32
    %mul3A_2 = arith.muli %add3A, %mul3A_1 : i32
    %mul3A_3 = arith.constant 128 : i32
    %mul3A_4 = arith.muli %mul3A_2, %mul3A_3 : i32
    %mul3A_5 = arith.constant 16 : i32
    %mul3A_6 = arith.muli %add3A, %mul3A_5 : i32
    "tpu.region"() ({
      %run_scoped3A = tpu.sem_alloc : memref<!tpu.dma_semaphore, #tpu.memory_space<semaphore_mem>>
      %dma_start3A = arith.constant 0 : i32
      %dma_start3A_12 = tpu.memref_slice %arg3[%mul3A_6, %dma_start3A] : memref<512x128xi32, #tpu.memory_space<hbm>> -> memref<16x128xi32, #tpu.memory_space<hbm>>
      %dma_start3A_13 = arith.constant 0 : i32
      %dma_start3A_14 = tpu.memref_slice %arg3[%mul3A_6, %dma_start3A_13] : memref<512x128xi32, #tpu.memory_space<hbm>> -> memref<16x128xi32, #tpu.memory_space<hbm>>
      tpu.enqueue_dma source(%dma_start3A_14 : memref<16x128xi32, #tpu.memory_space<hbm>>) target(%arg5 : memref<16x128xi32, #tpu.memory_space<vmem>>) target_semaphore(%run_scoped3A : memref<!tpu.dma_semaphore, #tpu.memory_space<semaphore_mem>>)
      %dma_wait3A = arith.constant 0 : i32
      %dma_wait3A_15 = tpu.memref_slice %arg3[%mul3A_6, %dma_wait3A] : memref<512x128xi32, #tpu.memory_space<hbm>> -> memref<16x128xi32, #tpu.memory_space<hbm>>
      %dma_wait3A_16 = arith.constant 0 : i32
      %dma_wait3A_17 = tpu.memref_slice %arg3[%mul3A_6, %dma_wait3A_16] : memref<512x128xi32, #tpu.memory_space<hbm>> -> memref<16x128xi32, #tpu.memory_space<hbm>>
      tpu.wait_dma2 semaphore(%run_scoped3A : memref<!tpu.dma_semaphore, #tpu.memory_space<semaphore_mem>>) src(%dma_wait3A_17 : memref<16x128xi32, #tpu.memory_space<hbm>>) dst(%arg5 : memref<16x128xi32, #tpu.memory_space<vmem>>)
      tpu.yield
    }) : () -> ()
    %scan3A = arith.constant 0 : i32
    %scan3A_7 = arith.constant 0 : i32
    %scan3A_8 = arith.constant 16 : i32
    %scan3A_9 = arith.addi %scan3A_7, %scan3A_8 : i32
    %scan3A_10 = arith.constant 1 : i32
    scf.for %scan3A_12 = %scan3A_7 to %scan3A_9 step %scan3A_10  : i32 {
      %dma_start3A = arith.constant 0 : i32
      %dma_start3A_13 = tpu.memref_slice %arg5[%scan3A_12, %dma_start3A] : memref<16x128xi32, #tpu.memory_space<vmem>> -> memref<1x128xi32, #tpu.memory_space<vmem>>
      %dma_start3A_14 = tpu.memref_squeeze %dma_start3A_13 : memref<1x128xi32, #tpu.memory_space<vmem>> -> memref<128xi32, #tpu.memory_space<vmem>>
      %dma_start3A_15 = arith.constant 0 : i32
      %dma_start3A_16 = arith.constant 0 : i32
      %dma_start3A_17 = tpu.memref_slice %arg2[%dma_start3A_15, %dma_start3A_16] : memref<16384x128xf32, #tpu.memory_space<hbm>> -> memref<16384x128xf32, #tpu.memory_space<hbm>>
      tpu.enqueue_indirect_dma source(%dma_start3A_17 : memref<16384x128xf32, #tpu.memory_space<hbm>>) target(%arg6 : memref<128x128xf32, #tpu.memory_space<vmem>>) offsets(%dma_start3A_14 : memref<128xi32, #tpu.memory_space<vmem>>) semaphore(%arg7 : memref<!tpu.dma_semaphore, #tpu.memory_space<semaphore_mem>>)
      %dma_wait3A = arith.constant 0 : i32
      %dma_wait3A_18 = tpu.memref_slice %arg5[%scan3A_12, %dma_wait3A] : memref<16x128xi32, #tpu.memory_space<vmem>> -> memref<1x128xi32, #tpu.memory_space<vmem>>
      %dma_wait3A_19 = tpu.memref_squeeze %dma_wait3A_18 : memref<1x128xi32, #tpu.memory_space<vmem>> -> memref<128xi32, #tpu.memory_space<vmem>>
      %dma_wait3A_20 = arith.constant 0 : i32
      %dma_wait3A_21 = arith.constant 0 : i32
      %dma_wait3A_22 = tpu.memref_slice %arg2[%dma_wait3A_20, %dma_wait3A_21] : memref<16384x128xf32, #tpu.memory_space<hbm>> -> memref<16384x128xf32, #tpu.memory_space<hbm>>
      tpu.wait_indirect_dma semaphore(%arg7 : memref<!tpu.dma_semaphore, #tpu.memory_space<semaphore_mem>>) src(%dma_wait3A_22 : memref<16384x128xf32, #tpu.memory_space<hbm>>) dst(%arg6 : memref<128x128xf32, #tpu.memory_space<vmem>>)
      %mul3A_23 = arith.constant 128 : i32
      %mul3A_24 = arith.muli %scan3A_12, %mul3A_23 : i32
      %add3A_25 = arith.addi %mul3A_4, %mul3A_24 : i32
      "tpu.region"() ({
        %run_scoped3A = tpu.sem_alloc : memref<!tpu.dma_semaphore, #tpu.memory_space<semaphore_mem>>
        %dma_start3A_26 = arith.constant 0 : i32
        %dma_start3A_27 = tpu.memref_slice %arg4[%add3A_25, %dma_start3A_26] : memref<65536x128xf32, #tpu.memory_space<hbm>> -> memref<128x128xf32, #tpu.memory_space<hbm>>
        %dma_start3A_28 = arith.constant 0 : i32
        %dma_start3A_29 = tpu.memref_slice %arg4[%add3A_25, %dma_start3A_28] : memref<65536x128xf32, #tpu.memory_space<hbm>> -> memref<128x128xf32, #tpu.memory_space<hbm>>
        tpu.enqueue_dma source(%arg6 : memref<128x128xf32, #tpu.memory_space<vmem>>) target(%dma_start3A_29 : memref<128x128xf32, #tpu.memory_space<hbm>>) target_semaphore(%run_scoped3A : memref<!tpu.dma_semaphore, #tpu.memory_space<semaphore_mem>>)
        %dma_wait3A_30 = arith.constant 0 : i32
        %dma_wait3A_31 = tpu.memref_slice %arg4[%add3A_25, %dma_wait3A_30] : memref<65536x128xf32, #tpu.memory_space<hbm>> -> memref<128x128xf32, #tpu.memory_space<hbm>>
        %dma_wait3A_32 = arith.constant 0 : i32
        %dma_wait3A_33 = tpu.memref_slice %arg4[%add3A_25, %dma_wait3A_32] : memref<65536x128xf32, #tpu.memory_space<hbm>> -> memref<128x128xf32, #tpu.memory_space<hbm>>
        tpu.wait_dma2 semaphore(%run_scoped3A : memref<!tpu.dma_semaphore, #tpu.memory_space<semaphore_mem>>) src(%arg6 : memref<128x128xf32, #tpu.memory_space<vmem>>) dst(%dma_wait3A_33 : memref<128x128xf32, #tpu.memory_space<hbm>>)
        tpu.yield
      }) : () -> ()
    }
    %scan3A_11 = arith.constant 16 : i32
    return
  }
}

#map = affine_map<(d0, d1) -> (0, 0)>
module attributes {stable_mosaic.version = 14 : i64} {
  func.func @_gather_body(%arg0: i32, %arg1: i32, %arg2: memref<16384x128xf32, #tpu.memory_space<hbm>>, %arg3: memref<512x128xi32, #tpu.memory_space<hbm>>, %arg4: memref<65536x128xf32, #tpu.memory_space<hbm>>, %arg5: memref<16x128xi32, #tpu.memory_space<vmem>>, %arg6: memref<128x128xf32, #tpu.memory_space<vmem>>, %arg7: memref<!tpu.dma_semaphore, #tpu.memory_space<semaphore_mem>>) attributes {dimension_semantics = [#tpu.dimension_semantics<core_parallel>, #tpu.dimension_semantics<subcore_parallel>], iteration_bounds = array<i64: 2, 16>, scalar_prefetch = 0 : i64, scratch_operands = 3 : i64, tpu.core_type = #tpu.core_type<sc_vector_subcore>, window_params = [{transform_indices = #map}, {transform_indices = #map}, {transform_indices = #map}]} {
    %mul3A = arith.constant 2 : i32
    %mul3A_0 = arith.muli %arg1, %mul3A : i32
    %add3A = arith.addi %mul3A_0, %arg0 : i32
    %mul3A_1 = arith.constant 16 : i32
    %mul3A_2 = arith.muli %add3A, %mul3A_1 : i32
    %mul3A_3 = arith.constant 128 : i32
    %mul3A_4 = arith.muli %mul3A_2, %mul3A_3 : i32
    %mul3A_5 = arith.constant 16 : i32
    %mul3A_6 = arith.muli %add3A, %mul3A_5 : i32
    "tpu.region"() ({
      %run_scoped3A = tpu.sem_alloc : memref<!tpu.dma_semaphore, #tpu.memory_space<semaphore_mem>>
      %dma_start3A = arith.constant 0 : i32
      %dma_start3A_12 = tpu.memref_slice %arg3[%mul3A_6, %dma_start3A] : memref<512x128xi32, #tpu.memory_space<hbm>> -> memref<16x128xi32, #tpu.memory_space<hbm>>
      %dma_start3A_13 = arith.constant 0 : i32
      %dma_start3A_14 = tpu.memref_slice %arg3[%mul3A_6, %dma_start3A_13] : memref<512x128xi32, #tpu.memory_space<hbm>> -> memref<16x128xi32, #tpu.memory_space<hbm>>
      tpu.enqueue_dma source(%dma_start3A_14 : memref<16x128xi32, #tpu.memory_space<hbm>>) target(%arg5 : memref<16x128xi32, #tpu.memory_space<vmem>>) target_semaphore(%run_scoped3A : memref<!tpu.dma_semaphore, #tpu.memory_space<semaphore_mem>>)
      %dma_wait3A = arith.constant 0 : i32
      %dma_wait3A_15 = tpu.memref_slice %arg3[%mul3A_6, %dma_wait3A] : memref<512x128xi32, #tpu.memory_space<hbm>> -> memref<16x128xi32, #tpu.memory_space<hbm>>
      %dma_wait3A_16 = arith.constant 0 : i32
      %dma_wait3A_17 = tpu.memref_slice %arg3[%mul3A_6, %dma_wait3A_16] : memref<512x128xi32, #tpu.memory_space<hbm>> -> memref<16x128xi32, #tpu.memory_space<hbm>>
      tpu.wait_dma2 semaphore(%run_scoped3A : memref<!tpu.dma_semaphore, #tpu.memory_space<semaphore_mem>>) src(%dma_wait3A_17 : memref<16x128xi32, #tpu.memory_space<hbm>>) dst(%arg5 : memref<16x128xi32, #tpu.memory_space<vmem>>)
      tpu.yield
    }) : () -> ()
    %scan3A = arith.constant 0 : i32
    %scan3A_7 = arith.constant 0 : i32
    %scan3A_8 = arith.constant 16 : i32
    %scan3A_9 = arith.addi %scan3A_7, %scan3A_8 : i32
    %scan3A_10 = arith.constant 1 : i32
    scf.for %scan3A_12 = %scan3A_7 to %scan3A_9 step %scan3A_10  : i32 {
      %dma_start3A = arith.constant 0 : i32
      %dma_start3A_13 = tpu.memref_slice %arg5[%scan3A_12, %dma_start3A] : memref<16x128xi32, #tpu.memory_space<vmem>> -> memref<1x128xi32, #tpu.memory_space<vmem>>
      %dma_start3A_14 = tpu.memref_squeeze %dma_start3A_13 : memref<1x128xi32, #tpu.memory_space<vmem>> -> memref<128xi32, #tpu.memory_space<vmem>>
      %dma_start3A_15 = arith.constant 0 : i32
      %dma_start3A_16 = arith.constant 0 : i32
      %dma_start3A_17 = tpu.memref_slice %arg2[%dma_start3A_15, %dma_start3A_16] : memref<16384x128xf32, #tpu.memory_space<hbm>> -> memref<16384x128xf32, #tpu.memory_space<hbm>>
      tpu.enqueue_indirect_dma source(%dma_start3A_17 : memref<16384x128xf32, #tpu.memory_space<hbm>>) target(%arg6 : memref<128x128xf32, #tpu.memory_space<vmem>>) offsets(%dma_start3A_14 : memref<128xi32, #tpu.memory_space<vmem>>) semaphore(%arg7 : memref<!tpu.dma_semaphore, #tpu.memory_space<semaphore_mem>>)
      %dma_wait3A = arith.constant 0 : i32
      %dma_wait3A_18 = tpu.memref_slice %arg5[%scan3A_12, %dma_wait3A] : memref<16x128xi32, #tpu.memory_space<vmem>> -> memref<1x128xi32, #tpu.memory_space<vmem>>
      %dma_wait3A_19 = tpu.memref_squeeze %dma_wait3A_18 : memref<1x128xi32, #tpu.memory_space<vmem>> -> memref<128xi32, #tpu.memory_space<vmem>>
      %dma_wait3A_20 = arith.constant 0 : i32
      %dma_wait3A_21 = arith.constant 0 : i32
      %dma_wait3A_22 = tpu.memref_slice %arg2[%dma_wait3A_20, %dma_wait3A_21] : memref<16384x128xf32, #tpu.memory_space<hbm>> -> memref<16384x128xf32, #tpu.memory_space<hbm>>
      tpu.wait_indirect_dma semaphore(%arg7 : memref<!tpu.dma_semaphore, #tpu.memory_space<semaphore_mem>>) src(%dma_wait3A_22 : memref<16384x128xf32, #tpu.memory_space<hbm>>) dst(%arg6 : memref<128x128xf32, #tpu.memory_space<vmem>>)
      %mul3A_23 = arith.constant 128 : i32
      %mul3A_24 = arith.muli %scan3A_12, %mul3A_23 : i32
      %add3A_25 = arith.addi %mul3A_4, %mul3A_24 : i32
      "tpu.region"() ({
        %run_scoped3A = tpu.sem_alloc : memref<!tpu.dma_semaphore, #tpu.memory_space<semaphore_mem>>
        %dma_start3A_26 = arith.constant 0 : i32
        %dma_start3A_27 = tpu.memref_slice %arg4[%add3A_25, %dma_start3A_26] : memref<65536x128xf32, #tpu.memory_space<hbm>> -> memref<128x128xf32, #tpu.memory_space<hbm>>
        %dma_start3A_28 = arith.constant 0 : i32
        %dma_start3A_29 = tpu.memref_slice %arg4[%add3A_25, %dma_start3A_28] : memref<65536x128xf32, #tpu.memory_space<hbm>> -> memref<128x128xf32, #tpu.memory_space<hbm>>
        tpu.enqueue_dma source(%arg6 : memref<128x128xf32, #tpu.memory_space<vmem>>) target(%dma_start3A_29 : memref<128x128xf32, #tpu.memory_space<hbm>>) target_semaphore(%run_scoped3A : memref<!tpu.dma_semaphore, #tpu.memory_space<semaphore_mem>>)
        %dma_wait3A_30 = arith.constant 0 : i32
        %dma_wait3A_31 = tpu.memref_slice %arg4[%add3A_25, %dma_wait3A_30] : memref<65536x128xf32, #tpu.memory_space<hbm>> -> memref<128x128xf32, #tpu.memory_space<hbm>>
        %dma_wait3A_32 = arith.constant 0 : i32
        %dma_wait3A_33 = tpu.memref_slice %arg4[%add3A_25, %dma_wait3A_32] : memref<65536x128xf32, #tpu.memory_space<hbm>> -> memref<128x128xf32, #tpu.memory_space<hbm>>
        tpu.wait_dma2 semaphore(%run_scoped3A : memref<!tpu.dma_semaphore, #tpu.memory_space<semaphore_mem>>) src(%arg6 : memref<128x128xf32, #tpu.memory_space<vmem>>) dst(%dma_wait3A_33 : memref<128x128xf32, #tpu.memory_space<hbm>>)
        tpu.yield
      }) : () -> ()
    }
    %scan3A_11 = arith.constant 16 : i32
    return
  }
}

#map = affine_map<(d0, d1) -> (0, 0)>
module attributes {stable_mosaic.version = 14 : i64} {
  func.func @_gather_body(%arg0: i32, %arg1: i32, %arg2: memref<16384x128xf32, #tpu.memory_space<hbm>>, %arg3: memref<512x128xi32, #tpu.memory_space<hbm>>, %arg4: memref<65536x128xf32, #tpu.memory_space<hbm>>, %arg5: memref<16x128xi32, #tpu.memory_space<vmem>>, %arg6: memref<128x128xf32, #tpu.memory_space<vmem>>, %arg7: memref<!tpu.dma_semaphore, #tpu.memory_space<semaphore_mem>>) attributes {dimension_semantics = [#tpu.dimension_semantics<core_parallel>, #tpu.dimension_semantics<subcore_parallel>], iteration_bounds = array<i64: 2, 16>, scalar_prefetch = 0 : i64, scratch_operands = 3 : i64, tpu.core_type = #tpu.core_type<sc_vector_subcore>, window_params = [{transform_indices = #map}, {transform_indices = #map}, {transform_indices = #map}]} {
    %mul3A = arith.constant 2 : i32
    %mul3A_0 = arith.muli %arg1, %mul3A : i32
    %add3A = arith.addi %mul3A_0, %arg0 : i32
    %mul3A_1 = arith.constant 16 : i32
    %mul3A_2 = arith.muli %add3A, %mul3A_1 : i32
    %mul3A_3 = arith.constant 128 : i32
    %mul3A_4 = arith.muli %mul3A_2, %mul3A_3 : i32
    %mul3A_5 = arith.constant 16 : i32
    %mul3A_6 = arith.muli %add3A, %mul3A_5 : i32
    "tpu.region"() ({
      %run_scoped3A = tpu.sem_alloc : memref<!tpu.dma_semaphore, #tpu.memory_space<semaphore_mem>>
      %dma_start3A = arith.constant 0 : i32
      %dma_start3A_12 = tpu.memref_slice %arg3[%mul3A_6, %dma_start3A] : memref<512x128xi32, #tpu.memory_space<hbm>> -> memref<16x128xi32, #tpu.memory_space<hbm>>
      %dma_start3A_13 = arith.constant 0 : i32
      %dma_start3A_14 = tpu.memref_slice %arg3[%mul3A_6, %dma_start3A_13] : memref<512x128xi32, #tpu.memory_space<hbm>> -> memref<16x128xi32, #tpu.memory_space<hbm>>
      tpu.enqueue_dma source(%dma_start3A_14 : memref<16x128xi32, #tpu.memory_space<hbm>>) target(%arg5 : memref<16x128xi32, #tpu.memory_space<vmem>>) target_semaphore(%run_scoped3A : memref<!tpu.dma_semaphore, #tpu.memory_space<semaphore_mem>>)
      %dma_wait3A = arith.constant 0 : i32
      %dma_wait3A_15 = tpu.memref_slice %arg3[%mul3A_6, %dma_wait3A] : memref<512x128xi32, #tpu.memory_space<hbm>> -> memref<16x128xi32, #tpu.memory_space<hbm>>
      %dma_wait3A_16 = arith.constant 0 : i32
      %dma_wait3A_17 = tpu.memref_slice %arg3[%mul3A_6, %dma_wait3A_16] : memref<512x128xi32, #tpu.memory_space<hbm>> -> memref<16x128xi32, #tpu.memory_space<hbm>>
      tpu.wait_dma2 semaphore(%run_scoped3A : memref<!tpu.dma_semaphore, #tpu.memory_space<semaphore_mem>>) src(%dma_wait3A_17 : memref<16x128xi32, #tpu.memory_space<hbm>>) dst(%arg5 : memref<16x128xi32, #tpu.memory_space<vmem>>)
      tpu.yield
    }) : () -> ()
    %scan3A = arith.constant 0 : i32
    %scan3A_7 = arith.constant 0 : i32
    %scan3A_8 = arith.constant 16 : i32
    %scan3A_9 = arith.addi %scan3A_7, %scan3A_8 : i32
    %scan3A_10 = arith.constant 1 : i32
    scf.for %scan3A_12 = %scan3A_7 to %scan3A_9 step %scan3A_10  : i32 {
      %dma_start3A = arith.constant 0 : i32
      %dma_start3A_13 = tpu.memref_slice %arg5[%scan3A_12, %dma_start3A] : memref<16x128xi32, #tpu.memory_space<vmem>> -> memref<1x128xi32, #tpu.memory_space<vmem>>
      %dma_start3A_14 = tpu.memref_squeeze %dma_start3A_13 : memref<1x128xi32, #tpu.memory_space<vmem>> -> memref<128xi32, #tpu.memory_space<vmem>>
      %dma_start3A_15 = arith.constant 0 : i32
      %dma_start3A_16 = arith.constant 0 : i32
      %dma_start3A_17 = tpu.memref_slice %arg2[%dma_start3A_15, %dma_start3A_16] : memref<16384x128xf32, #tpu.memory_space<hbm>> -> memref<16384x128xf32, #tpu.memory_space<hbm>>
      tpu.enqueue_indirect_dma source(%dma_start3A_17 : memref<16384x128xf32, #tpu.memory_space<hbm>>) target(%arg6 : memref<128x128xf32, #tpu.memory_space<vmem>>) offsets(%dma_start3A_14 : memref<128xi32, #tpu.memory_space<vmem>>) semaphore(%arg7 : memref<!tpu.dma_semaphore, #tpu.memory_space<semaphore_mem>>)
      %dma_wait3A = arith.constant 0 : i32
      %dma_wait3A_18 = tpu.memref_slice %arg5[%scan3A_12, %dma_wait3A] : memref<16x128xi32, #tpu.memory_space<vmem>> -> memref<1x128xi32, #tpu.memory_space<vmem>>
      %dma_wait3A_19 = tpu.memref_squeeze %dma_wait3A_18 : memref<1x128xi32, #tpu.memory_space<vmem>> -> memref<128xi32, #tpu.memory_space<vmem>>
      %dma_wait3A_20 = arith.constant 0 : i32
      %dma_wait3A_21 = arith.constant 0 : i32
      %dma_wait3A_22 = tpu.memref_slice %arg2[%dma_wait3A_20, %dma_wait3A_21] : memref<16384x128xf32, #tpu.memory_space<hbm>> -> memref<16384x128xf32, #tpu.memory_space<hbm>>
      tpu.wait_indirect_dma semaphore(%arg7 : memref<!tpu.dma_semaphore, #tpu.memory_space<semaphore_mem>>) src(%dma_wait3A_22 : memref<16384x128xf32, #tpu.memory_space<hbm>>) dst(%arg6 : memref<128x128xf32, #tpu.memory_space<vmem>>)
      %mul3A_23 = arith.constant 128 : i32
      %mul3A_24 = arith.muli %scan3A_12, %mul3A_23 : i32
      %add3A_25 = arith.addi %mul3A_4, %mul3A_24 : i32
      "tpu.region"() ({
        %run_scoped3A = tpu.sem_alloc : memref<!tpu.dma_semaphore, #tpu.memory_space<semaphore_mem>>
        %dma_start3A_26 = arith.constant 0 : i32
        %dma_start3A_27 = tpu.memref_slice %arg4[%add3A_25, %dma_start3A_26] : memref<65536x128xf32, #tpu.memory_space<hbm>> -> memref<128x128xf32, #tpu.memory_space<hbm>>
        %dma_start3A_28 = arith.constant 0 : i32
        %dma_start3A_29 = tpu.memref_slice %arg4[%add3A_25, %dma_start3A_28] : memref<65536x128xf32, #tpu.memory_space<hbm>> -> memref<128x128xf32, #tpu.memory_space<hbm>>
        tpu.enqueue_dma source(%arg6 : memref<128x128xf32, #tpu.memory_space<vmem>>) target(%dma_start3A_29 : memref<128x128xf32, #tpu.memory_space<hbm>>) target_semaphore(%run_scoped3A : memref<!tpu.dma_semaphore, #tpu.memory_space<semaphore_mem>>)
        %dma_wait3A_30 = arith.constant 0 : i32
        %dma_wait3A_31 = tpu.memref_slice %arg4[%add3A_25, %dma_wait3A_30] : memref<65536x128xf32, #tpu.memory_space<hbm>> -> memref<128x128xf32, #tpu.memory_space<hbm>>
        %dma_wait3A_32 = arith.constant 0 : i32
        %dma_wait3A_33 = tpu.memref_slice %arg4[%add3A_25, %dma_wait3A_32] : memref<65536x128xf32, #tpu.memory_space<hbm>> -> memref<128x128xf32, #tpu.memory_space<hbm>>
        tpu.wait_dma2 semaphore(%run_scoped3A : memref<!tpu.dma_semaphore, #tpu.memory_space<semaphore_mem>>) src(%arg6 : memref<128x128xf32, #tpu.memory_space<vmem>>) dst(%dma_wait3A_33 : memref<128x128xf32, #tpu.memory_space<hbm>>)
        tpu.yield
      }) : () -> ()
    }
    %scan3A_11 = arith.constant 16 : i32
    return
  }
}

#map = affine_map<(d0, d1) -> (0, 0)>
module attributes {stable_mosaic.version = 14 : i64} {
  func.func @_gather_body(%arg0: i32, %arg1: i32, %arg2: memref<16384x128xf32, #tpu.memory_space<hbm>>, %arg3: memref<512x128xi32, #tpu.memory_space<hbm>>, %arg4: memref<65536x128xf32, #tpu.memory_space<hbm>>, %arg5: memref<16x128xi32, #tpu.memory_space<vmem>>, %arg6: memref<128x128xf32, #tpu.memory_space<vmem>>, %arg7: memref<!tpu.dma_semaphore, #tpu.memory_space<semaphore_mem>>) attributes {dimension_semantics = [#tpu.dimension_semantics<core_parallel>, #tpu.dimension_semantics<subcore_parallel>], iteration_bounds = array<i64: 2, 16>, scalar_prefetch = 0 : i64, scratch_operands = 3 : i64, tpu.core_type = #tpu.core_type<sc_vector_subcore>, window_params = [{transform_indices = #map}, {transform_indices = #map}, {transform_indices = #map}]} {
    %mul3A = arith.constant 2 : i32
    %mul3A_0 = arith.muli %arg1, %mul3A : i32
    %add3A = arith.addi %mul3A_0, %arg0 : i32
    %mul3A_1 = arith.constant 16 : i32
    %mul3A_2 = arith.muli %add3A, %mul3A_1 : i32
    %mul3A_3 = arith.constant 128 : i32
    %mul3A_4 = arith.muli %mul3A_2, %mul3A_3 : i32
    %mul3A_5 = arith.constant 16 : i32
    %mul3A_6 = arith.muli %add3A, %mul3A_5 : i32
    "tpu.region"() ({
      %run_scoped3A = tpu.sem_alloc : memref<!tpu.dma_semaphore, #tpu.memory_space<semaphore_mem>>
      %dma_start3A = arith.constant 0 : i32
      %dma_start3A_12 = tpu.memref_slice %arg3[%mul3A_6, %dma_start3A] : memref<512x128xi32, #tpu.memory_space<hbm>> -> memref<16x128xi32, #tpu.memory_space<hbm>>
      %dma_start3A_13 = arith.constant 0 : i32
      %dma_start3A_14 = tpu.memref_slice %arg3[%mul3A_6, %dma_start3A_13] : memref<512x128xi32, #tpu.memory_space<hbm>> -> memref<16x128xi32, #tpu.memory_space<hbm>>
      tpu.enqueue_dma source(%dma_start3A_14 : memref<16x128xi32, #tpu.memory_space<hbm>>) target(%arg5 : memref<16x128xi32, #tpu.memory_space<vmem>>) target_semaphore(%run_scoped3A : memref<!tpu.dma_semaphore, #tpu.memory_space<semaphore_mem>>)
      %dma_wait3A = arith.constant 0 : i32
      %dma_wait3A_15 = tpu.memref_slice %arg3[%mul3A_6, %dma_wait3A] : memref<512x128xi32, #tpu.memory_space<hbm>> -> memref<16x128xi32, #tpu.memory_space<hbm>>
      %dma_wait3A_16 = arith.constant 0 : i32
      %dma_wait3A_17 = tpu.memref_slice %arg3[%mul3A_6, %dma_wait3A_16] : memref<512x128xi32, #tpu.memory_space<hbm>> -> memref<16x128xi32, #tpu.memory_space<hbm>>
      tpu.wait_dma2 semaphore(%run_scoped3A : memref<!tpu.dma_semaphore, #tpu.memory_space<semaphore_mem>>) src(%dma_wait3A_17 : memref<16x128xi32, #tpu.memory_space<hbm>>) dst(%arg5 : memref<16x128xi32, #tpu.memory_space<vmem>>)
      tpu.yield
    }) : () -> ()
    %scan3A = arith.constant 0 : i32
    %scan3A_7 = arith.constant 0 : i32
    %scan3A_8 = arith.constant 16 : i32
    %scan3A_9 = arith.addi %scan3A_7, %scan3A_8 : i32
    %scan3A_10 = arith.constant 1 : i32
    scf.for %scan3A_12 = %scan3A_7 to %scan3A_9 step %scan3A_10  : i32 {
      %dma_start3A = arith.constant 0 : i32
      %dma_start3A_13 = tpu.memref_slice %arg5[%scan3A_12, %dma_start3A] : memref<16x128xi32, #tpu.memory_space<vmem>> -> memref<1x128xi32, #tpu.memory_space<vmem>>
      %dma_start3A_14 = tpu.memref_squeeze %dma_start3A_13 : memref<1x128xi32, #tpu.memory_space<vmem>> -> memref<128xi32, #tpu.memory_space<vmem>>
      %dma_start3A_15 = arith.constant 0 : i32
      %dma_start3A_16 = arith.constant 0 : i32
      %dma_start3A_17 = tpu.memref_slice %arg2[%dma_start3A_15, %dma_start3A_16] : memref<16384x128xf32, #tpu.memory_space<hbm>> -> memref<16384x128xf32, #tpu.memory_space<hbm>>
      tpu.enqueue_indirect_dma source(%dma_start3A_17 : memref<16384x128xf32, #tpu.memory_space<hbm>>) target(%arg6 : memref<128x128xf32, #tpu.memory_space<vmem>>) offsets(%dma_start3A_14 : memref<128xi32, #tpu.memory_space<vmem>>) semaphore(%arg7 : memref<!tpu.dma_semaphore, #tpu.memory_space<semaphore_mem>>)
      %dma_wait3A = arith.constant 0 : i32
      %dma_wait3A_18 = tpu.memref_slice %arg5[%scan3A_12, %dma_wait3A] : memref<16x128xi32, #tpu.memory_space<vmem>> -> memref<1x128xi32, #tpu.memory_space<vmem>>
      %dma_wait3A_19 = tpu.memref_squeeze %dma_wait3A_18 : memref<1x128xi32, #tpu.memory_space<vmem>> -> memref<128xi32, #tpu.memory_space<vmem>>
      %dma_wait3A_20 = arith.constant 0 : i32
      %dma_wait3A_21 = arith.constant 0 : i32
      %dma_wait3A_22 = tpu.memref_slice %arg2[%dma_wait3A_20, %dma_wait3A_21] : memref<16384x128xf32, #tpu.memory_space<hbm>> -> memref<16384x128xf32, #tpu.memory_space<hbm>>
      tpu.wait_indirect_dma semaphore(%arg7 : memref<!tpu.dma_semaphore, #tpu.memory_space<semaphore_mem>>) src(%dma_wait3A_22 : memref<16384x128xf32, #tpu.memory_space<hbm>>) dst(%arg6 : memref<128x128xf32, #tpu.memory_space<vmem>>)
      %mul3A_23 = arith.constant 128 : i32
      %mul3A_24 = arith.muli %scan3A_12, %mul3A_23 : i32
      %add3A_25 = arith.addi %mul3A_4, %mul3A_24 : i32
      "tpu.region"() ({
        %run_scoped3A = tpu.sem_alloc : memref<!tpu.dma_semaphore, #tpu.memory_space<semaphore_mem>>
        %dma_start3A_26 = arith.constant 0 : i32
        %dma_start3A_27 = tpu.memref_slice %arg4[%add3A_25, %dma_start3A_26] : memref<65536x128xf32, #tpu.memory_space<hbm>> -> memref<128x128xf32, #tpu.memory_space<hbm>>
        %dma_start3A_28 = arith.constant 0 : i32
        %dma_start3A_29 = tpu.memref_slice %arg4[%add3A_25, %dma_start3A_28] : memref<65536x128xf32, #tpu.memory_space<hbm>> -> memref<128x128xf32, #tpu.memory_space<hbm>>
        tpu.enqueue_dma source(%arg6 : memref<128x128xf32, #tpu.memory_space<vmem>>) target(%dma_start3A_29 : memref<128x128xf32, #tpu.memory_space<hbm>>) target_semaphore(%run_scoped3A : memref<!tpu.dma_semaphore, #tpu.memory_space<semaphore_mem>>)
        %dma_wait3A_30 = arith.constant 0 : i32
        %dma_wait3A_31 = tpu.memref_slice %arg4[%add3A_25, %dma_wait3A_30] : memref<65536x128xf32, #tpu.memory_space<hbm>> -> memref<128x128xf32, #tpu.memory_space<hbm>>
        %dma_wait3A_32 = arith.constant 0 : i32
        %dma_wait3A_33 = tpu.memref_slice %arg4[%add3A_25, %dma_wait3A_32] : memref<65536x128xf32, #tpu.memory_space<hbm>> -> memref<128x128xf32, #tpu.memory_space<hbm>>
        tpu.wait_dma2 semaphore(%run_scoped3A : memref<!tpu.dma_semaphore, #tpu.memory_space<semaphore_mem>>) src(%arg6 : memref<128x128xf32, #tpu.memory_space<vmem>>) dst(%dma_wait3A_33 : memref<128x128xf32, #tpu.memory_space<hbm>>)
        tpu.yield
      }) : () -> ()
    }
    %scan3A_11 = arith.constant 16 : i32
    return
  }
}

module attributes {stable_mosaic.version = 14 : i64} {
  func.func @_topk_body(%arg0: i32, %arg1: i32, %arg2: memref<1x512x3xf32, #tpu.memory_space<vmem>>, %arg3: memref<1x3x2048xf32, #tpu.memory_space<vmem>>, %arg4: memref<1x512x16xi32, #tpu.memory_space<vmem>>) attributes {dimension_semantics = [#tpu.dimension_semantics<arbitrary>, #tpu.dimension_semantics<arbitrary>], iteration_bounds = array<i64: 2, 4>, scalar_prefetch = 0 : i64, scratch_operands = 0 : i64, tpu.core_type = #tpu.core_type<tc>, window_params = [{transform_indices = @transform_0, window_bounds = array<i64: 1, 512, 3>}, {transform_indices = @transform_1, window_bounds = array<i64: 1, 3, 2048>}, {transform_indices = @transform_2, window_bounds = array<i64: 1, 512, 16>}]} {
    %add3A = arith.constant 6 : i32
    %add3A_0 = arith.addi %arg0, %add3A : i32
    %get3A = arith.constant 0 : index
    %get3A_1 = arith.constant 0 : index
    %get3A_2 = arith.constant 0 : index
    %get3A_3 = vector.load %arg2[%get3A, %get3A_1, %get3A_2] : memref<1x512x3xf32, #tpu.memory_space<vmem>>, vector<1x512x3xf32>
    %get3A_4 = vector.shape_cast %get3A_3 : vector<1x512x3xf32> to vector<512x3xf32>
    %get3A_5 = arith.constant 0 : index
    %get3A_6 = arith.constant 0 : index
    %get3A_7 = arith.constant 0 : index
    %get3A_8 = vector.load %arg3[%get3A_5, %get3A_6, %get3A_7] : memref<1x3x2048xf32, #tpu.memory_space<vmem>>, vector<1x3x2048xf32>
    %get3A_9 = vector.shape_cast %get3A_8 : vector<1x3x2048xf32> to vector<3x2048xf32>
    %mul3A = arith.mulf %get3A_4, %get3A_4 : vector<512x3xf32>
    %reduce_sum3A = arith.constant dense<0.000000e+00> : vector<512xf32>
    %reduce_sum3A_10 = vector.multi_reduction <add>, %mul3A, %reduce_sum3A [1] : vector<512x3xf32> to vector<512xf32>
    %broadcast_in_dim3A = vector.shape_cast %reduce_sum3A_10 : vector<512xf32> to vector<512x1xf32>
    %mul3A_11 = arith.mulf %get3A_9, %get3A_9 : vector<3x2048xf32>
    %reduce_sum3A_12 = arith.constant dense<0.000000e+00> : vector<2048xf32>
    %reduce_sum3A_13 = vector.multi_reduction <add>, %mul3A_11, %reduce_sum3A_12 [0] : vector<3x2048xf32> to vector<2048xf32>
    %broadcast_in_dim3A_14 = vector.shape_cast %reduce_sum3A_13 : vector<2048xf32> to vector<1x2048xf32>
    %dot_general3A = arith.constant dense<0.000000e+00> : vector<512x2048xf32>
    %dot_general3A_15 = tpu.matmul %get3A_4, %get3A_9, %dot_general3A {dimension_numbers = #tpu.dot_dimension_numbers<[1], [0], [0], [1], [0, 0, 1, 1], [], []>, transpose_lhs_hint = false} : vector<512x3xf32>, vector<3x2048xf32>, vector<512x2048xf32> -> vector<512x2048xf32>
    %mul3A_16 = arith.constant 2.000000e+00 : f32
    %mul3A_17 = vector.broadcast %mul3A_16 : f32 to vector<512x2048xf32>
    %mul3A_18 = arith.mulf %mul3A_17, %dot_general3A_15 : vector<512x2048xf32>
    %sub3A = vector.broadcast %broadcast_in_dim3A : vector<512x1xf32> to vector<512x2048xf32>
    %sub3A_19 = arith.subf %sub3A, %mul3A_18 : vector<512x2048xf32>
    %add3A_20 = vector.broadcast %broadcast_in_dim3A_14 : vector<1x2048xf32> to vector<512x2048xf32>
    %add3A_21 = arith.addf %sub3A_19, %add3A_20 : vector<512x2048xf32>
    %add3A_22 = arith.constant 6.400000e+01 : f32
    %add3A_23 = vector.broadcast %add3A_22 : f32 to vector<512x2048xf32>
    %add3A_24 = arith.addf %add3A_21, %add3A_23 : vector<512x2048xf32>
    %bitcast_convert_type3A = tpu.bitcast %add3A_24 : vector<512x2048xf32> -> vector<512x2048xi32>
    %sub3A_25 = arith.constant 1115684864 : i32
    %sub3A_26 = vector.broadcast %sub3A_25 : i32 to vector<512x2048xi32>
    %sub3A_27 = arith.subi %bitcast_convert_type3A, %sub3A_26 : vector<512x2048xi32>
    %shift_right_arithmetic3A = arith.constant 2 : i32
    %shift_right_arithmetic3A_28 = vector.broadcast %shift_right_arithmetic3A : i32 to vector<512x2048xi32>
    %shift_right_arithmetic3A_29 = arith.shrsi %sub3A_27, %shift_right_arithmetic3A_28 : vector<512x2048xi32>
    %jit3A = arith.constant -2048 : i32
    %jit3A_30 = arith.constant 1036288 : i32
    %max3A = vector.broadcast %jit3A : i32 to vector<512x2048xi32>
    %max3A_31 = arith.maxsi %max3A, %shift_right_arithmetic3A_29 : vector<512x2048xi32>
    %min3A = vector.broadcast %jit3A_30 : i32 to vector<512x2048xi32>
    %min3A_32 = arith.minsi %min3A, %max3A_31 : vector<512x2048xi32>
    %iota3A = tpu.iota {dimensions = array<i32: 1>} : vector<512x2048xi32>
    %add3A_33 = arith.constant 4096 : i32
    %add3A_34 = vector.broadcast %add3A_33 : i32 to vector<512x2048xi32>
    %add3A_35 = arith.addi %min3A_32, %add3A_34 : vector<512x2048xi32>
    %shift_left3A = arith.constant 11 : i32
    %shift_left3A_36 = vector.broadcast %shift_left3A : i32 to vector<512x2048xi32>
    %shift_left3A_37 = arith.shli %add3A_35, %shift_left3A_36 : vector<512x2048xi32>
    %or3A = arith.ori %shift_left3A_37, %iota3A : vector<512x2048xi32>
    %bitcast_convert_type3A_38 = tpu.bitcast %or3A : vector<512x2048xi32> -> vector<512x2048xf32>
    %reduce_min3A = arith.constant dense<0x7F800000> : vector<512xf32>
    %reduce_min3A_39 = vector.multi_reduction <minimumf>, %bitcast_convert_type3A_38, %reduce_min3A [1] : vector<512x2048xf32> to vector<512xf32>
    %broadcast_in_dim3A_40 = vector.shape_cast %reduce_min3A_39 : vector<512xf32> to vector<512x1xf32>
    %gt3A = vector.broadcast %broadcast_in_dim3A_40 : vector<512x1xf32> to vector<512x2048xf32>
    %gt3A_41 = arith.cmpf ogt, %bitcast_convert_type3A_38, %gt3A : vector<512x2048xf32>
    %jit3A_42 = arith.constant 9.99999968E+37 : f32
    %broadcast_in_dim3A_43 = vector.broadcast %jit3A_42 : f32 to vector<512x2048xf32>
    %select_n3A = arith.select %gt3A_41, %bitcast_convert_type3A_38, %broadcast_in_dim3A_43 : vector<512x2048xi1>, vector<512x2048xf32>
    %reduce_min3A_44 = arith.constant dense<0x7F800000> : vector<512xf32>
    %reduce_min3A_45 = vector.multi_reduction <minimumf>, %select_n3A, %reduce_min3A_44 [1] : vector<512x2048xf32> to vector<512xf32>
    %broadcast_in_dim3A_46 = vector.shape_cast %reduce_min3A_45 : vector<512xf32> to vector<512x1xf32>
    %bitcast_convert_type3A_47 = tpu.bitcast %broadcast_in_dim3A_46 : vector<512x1xf32> -> vector<512x1xi32>
    %and3A = arith.constant 2047 : i32
    %and3A_48 = vector.broadcast %and3A : i32 to vector<512x1xi32>
    %and3A_49 = arith.andi %bitcast_convert_type3A_47, %and3A_48 : vector<512x1xi32>
    %gt3A_50 = vector.broadcast %broadcast_in_dim3A_46 : vector<512x1xf32> to vector<512x2048xf32>
    %gt3A_51 = arith.cmpf ogt, %bitcast_convert_type3A_38, %gt3A_50 : vector<512x2048xf32>
    %jit3A_52 = arith.constant 9.99999968E+37 : f32
    %broadcast_in_dim3A_53 = vector.broadcast %jit3A_52 : f32 to vector<512x2048xf32>
    %select_n3A_54 = arith.select %gt3A_51, %bitcast_convert_type3A_38, %broadcast_in_dim3A_53 : vector<512x2048xi1>, vector<512x2048xf32>
    %reduce_min3A_55 = arith.constant dense<0x7F800000> : vector<512xf32>
    %reduce_min3A_56 = vector.multi_reduction <minimumf>, %select_n3A_54, %reduce_min3A_55 [1] : vector<512x2048xf32> to vector<512xf32>
    %broadcast_in_dim3A_57 = vector.shape_cast %reduce_min3A_56 : vector<512xf32> to vector<512x1xf32>
    %bitcast_convert_type3A_58 = tpu.bitcast %broadcast_in_dim3A_57 : vector<512x1xf32> -> vector<512x1xi32>
    %and3A_59 = arith.constant 2047 : i32
    %and3A_60 = vector.broadcast %and3A_59 : i32 to vector<512x1xi32>
    %and3A_61 = arith.andi %bitcast_convert_type3A_58, %and3A_60 : vector<512x1xi32>
    %gt3A_62 = vector.broadcast %broadcast_in_dim3A_57 : vector<512x1xf32> to vector<512x2048xf32>
    %gt3A_63 = arith.cmpf ogt, %bitcast_convert_type3A_38, %gt3A_62 : vector<512x2048xf32>
    %jit3A_64 = arith.constant 9.99999968E+37 : f32
    %broadcast_in_dim3A_65 = vector.broadcast %jit3A_64 : f32 to vector<512x2048xf32>
    %select_n3A_66 = arith.select %gt3A_63, %bitcast_convert_type3A_38, %broadcast_in_dim3A_65 : vector<512x2048xi1>, vector<512x2048xf32>
    %reduce_min3A_67 = arith.constant dense<0x7F800000> : vector<512xf32>
    %reduce_min3A_68 = vector.multi_reduction <minimumf>, %select_n3A_66, %reduce_min3A_67 [1] : vector<512x2048xf32> to vector<512xf32>
    %broadcast_in_dim3A_69 = vector.shape_cast %reduce_min3A_68 : vector<512xf32> to vector<512x1xf32>
    %bitcast_convert_type3A_70 = tpu.bitcast %broadcast_in_dim3A_69 : vector<512x1xf32> -> vector<512x1xi32>
    %and3A_71 = arith.constant 2047 : i32
    %and3A_72 = vector.broadcast %and3A_71 : i32 to vector<512x1xi32>
    %and3A_73 = arith.andi %bitcast_convert_type3A_70, %and3A_72 : vector<512x1xi32>
    %gt3A_74 = vector.broadcast %broadcast_in_dim3A_69 : vector<512x1xf32> to vector<512x2048xf32>
    %gt3A_75 = arith.cmpf ogt, %bitcast_convert_type3A_38, %gt3A_74 : vector<512x2048xf32>
    %jit3A_76 = arith.constant 9.99999968E+37 : f32
    %broadcast_in_dim3A_77 = vector.broadcast %jit3A_76 : f32 to vector<512x2048xf32>
    %select_n3A_78 = arith.select %gt3A_75, %bitcast_convert_type3A_38, %broadcast_in_dim3A_77 : vector<512x2048xi1>, vector<512x2048xf32>
    %reduce_min3A_79 = arith.constant dense<0x7F800000> : vector<512xf32>
    %reduce_min3A_80 = vector.multi_reduction <minimumf>, %select_n3A_78, %reduce_min3A_79 [1] : vector<512x2048xf32> to vector<512xf32>
    %broadcast_in_dim3A_81 = vector.shape_cast %reduce_min3A_80 : vector<512xf32> to vector<512x1xf32>
    %bitcast_convert_type3A_82 = tpu.bitcast %broadcast_in_dim3A_81 : vector<512x1xf32> -> vector<512x1xi32>
    %and3A_83 = arith.constant 2047 : i32
    %and3A_84 = vector.broadcast %and3A_83 : i32 to vector<512x1xi32>
    %and3A_85 = arith.andi %bitcast_convert_type3A_82, %and3A_84 : vector<512x1xi32>
    %gt3A_86 = vector.broadcast %broadcast_in_dim3A_81 : vector<512x1xf32> to vector<512x2048xf32>
    %gt3A_87 = arith.cmpf ogt, %bitcast_convert_type3A_38, %gt3A_86 : vector<512x2048xf32>
    %jit3A_88 = arith.constant 9.99999968E+37 : f32
    %broadcast_in_dim3A_89 = vector.broadcast %jit3A_88 : f32 to vector<512x2048xf32>
    %select_n3A_90 = arith.select %gt3A_87, %bitcast_convert_type3A_38, %broadcast_in_dim3A_89 : vector<512x2048xi1>, vector<512x2048xf32>
    %reduce_min3A_91 = arith.constant dense<0x7F800000> : vector<512xf32>
    %reduce_min3A_92 = vector.multi_reduction <minimumf>, %select_n3A_90, %reduce_min3A_91 [1] : vector<512x2048xf32> to vector<512xf32>
    %broadcast_in_dim3A_93 = vector.shape_cast %reduce_min3A_92 : vector<512xf32> to vector<512x1xf32>
    %bitcast_convert_type3A_94 = tpu.bitcast %broadcast_in_dim3A_93 : vector<512x1xf32> -> vector<512x1xi32>
    %and3A_95 = arith.constant 2047 : i32
    %and3A_96 = vector.broadcast %and3A_95 : i32 to vector<512x1xi32>
    %and3A_97 = arith.andi %bitcast_convert_type3A_94, %and3A_96 : vector<512x1xi32>
    %gt3A_98 = vector.broadcast %broadcast_in_dim3A_93 : vector<512x1xf32> to vector<512x2048xf32>
    %gt3A_99 = arith.cmpf ogt, %bitcast_convert_type3A_38, %gt3A_98 : vector<512x2048xf32>
    %jit3A_100 = arith.constant 9.99999968E+37 : f32
    %broadcast_in_dim3A_101 = vector.broadcast %jit3A_100 : f32 to vector<512x2048xf32>
    %select_n3A_102 = arith.select %gt3A_99, %bitcast_convert_type3A_38, %broadcast_in_dim3A_101 : vector<512x2048xi1>, vector<512x2048xf32>
    %reduce_min3A_103 = arith.constant dense<0x7F800000> : vector<512xf32>
    %reduce_min3A_104 = vector.multi_reduction <minimumf>, %select_n3A_102, %reduce_min3A_103 [1] : vector<512x2048xf32> to vector<512xf32>
    %broadcast_in_dim3A_105 = vector.shape_cast %reduce_min3A_104 : vector<512xf32> to vector<512x1xf32>
    %bitcast_convert_type3A_106 = tpu.bitcast %broadcast_in_dim3A_105 : vector<512x1xf32> -> vector<512x1xi32>
    %and3A_107 = arith.constant 2047 : i32
    %and3A_108 = vector.broadcast %and3A_107 : i32 to vector<512x1xi32>
    %and3A_109 = arith.andi %bitcast_convert_type3A_106, %and3A_108 : vector<512x1xi32>
    %gt3A_110 = vector.broadcast %broadcast_in_dim3A_105 : vector<512x1xf32> to vector<512x2048xf32>
    %gt3A_111 = arith.cmpf ogt, %bitcast_convert_type3A_38, %gt3A_110 : vector<512x2048xf32>
    %jit3A_112 = arith.constant 9.99999968E+37 : f32
    %broadcast_in_dim3A_113 = vector.broadcast %jit3A_112 : f32 to vector<512x2048xf32>
    %select_n3A_114 = arith.select %gt3A_111, %bitcast_convert_type3A_38, %broadcast_in_dim3A_113 : vector<512x2048xi1>, vector<512x2048xf32>
    %reduce_min3A_115 = arith.constant dense<0x7F800000> : vector<512xf32>
    %reduce_min3A_116 = vector.multi_reduction <minimumf>, %select_n3A_114, %reduce_min3A_115 [1] : vector<512x2048xf32> to vector<512xf32>
    %broadcast_in_dim3A_117 = vector.shape_cast %reduce_min3A_116 : vector<512xf32> to vector<512x1xf32>
    %bitcast_convert_type3A_118 = tpu.bitcast %broadcast_in_dim3A_117 : vector<512x1xf32> -> vector<512x1xi32>
    %and3A_119 = arith.constant 2047 : i32
    %and3A_120 = vector.broadcast %and3A_119 : i32 to vector<512x1xi32>
    %and3A_121 = arith.andi %bitcast_convert_type3A_118, %and3A_120 : vector<512x1xi32>
    %gt3A_122 = vector.broadcast %broadcast_in_dim3A_117 : vector<512x1xf32> to vector<512x2048xf32>
    %gt3A_123 = arith.cmpf ogt, %bitcast_convert_type3A_38, %gt3A_122 : vector<512x2048xf32>
    %jit3A_124 = arith.constant 9.99999968E+37 : f32
    %broadcast_in_dim3A_125 = vector.broadcast %jit3A_124 : f32 to vector<512x2048xf32>
    %select_n3A_126 = arith.select %gt3A_123, %bitcast_convert_type3A_38, %broadcast_in_dim3A_125 : vector<512x2048xi1>, vector<512x2048xf32>
    %reduce_min3A_127 = arith.constant dense<0x7F800000> : vector<512xf32>
    %reduce_min3A_128 = vector.multi_reduction <minimumf>, %select_n3A_126, %reduce_min3A_127 [1] : vector<512x2048xf32> to vector<512xf32>
    %broadcast_in_dim3A_129 = vector.shape_cast %reduce_min3A_128 : vector<512xf32> to vector<512x1xf32>
    %bitcast_convert_type3A_130 = tpu.bitcast %broadcast_in_dim3A_129 : vector<512x1xf32> -> vector<512x1xi32>
    %and3A_131 = arith.constant 2047 : i32
    %and3A_132 = vector.broadcast %and3A_131 : i32 to vector<512x1xi32>
    %and3A_133 = arith.andi %bitcast_convert_type3A_130, %and3A_132 : vector<512x1xi32>
    %gt3A_134 = vector.broadcast %broadcast_in_dim3A_129 : vector<512x1xf32> to vector<512x2048xf32>
    %gt3A_135 = arith.cmpf ogt, %bitcast_convert_type3A_38, %gt3A_134 : vector<512x2048xf32>
    %jit3A_136 = arith.constant 9.99999968E+37 : f32
    %broadcast_in_dim3A_137 = vector.broadcast %jit3A_136 : f32 to vector<512x2048xf32>
    %select_n3A_138 = arith.select %gt3A_135, %bitcast_convert_type3A_38, %broadcast_in_dim3A_137 : vector<512x2048xi1>, vector<512x2048xf32>
    %reduce_min3A_139 = arith.constant dense<0x7F800000> : vector<512xf32>
    %reduce_min3A_140 = vector.multi_reduction <minimumf>, %select_n3A_138, %reduce_min3A_139 [1] : vector<512x2048xf32> to vector<512xf32>
    %broadcast_in_dim3A_141 = vector.shape_cast %reduce_min3A_140 : vector<512xf32> to vector<512x1xf32>
    %bitcast_convert_type3A_142 = tpu.bitcast %broadcast_in_dim3A_141 : vector<512x1xf32> -> vector<512x1xi32>
    %and3A_143 = arith.constant 2047 : i32
    %and3A_144 = vector.broadcast %and3A_143 : i32 to vector<512x1xi32>
    %and3A_145 = arith.andi %bitcast_convert_type3A_142, %and3A_144 : vector<512x1xi32>
    %gt3A_146 = vector.broadcast %broadcast_in_dim3A_141 : vector<512x1xf32> to vector<512x2048xf32>
    %gt3A_147 = arith.cmpf ogt, %bitcast_convert_type3A_38, %gt3A_146 : vector<512x2048xf32>
    %jit3A_148 = arith.constant 9.99999968E+37 : f32
    %broadcast_in_dim3A_149 = vector.broadcast %jit3A_148 : f32 to vector<512x2048xf32>
    %select_n3A_150 = arith.select %gt3A_147, %bitcast_convert_type3A_38, %broadcast_in_dim3A_149 : vector<512x2048xi1>, vector<512x2048xf32>
    %reduce_min3A_151 = arith.constant dense<0x7F800000> : vector<512xf32>
    %reduce_min3A_152 = vector.multi_reduction <minimumf>, %select_n3A_150, %reduce_min3A_151 [1] : vector<512x2048xf32> to vector<512xf32>
    %broadcast_in_dim3A_153 = vector.shape_cast %reduce_min3A_152 : vector<512xf32> to vector<512x1xf32>
    %bitcast_convert_type3A_154 = tpu.bitcast %broadcast_in_dim3A_153 : vector<512x1xf32> -> vector<512x1xi32>
    %and3A_155 = arith.constant 2047 : i32
    %and3A_156 = vector.broadcast %and3A_155 : i32 to vector<512x1xi32>
    %and3A_157 = arith.andi %bitcast_convert_type3A_154, %and3A_156 : vector<512x1xi32>
    %gt3A_158 = vector.broadcast %broadcast_in_dim3A_153 : vector<512x1xf32> to vector<512x2048xf32>
    %gt3A_159 = arith.cmpf ogt, %bitcast_convert_type3A_38, %gt3A_158 : vector<512x2048xf32>
    %jit3A_160 = arith.constant 9.99999968E+37 : f32
    %broadcast_in_dim3A_161 = vector.broadcast %jit3A_160 : f32 to vector<512x2048xf32>
    %select_n3A_162 = arith.select %gt3A_159, %bitcast_convert_type3A_38, %broadcast_in_dim3A_161 : vector<512x2048xi1>, vector<512x2048xf32>
    %reduce_min3A_163 = arith.constant dense<0x7F800000> : vector<512xf32>
    %reduce_min3A_164 = vector.multi_reduction <minimumf>, %select_n3A_162, %reduce_min3A_163 [1] : vector<512x2048xf32> to vector<512xf32>
    %broadcast_in_dim3A_165 = vector.shape_cast %reduce_min3A_164 : vector<512xf32> to vector<512x1xf32>
    %bitcast_convert_type3A_166 = tpu.bitcast %broadcast_in_dim3A_165 : vector<512x1xf32> -> vector<512x1xi32>
    %and3A_167 = arith.constant 2047 : i32
    %and3A_168 = vector.broadcast %and3A_167 : i32 to vector<512x1xi32>
    %and3A_169 = arith.andi %bitcast_convert_type3A_166, %and3A_168 : vector<512x1xi32>
    %gt3A_170 = vector.broadcast %broadcast_in_dim3A_165 : vector<512x1xf32> to vector<512x2048xf32>
    %gt3A_171 = arith.cmpf ogt, %bitcast_convert_type3A_38, %gt3A_170 : vector<512x2048xf32>
    %jit3A_172 = arith.constant 9.99999968E+37 : f32
    %broadcast_in_dim3A_173 = vector.broadcast %jit3A_172 : f32 to vector<512x2048xf32>
    %select_n3A_174 = arith.select %gt3A_171, %bitcast_convert_type3A_38, %broadcast_in_dim3A_173 : vector<512x2048xi1>, vector<512x2048xf32>
    %reduce_min3A_175 = arith.constant dense<0x7F800000> : vector<512xf32>
    %reduce_min3A_176 = vector.multi_reduction <minimumf>, %select_n3A_174, %reduce_min3A_175 [1] : vector<512x2048xf32> to vector<512xf32>
    %broadcast_in_dim3A_177 = vector.shape_cast %reduce_min3A_176 : vector<512xf32> to vector<512x1xf32>
    %bitcast_convert_type3A_178 = tpu.bitcast %broadcast_in_dim3A_177 : vector<512x1xf32> -> vector<512x1xi32>
    %and3A_179 = arith.constant 2047 : i32
    %and3A_180 = vector.broadcast %and3A_179 : i32 to vector<512x1xi32>
    %and3A_181 = arith.andi %bitcast_convert_type3A_178, %and3A_180 : vector<512x1xi32>
    %gt3A_182 = vector.broadcast %broadcast_in_dim3A_177 : vector<512x1xf32> to vector<512x2048xf32>
    %gt3A_183 = arith.cmpf ogt, %bitcast_convert_type3A_38, %gt3A_182 : vector<512x2048xf32>
    %jit3A_184 = arith.constant 9.99999968E+37 : f32
    %broadcast_in_dim3A_185 = vector.broadcast %jit3A_184 : f32 to vector<512x2048xf32>
    %select_n3A_186 = arith.select %gt3A_183, %bitcast_convert_type3A_38, %broadcast_in_dim3A_185 : vector<512x2048xi1>, vector<512x2048xf32>
    %reduce_min3A_187 = arith.constant dense<0x7F800000> : vector<512xf32>
    %reduce_min3A_188 = vector.multi_reduction <minimumf>, %select_n3A_186, %reduce_min3A_187 [1] : vector<512x2048xf32> to vector<512xf32>
    %broadcast_in_dim3A_189 = vector.shape_cast %reduce_min3A_188 : vector<512xf32> to vector<512x1xf32>
    %bitcast_convert_type3A_190 = tpu.bitcast %broadcast_in_dim3A_189 : vector<512x1xf32> -> vector<512x1xi32>
    %and3A_191 = arith.constant 2047 : i32
    %and3A_192 = vector.broadcast %and3A_191 : i32 to vector<512x1xi32>
    %and3A_193 = arith.andi %bitcast_convert_type3A_190, %and3A_192 : vector<512x1xi32>
    %gt3A_194 = vector.broadcast %broadcast_in_dim3A_189 : vector<512x1xf32> to vector<512x2048xf32>
    %gt3A_195 = arith.cmpf ogt, %bitcast_convert_type3A_38, %gt3A_194 : vector<512x2048xf32>
    %jit3A_196 = arith.constant 9.99999968E+37 : f32
    %broadcast_in_dim3A_197 = vector.broadcast %jit3A_196 : f32 to vector<512x2048xf32>
    %select_n3A_198 = arith.select %gt3A_195, %bitcast_convert_type3A_38, %broadcast_in_dim3A_197 : vector<512x2048xi1>, vector<512x2048xf32>
    %reduce_min3A_199 = arith.constant dense<0x7F800000> : vector<512xf32>
    %reduce_min3A_200 = vector.multi_reduction <minimumf>, %select_n3A_198, %reduce_min3A_199 [1] : vector<512x2048xf32> to vector<512xf32>
    %broadcast_in_dim3A_201 = vector.shape_cast %reduce_min3A_200 : vector<512xf32> to vector<512x1xf32>
    %bitcast_convert_type3A_202 = tpu.bitcast %broadcast_in_dim3A_201 : vector<512x1xf32> -> vector<512x1xi32>
    %and3A_203 = arith.constant 2047 : i32
    %and3A_204 = vector.broadcast %and3A_203 : i32 to vector<512x1xi32>
    %and3A_205 = arith.andi %bitcast_convert_type3A_202, %and3A_204 : vector<512x1xi32>
    %gt3A_206 = vector.broadcast %broadcast_in_dim3A_201 : vector<512x1xf32> to vector<512x2048xf32>
    %gt3A_207 = arith.cmpf ogt, %bitcast_convert_type3A_38, %gt3A_206 : vector<512x2048xf32>
    %jit3A_208 = arith.constant 9.99999968E+37 : f32
    %broadcast_in_dim3A_209 = vector.broadcast %jit3A_208 : f32 to vector<512x2048xf32>
    %select_n3A_210 = arith.select %gt3A_207, %bitcast_convert_type3A_38, %broadcast_in_dim3A_209 : vector<512x2048xi1>, vector<512x2048xf32>
    %reduce_min3A_211 = arith.constant dense<0x7F800000> : vector<512xf32>
    %reduce_min3A_212 = vector.multi_reduction <minimumf>, %select_n3A_210, %reduce_min3A_211 [1] : vector<512x2048xf32> to vector<512xf32>
    %broadcast_in_dim3A_213 = vector.shape_cast %reduce_min3A_212 : vector<512xf32> to vector<512x1xf32>
    %bitcast_convert_type3A_214 = tpu.bitcast %broadcast_in_dim3A_213 : vector<512x1xf32> -> vector<512x1xi32>
    %and3A_215 = arith.constant 2047 : i32
    %and3A_216 = vector.broadcast %and3A_215 : i32 to vector<512x1xi32>
    %and3A_217 = arith.andi %bitcast_convert_type3A_214, %and3A_216 : vector<512x1xi32>
    %gt3A_218 = vector.broadcast %broadcast_in_dim3A_213 : vector<512x1xf32> to vector<512x2048xf32>
    %gt3A_219 = arith.cmpf ogt, %bitcast_convert_type3A_38, %gt3A_218 : vector<512x2048xf32>
    %jit3A_220 = arith.constant 9.99999968E+37 : f32
    %broadcast_in_dim3A_221 = vector.broadcast %jit3A_220 : f32 to vector<512x2048xf32>
    %select_n3A_222 = arith.select %gt3A_219, %bitcast_convert_type3A_38, %broadcast_in_dim3A_221 : vector<512x2048xi1>, vector<512x2048xf32>
    %reduce_min3A_223 = arith.constant dense<0x7F800000> : vector<512xf32>
    %reduce_min3A_224 = vector.multi_reduction <minimumf>, %select_n3A_222, %reduce_min3A_223 [1] : vector<512x2048xf32> to vector<512xf32>
    %broadcast_in_dim3A_225 = vector.shape_cast %reduce_min3A_224 : vector<512xf32> to vector<512x1xf32>
    %bitcast_convert_type3A_226 = tpu.bitcast %broadcast_in_dim3A_225 : vector<512x1xf32> -> vector<512x1xi32>
    %and3A_227 = arith.constant 2047 : i32
    %and3A_228 = vector.broadcast %and3A_227 : i32 to vector<512x1xi32>
    %and3A_229 = arith.andi %bitcast_convert_type3A_226, %and3A_228 : vector<512x1xi32>
    %concatenate3A = tpu.concatenate %and3A_49, %and3A_61, %and3A_73, %and3A_85, %and3A_97, %and3A_109, %and3A_121, %and3A_133, %and3A_145, %and3A_157, %and3A_169, %and3A_181, %and3A_193, %and3A_205, %and3A_217, %and3A_229 in 1 : vector<512x1xi32>, vector<512x1xi32>, vector<512x1xi32>, vector<512x1xi32>, vector<512x1xi32>, vector<512x1xi32>, vector<512x1xi32>, vector<512x1xi32>, vector<512x1xi32>, vector<512x1xi32>, vector<512x1xi32>, vector<512x1xi32>, vector<512x1xi32>, vector<512x1xi32>, vector<512x1xi32>, vector<512x1xi32> -> vector<512x16xi32>
    %mul3A_230 = arith.constant 2048 : i32
    %mul3A_231 = arith.muli %add3A_0, %mul3A_230 : i32
    %add3A_232 = vector.broadcast %mul3A_231 : i32 to vector<512x16xi32>
    %add3A_233 = arith.addi %concatenate3A, %add3A_232 : vector<512x16xi32>
    %swap3A = arith.constant 0 : index
    %swap3A_234 = arith.constant 0 : index
    %swap3A_235 = arith.constant 0 : index
    %swap3A_236 = vector.load %arg4[%swap3A, %swap3A_234, %swap3A_235] : memref<1x512x16xi32, #tpu.memory_space<vmem>>, vector<1x512x16xi32>
    %swap3A_237 = vector.shape_cast %swap3A_236 : vector<1x512x16xi32> to vector<512x16xi32>
    %swap3A_238 = vector.shape_cast %add3A_233 : vector<512x16xi32> to vector<1x512x16xi32>
    tpu.vector_store %arg4[%swap3A, %swap3A_234, %swap3A_235], %swap3A_238 {strides = array<i32>} : memref<1x512x16xi32, #tpu.memory_space<vmem>>, vector<1x512x16xi32>,
    return
  }
  func.func @transform_0(%arg0: i32, %arg1: i32) -> (i32, i32, i32) {
    %add3A = arith.constant 6 : i32
    %add3A_0 = arith.addi %arg0, %add3A : i32
    %c0_i32 = arith.constant 0 : i32
    %c0_i32_1 = arith.constant 0 : i32
    return %add3A_0, %arg1, %c0_i32 : i32, i32, i32
  }
  func.func @transform_1(%arg0: i32, %arg1: i32) -> (i32, i32, i32) {
    %add3A = arith.constant 6 : i32
    %add3A_0 = arith.addi %arg0, %add3A : i32
    %c0_i32 = arith.constant 0 : i32
    %c0_i32_1 = arith.constant 0 : i32
    %c0_i32_2 = arith.constant 0 : i32
    return %add3A_0, %c0_i32, %c0_i32_1 : i32, i32, i32
  }
  func.func @transform_2(%arg0: i32, %arg1: i32) -> (i32, i32, i32) {
    %c0_i32 = arith.constant 0 : i32
    %c0_i32_0 = arith.constant 0 : i32
    return %arg0, %arg1, %c0_i32 : i32, i32, i32
  }
}

module attributes {stable_mosaic.version = 14 : i64} {
  func.func @_topk_body(%arg0: i32, %arg1: i32, %arg2: memref<1x512x3xf32, #tpu.memory_space<vmem>>, %arg3: memref<1x3x2048xf32, #tpu.memory_space<vmem>>, %arg4: memref<1x512x16xi32, #tpu.memory_space<vmem>>) attributes {dimension_semantics = [#tpu.dimension_semantics<arbitrary>, #tpu.dimension_semantics<arbitrary>], iteration_bounds = array<i64: 2, 4>, scalar_prefetch = 0 : i64, scratch_operands = 0 : i64, tpu.core_type = #tpu.core_type<tc>, window_params = [{transform_indices = @transform_0, window_bounds = array<i64: 1, 512, 3>}, {transform_indices = @transform_1, window_bounds = array<i64: 1, 3, 2048>}, {transform_indices = @transform_2, window_bounds = array<i64: 1, 512, 16>}]} {
    %add3A = arith.constant 4 : i32
    %add3A_0 = arith.addi %arg0, %add3A : i32
    %get3A = arith.constant 0 : index
    %get3A_1 = arith.constant 0 : index
    %get3A_2 = arith.constant 0 : index
    %get3A_3 = vector.load %arg2[%get3A, %get3A_1, %get3A_2] : memref<1x512x3xf32, #tpu.memory_space<vmem>>, vector<1x512x3xf32>
    %get3A_4 = vector.shape_cast %get3A_3 : vector<1x512x3xf32> to vector<512x3xf32>
    %get3A_5 = arith.constant 0 : index
    %get3A_6 = arith.constant 0 : index
    %get3A_7 = arith.constant 0 : index
    %get3A_8 = vector.load %arg3[%get3A_5, %get3A_6, %get3A_7] : memref<1x3x2048xf32, #tpu.memory_space<vmem>>, vector<1x3x2048xf32>
    %get3A_9 = vector.shape_cast %get3A_8 : vector<1x3x2048xf32> to vector<3x2048xf32>
    %mul3A = arith.mulf %get3A_4, %get3A_4 : vector<512x3xf32>
    %reduce_sum3A = arith.constant dense<0.000000e+00> : vector<512xf32>
    %reduce_sum3A_10 = vector.multi_reduction <add>, %mul3A, %reduce_sum3A [1] : vector<512x3xf32> to vector<512xf32>
    %broadcast_in_dim3A = vector.shape_cast %reduce_sum3A_10 : vector<512xf32> to vector<512x1xf32>
    %mul3A_11 = arith.mulf %get3A_9, %get3A_9 : vector<3x2048xf32>
    %reduce_sum3A_12 = arith.constant dense<0.000000e+00> : vector<2048xf32>
    %reduce_sum3A_13 = vector.multi_reduction <add>, %mul3A_11, %reduce_sum3A_12 [0] : vector<3x2048xf32> to vector<2048xf32>
    %broadcast_in_dim3A_14 = vector.shape_cast %reduce_sum3A_13 : vector<2048xf32> to vector<1x2048xf32>
    %dot_general3A = arith.constant dense<0.000000e+00> : vector<512x2048xf32>
    %dot_general3A_15 = tpu.matmul %get3A_4, %get3A_9, %dot_general3A {dimension_numbers = #tpu.dot_dimension_numbers<[1], [0], [0], [1], [0, 0, 1, 1], [], []>, transpose_lhs_hint = false} : vector<512x3xf32>, vector<3x2048xf32>, vector<512x2048xf32> -> vector<512x2048xf32>
    %mul3A_16 = arith.constant 2.000000e+00 : f32
    %mul3A_17 = vector.broadcast %mul3A_16 : f32 to vector<512x2048xf32>
    %mul3A_18 = arith.mulf %mul3A_17, %dot_general3A_15 : vector<512x2048xf32>
    %sub3A = vector.broadcast %broadcast_in_dim3A : vector<512x1xf32> to vector<512x2048xf32>
    %sub3A_19 = arith.subf %sub3A, %mul3A_18 : vector<512x2048xf32>
    %add3A_20 = vector.broadcast %broadcast_in_dim3A_14 : vector<1x2048xf32> to vector<512x2048xf32>
    %add3A_21 = arith.addf %sub3A_19, %add3A_20 : vector<512x2048xf32>
    %add3A_22 = arith.constant 6.400000e+01 : f32
    %add3A_23 = vector.broadcast %add3A_22 : f32 to vector<512x2048xf32>
    %add3A_24 = arith.addf %add3A_21, %add3A_23 : vector<512x2048xf32>
    %bitcast_convert_type3A = tpu.bitcast %add3A_24 : vector<512x2048xf32> -> vector<512x2048xi32>
    %sub3A_25 = arith.constant 1115684864 : i32
    %sub3A_26 = vector.broadcast %sub3A_25 : i32 to vector<512x2048xi32>
    %sub3A_27 = arith.subi %bitcast_convert_type3A, %sub3A_26 : vector<512x2048xi32>
    %shift_right_arithmetic3A = arith.constant 2 : i32
    %shift_right_arithmetic3A_28 = vector.broadcast %shift_right_arithmetic3A : i32 to vector<512x2048xi32>
    %shift_right_arithmetic3A_29 = arith.shrsi %sub3A_27, %shift_right_arithmetic3A_28 : vector<512x2048xi32>
    %jit3A = arith.constant -2048 : i32
    %jit3A_30 = arith.constant 1036288 : i32
    %max3A = vector.broadcast %jit3A : i32 to vector<512x2048xi32>
    %max3A_31 = arith.maxsi %max3A, %shift_right_arithmetic3A_29 : vector<512x2048xi32>
    %min3A = vector.broadcast %jit3A_30 : i32 to vector<512x2048xi32>
    %min3A_32 = arith.minsi %min3A, %max3A_31 : vector<512x2048xi32>
    %iota3A = tpu.iota {dimensions = array<i32: 1>} : vector<512x2048xi32>
    %add3A_33 = arith.constant 4096 : i32
    %add3A_34 = vector.broadcast %add3A_33 : i32 to vector<512x2048xi32>
    %add3A_35 = arith.addi %min3A_32, %add3A_34 : vector<512x2048xi32>
    %shift_left3A = arith.constant 11 : i32
    %shift_left3A_36 = vector.broadcast %shift_left3A : i32 to vector<512x2048xi32>
    %shift_left3A_37 = arith.shli %add3A_35, %shift_left3A_36 : vector<512x2048xi32>
    %or3A = arith.ori %shift_left3A_37, %iota3A : vector<512x2048xi32>
    %bitcast_convert_type3A_38 = tpu.bitcast %or3A : vector<512x2048xi32> -> vector<512x2048xf32>
    %reduce_min3A = arith.constant dense<0x7F800000> : vector<512xf32>
    %reduce_min3A_39 = vector.multi_reduction <minimumf>, %bitcast_convert_type3A_38, %reduce_min3A [1] : vector<512x2048xf32> to vector<512xf32>
    %broadcast_in_dim3A_40 = vector.shape_cast %reduce_min3A_39 : vector<512xf32> to vector<512x1xf32>
    %gt3A = vector.broadcast %broadcast_in_dim3A_40 : vector<512x1xf32> to vector<512x2048xf32>
    %gt3A_41 = arith.cmpf ogt, %bitcast_convert_type3A_38, %gt3A : vector<512x2048xf32>
    %jit3A_42 = arith.constant 9.99999968E+37 : f32
    %broadcast_in_dim3A_43 = vector.broadcast %jit3A_42 : f32 to vector<512x2048xf32>
    %select_n3A = arith.select %gt3A_41, %bitcast_convert_type3A_38, %broadcast_in_dim3A_43 : vector<512x2048xi1>, vector<512x2048xf32>
    %reduce_min3A_44 = arith.constant dense<0x7F800000> : vector<512xf32>
    %reduce_min3A_45 = vector.multi_reduction <minimumf>, %select_n3A, %reduce_min3A_44 [1] : vector<512x2048xf32> to vector<512xf32>
    %broadcast_in_dim3A_46 = vector.shape_cast %reduce_min3A_45 : vector<512xf32> to vector<512x1xf32>
    %bitcast_convert_type3A_47 = tpu.bitcast %broadcast_in_dim3A_46 : vector<512x1xf32> -> vector<512x1xi32>
    %and3A = arith.constant 2047 : i32
    %and3A_48 = vector.broadcast %and3A : i32 to vector<512x1xi32>
    %and3A_49 = arith.andi %bitcast_convert_type3A_47, %and3A_48 : vector<512x1xi32>
    %gt3A_50 = vector.broadcast %broadcast_in_dim3A_46 : vector<512x1xf32> to vector<512x2048xf32>
    %gt3A_51 = arith.cmpf ogt, %bitcast_convert_type3A_38, %gt3A_50 : vector<512x2048xf32>
    %jit3A_52 = arith.constant 9.99999968E+37 : f32
    %broadcast_in_dim3A_53 = vector.broadcast %jit3A_52 : f32 to vector<512x2048xf32>
    %select_n3A_54 = arith.select %gt3A_51, %bitcast_convert_type3A_38, %broadcast_in_dim3A_53 : vector<512x2048xi1>, vector<512x2048xf32>
    %reduce_min3A_55 = arith.constant dense<0x7F800000> : vector<512xf32>
    %reduce_min3A_56 = vector.multi_reduction <minimumf>, %select_n3A_54, %reduce_min3A_55 [1] : vector<512x2048xf32> to vector<512xf32>
    %broadcast_in_dim3A_57 = vector.shape_cast %reduce_min3A_56 : vector<512xf32> to vector<512x1xf32>
    %bitcast_convert_type3A_58 = tpu.bitcast %broadcast_in_dim3A_57 : vector<512x1xf32> -> vector<512x1xi32>
    %and3A_59 = arith.constant 2047 : i32
    %and3A_60 = vector.broadcast %and3A_59 : i32 to vector<512x1xi32>
    %and3A_61 = arith.andi %bitcast_convert_type3A_58, %and3A_60 : vector<512x1xi32>
    %gt3A_62 = vector.broadcast %broadcast_in_dim3A_57 : vector<512x1xf32> to vector<512x2048xf32>
    %gt3A_63 = arith.cmpf ogt, %bitcast_convert_type3A_38, %gt3A_62 : vector<512x2048xf32>
    %jit3A_64 = arith.constant 9.99999968E+37 : f32
    %broadcast_in_dim3A_65 = vector.broadcast %jit3A_64 : f32 to vector<512x2048xf32>
    %select_n3A_66 = arith.select %gt3A_63, %bitcast_convert_type3A_38, %broadcast_in_dim3A_65 : vector<512x2048xi1>, vector<512x2048xf32>
    %reduce_min3A_67 = arith.constant dense<0x7F800000> : vector<512xf32>
    %reduce_min3A_68 = vector.multi_reduction <minimumf>, %select_n3A_66, %reduce_min3A_67 [1] : vector<512x2048xf32> to vector<512xf32>
    %broadcast_in_dim3A_69 = vector.shape_cast %reduce_min3A_68 : vector<512xf32> to vector<512x1xf32>
    %bitcast_convert_type3A_70 = tpu.bitcast %broadcast_in_dim3A_69 : vector<512x1xf32> -> vector<512x1xi32>
    %and3A_71 = arith.constant 2047 : i32
    %and3A_72 = vector.broadcast %and3A_71 : i32 to vector<512x1xi32>
    %and3A_73 = arith.andi %bitcast_convert_type3A_70, %and3A_72 : vector<512x1xi32>
    %gt3A_74 = vector.broadcast %broadcast_in_dim3A_69 : vector<512x1xf32> to vector<512x2048xf32>
    %gt3A_75 = arith.cmpf ogt, %bitcast_convert_type3A_38, %gt3A_74 : vector<512x2048xf32>
    %jit3A_76 = arith.constant 9.99999968E+37 : f32
    %broadcast_in_dim3A_77 = vector.broadcast %jit3A_76 : f32 to vector<512x2048xf32>
    %select_n3A_78 = arith.select %gt3A_75, %bitcast_convert_type3A_38, %broadcast_in_dim3A_77 : vector<512x2048xi1>, vector<512x2048xf32>
    %reduce_min3A_79 = arith.constant dense<0x7F800000> : vector<512xf32>
    %reduce_min3A_80 = vector.multi_reduction <minimumf>, %select_n3A_78, %reduce_min3A_79 [1] : vector<512x2048xf32> to vector<512xf32>
    %broadcast_in_dim3A_81 = vector.shape_cast %reduce_min3A_80 : vector<512xf32> to vector<512x1xf32>
    %bitcast_convert_type3A_82 = tpu.bitcast %broadcast_in_dim3A_81 : vector<512x1xf32> -> vector<512x1xi32>
    %and3A_83 = arith.constant 2047 : i32
    %and3A_84 = vector.broadcast %and3A_83 : i32 to vector<512x1xi32>
    %and3A_85 = arith.andi %bitcast_convert_type3A_82, %and3A_84 : vector<512x1xi32>
    %gt3A_86 = vector.broadcast %broadcast_in_dim3A_81 : vector<512x1xf32> to vector<512x2048xf32>
    %gt3A_87 = arith.cmpf ogt, %bitcast_convert_type3A_38, %gt3A_86 : vector<512x2048xf32>
    %jit3A_88 = arith.constant 9.99999968E+37 : f32
    %broadcast_in_dim3A_89 = vector.broadcast %jit3A_88 : f32 to vector<512x2048xf32>
    %select_n3A_90 = arith.select %gt3A_87, %bitcast_convert_type3A_38, %broadcast_in_dim3A_89 : vector<512x2048xi1>, vector<512x2048xf32>
    %reduce_min3A_91 = arith.constant dense<0x7F800000> : vector<512xf32>
    %reduce_min3A_92 = vector.multi_reduction <minimumf>, %select_n3A_90, %reduce_min3A_91 [1] : vector<512x2048xf32> to vector<512xf32>
    %broadcast_in_dim3A_93 = vector.shape_cast %reduce_min3A_92 : vector<512xf32> to vector<512x1xf32>
    %bitcast_convert_type3A_94 = tpu.bitcast %broadcast_in_dim3A_93 : vector<512x1xf32> -> vector<512x1xi32>
    %and3A_95 = arith.constant 2047 : i32
    %and3A_96 = vector.broadcast %and3A_95 : i32 to vector<512x1xi32>
    %and3A_97 = arith.andi %bitcast_convert_type3A_94, %and3A_96 : vector<512x1xi32>
    %gt3A_98 = vector.broadcast %broadcast_in_dim3A_93 : vector<512x1xf32> to vector<512x2048xf32>
    %gt3A_99 = arith.cmpf ogt, %bitcast_convert_type3A_38, %gt3A_98 : vector<512x2048xf32>
    %jit3A_100 = arith.constant 9.99999968E+37 : f32
    %broadcast_in_dim3A_101 = vector.broadcast %jit3A_100 : f32 to vector<512x2048xf32>
    %select_n3A_102 = arith.select %gt3A_99, %bitcast_convert_type3A_38, %broadcast_in_dim3A_101 : vector<512x2048xi1>, vector<512x2048xf32>
    %reduce_min3A_103 = arith.constant dense<0x7F800000> : vector<512xf32>
    %reduce_min3A_104 = vector.multi_reduction <minimumf>, %select_n3A_102, %reduce_min3A_103 [1] : vector<512x2048xf32> to vector<512xf32>
    %broadcast_in_dim3A_105 = vector.shape_cast %reduce_min3A_104 : vector<512xf32> to vector<512x1xf32>
    %bitcast_convert_type3A_106 = tpu.bitcast %broadcast_in_dim3A_105 : vector<512x1xf32> -> vector<512x1xi32>
    %and3A_107 = arith.constant 2047 : i32
    %and3A_108 = vector.broadcast %and3A_107 : i32 to vector<512x1xi32>
    %and3A_109 = arith.andi %bitcast_convert_type3A_106, %and3A_108 : vector<512x1xi32>
    %gt3A_110 = vector.broadcast %broadcast_in_dim3A_105 : vector<512x1xf32> to vector<512x2048xf32>
    %gt3A_111 = arith.cmpf ogt, %bitcast_convert_type3A_38, %gt3A_110 : vector<512x2048xf32>
    %jit3A_112 = arith.constant 9.99999968E+37 : f32
    %broadcast_in_dim3A_113 = vector.broadcast %jit3A_112 : f32 to vector<512x2048xf32>
    %select_n3A_114 = arith.select %gt3A_111, %bitcast_convert_type3A_38, %broadcast_in_dim3A_113 : vector<512x2048xi1>, vector<512x2048xf32>
    %reduce_min3A_115 = arith.constant dense<0x7F800000> : vector<512xf32>
    %reduce_min3A_116 = vector.multi_reduction <minimumf>, %select_n3A_114, %reduce_min3A_115 [1] : vector<512x2048xf32> to vector<512xf32>
    %broadcast_in_dim3A_117 = vector.shape_cast %reduce_min3A_116 : vector<512xf32> to vector<512x1xf32>
    %bitcast_convert_type3A_118 = tpu.bitcast %broadcast_in_dim3A_117 : vector<512x1xf32> -> vector<512x1xi32>
    %and3A_119 = arith.constant 2047 : i32
    %and3A_120 = vector.broadcast %and3A_119 : i32 to vector<512x1xi32>
    %and3A_121 = arith.andi %bitcast_convert_type3A_118, %and3A_120 : vector<512x1xi32>
    %gt3A_122 = vector.broadcast %broadcast_in_dim3A_117 : vector<512x1xf32> to vector<512x2048xf32>
    %gt3A_123 = arith.cmpf ogt, %bitcast_convert_type3A_38, %gt3A_122 : vector<512x2048xf32>
    %jit3A_124 = arith.constant 9.99999968E+37 : f32
    %broadcast_in_dim3A_125 = vector.broadcast %jit3A_124 : f32 to vector<512x2048xf32>
    %select_n3A_126 = arith.select %gt3A_123, %bitcast_convert_type3A_38, %broadcast_in_dim3A_125 : vector<512x2048xi1>, vector<512x2048xf32>
    %reduce_min3A_127 = arith.constant dense<0x7F800000> : vector<512xf32>
    %reduce_min3A_128 = vector.multi_reduction <minimumf>, %select_n3A_126, %reduce_min3A_127 [1] : vector<512x2048xf32> to vector<512xf32>
    %broadcast_in_dim3A_129 = vector.shape_cast %reduce_min3A_128 : vector<512xf32> to vector<512x1xf32>
    %bitcast_convert_type3A_130 = tpu.bitcast %broadcast_in_dim3A_129 : vector<512x1xf32> -> vector<512x1xi32>
    %and3A_131 = arith.constant 2047 : i32
    %and3A_132 = vector.broadcast %and3A_131 : i32 to vector<512x1xi32>
    %and3A_133 = arith.andi %bitcast_convert_type3A_130, %and3A_132 : vector<512x1xi32>
    %gt3A_134 = vector.broadcast %broadcast_in_dim3A_129 : vector<512x1xf32> to vector<512x2048xf32>
    %gt3A_135 = arith.cmpf ogt, %bitcast_convert_type3A_38, %gt3A_134 : vector<512x2048xf32>
    %jit3A_136 = arith.constant 9.99999968E+37 : f32
    %broadcast_in_dim3A_137 = vector.broadcast %jit3A_136 : f32 to vector<512x2048xf32>
    %select_n3A_138 = arith.select %gt3A_135, %bitcast_convert_type3A_38, %broadcast_in_dim3A_137 : vector<512x2048xi1>, vector<512x2048xf32>
    %reduce_min3A_139 = arith.constant dense<0x7F800000> : vector<512xf32>
    %reduce_min3A_140 = vector.multi_reduction <minimumf>, %select_n3A_138, %reduce_min3A_139 [1] : vector<512x2048xf32> to vector<512xf32>
    %broadcast_in_dim3A_141 = vector.shape_cast %reduce_min3A_140 : vector<512xf32> to vector<512x1xf32>
    %bitcast_convert_type3A_142 = tpu.bitcast %broadcast_in_dim3A_141 : vector<512x1xf32> -> vector<512x1xi32>
    %and3A_143 = arith.constant 2047 : i32
    %and3A_144 = vector.broadcast %and3A_143 : i32 to vector<512x1xi32>
    %and3A_145 = arith.andi %bitcast_convert_type3A_142, %and3A_144 : vector<512x1xi32>
    %gt3A_146 = vector.broadcast %broadcast_in_dim3A_141 : vector<512x1xf32> to vector<512x2048xf32>
    %gt3A_147 = arith.cmpf ogt, %bitcast_convert_type3A_38, %gt3A_146 : vector<512x2048xf32>
    %jit3A_148 = arith.constant 9.99999968E+37 : f32
    %broadcast_in_dim3A_149 = vector.broadcast %jit3A_148 : f32 to vector<512x2048xf32>
    %select_n3A_150 = arith.select %gt3A_147, %bitcast_convert_type3A_38, %broadcast_in_dim3A_149 : vector<512x2048xi1>, vector<512x2048xf32>
    %reduce_min3A_151 = arith.constant dense<0x7F800000> : vector<512xf32>
    %reduce_min3A_152 = vector.multi_reduction <minimumf>, %select_n3A_150, %reduce_min3A_151 [1] : vector<512x2048xf32> to vector<512xf32>
    %broadcast_in_dim3A_153 = vector.shape_cast %reduce_min3A_152 : vector<512xf32> to vector<512x1xf32>
    %bitcast_convert_type3A_154 = tpu.bitcast %broadcast_in_dim3A_153 : vector<512x1xf32> -> vector<512x1xi32>
    %and3A_155 = arith.constant 2047 : i32
    %and3A_156 = vector.broadcast %and3A_155 : i32 to vector<512x1xi32>
    %and3A_157 = arith.andi %bitcast_convert_type3A_154, %and3A_156 : vector<512x1xi32>
    %gt3A_158 = vector.broadcast %broadcast_in_dim3A_153 : vector<512x1xf32> to vector<512x2048xf32>
    %gt3A_159 = arith.cmpf ogt, %bitcast_convert_type3A_38, %gt3A_158 : vector<512x2048xf32>
    %jit3A_160 = arith.constant 9.99999968E+37 : f32
    %broadcast_in_dim3A_161 = vector.broadcast %jit3A_160 : f32 to vector<512x2048xf32>
    %select_n3A_162 = arith.select %gt3A_159, %bitcast_convert_type3A_38, %broadcast_in_dim3A_161 : vector<512x2048xi1>, vector<512x2048xf32>
    %reduce_min3A_163 = arith.constant dense<0x7F800000> : vector<512xf32>
    %reduce_min3A_164 = vector.multi_reduction <minimumf>, %select_n3A_162, %reduce_min3A_163 [1] : vector<512x2048xf32> to vector<512xf32>
    %broadcast_in_dim3A_165 = vector.shape_cast %reduce_min3A_164 : vector<512xf32> to vector<512x1xf32>
    %bitcast_convert_type3A_166 = tpu.bitcast %broadcast_in_dim3A_165 : vector<512x1xf32> -> vector<512x1xi32>
    %and3A_167 = arith.constant 2047 : i32
    %and3A_168 = vector.broadcast %and3A_167 : i32 to vector<512x1xi32>
    %and3A_169 = arith.andi %bitcast_convert_type3A_166, %and3A_168 : vector<512x1xi32>
    %gt3A_170 = vector.broadcast %broadcast_in_dim3A_165 : vector<512x1xf32> to vector<512x2048xf32>
    %gt3A_171 = arith.cmpf ogt, %bitcast_convert_type3A_38, %gt3A_170 : vector<512x2048xf32>
    %jit3A_172 = arith.constant 9.99999968E+37 : f32
    %broadcast_in_dim3A_173 = vector.broadcast %jit3A_172 : f32 to vector<512x2048xf32>
    %select_n3A_174 = arith.select %gt3A_171, %bitcast_convert_type3A_38, %broadcast_in_dim3A_173 : vector<512x2048xi1>, vector<512x2048xf32>
    %reduce_min3A_175 = arith.constant dense<0x7F800000> : vector<512xf32>
    %reduce_min3A_176 = vector.multi_reduction <minimumf>, %select_n3A_174, %reduce_min3A_175 [1] : vector<512x2048xf32> to vector<512xf32>
    %broadcast_in_dim3A_177 = vector.shape_cast %reduce_min3A_176 : vector<512xf32> to vector<512x1xf32>
    %bitcast_convert_type3A_178 = tpu.bitcast %broadcast_in_dim3A_177 : vector<512x1xf32> -> vector<512x1xi32>
    %and3A_179 = arith.constant 2047 : i32
    %and3A_180 = vector.broadcast %and3A_179 : i32 to vector<512x1xi32>
    %and3A_181 = arith.andi %bitcast_convert_type3A_178, %and3A_180 : vector<512x1xi32>
    %gt3A_182 = vector.broadcast %broadcast_in_dim3A_177 : vector<512x1xf32> to vector<512x2048xf32>
    %gt3A_183 = arith.cmpf ogt, %bitcast_convert_type3A_38, %gt3A_182 : vector<512x2048xf32>
    %jit3A_184 = arith.constant 9.99999968E+37 : f32
    %broadcast_in_dim3A_185 = vector.broadcast %jit3A_184 : f32 to vector<512x2048xf32>
    %select_n3A_186 = arith.select %gt3A_183, %bitcast_convert_type3A_38, %broadcast_in_dim3A_185 : vector<512x2048xi1>, vector<512x2048xf32>
    %reduce_min3A_187 = arith.constant dense<0x7F800000> : vector<512xf32>
    %reduce_min3A_188 = vector.multi_reduction <minimumf>, %select_n3A_186, %reduce_min3A_187 [1] : vector<512x2048xf32> to vector<512xf32>
    %broadcast_in_dim3A_189 = vector.shape_cast %reduce_min3A_188 : vector<512xf32> to vector<512x1xf32>
    %bitcast_convert_type3A_190 = tpu.bitcast %broadcast_in_dim3A_189 : vector<512x1xf32> -> vector<512x1xi32>
    %and3A_191 = arith.constant 2047 : i32
    %and3A_192 = vector.broadcast %and3A_191 : i32 to vector<512x1xi32>
    %and3A_193 = arith.andi %bitcast_convert_type3A_190, %and3A_192 : vector<512x1xi32>
    %gt3A_194 = vector.broadcast %broadcast_in_dim3A_189 : vector<512x1xf32> to vector<512x2048xf32>
    %gt3A_195 = arith.cmpf ogt, %bitcast_convert_type3A_38, %gt3A_194 : vector<512x2048xf32>
    %jit3A_196 = arith.constant 9.99999968E+37 : f32
    %broadcast_in_dim3A_197 = vector.broadcast %jit3A_196 : f32 to vector<512x2048xf32>
    %select_n3A_198 = arith.select %gt3A_195, %bitcast_convert_type3A_38, %broadcast_in_dim3A_197 : vector<512x2048xi1>, vector<512x2048xf32>
    %reduce_min3A_199 = arith.constant dense<0x7F800000> : vector<512xf32>
    %reduce_min3A_200 = vector.multi_reduction <minimumf>, %select_n3A_198, %reduce_min3A_199 [1] : vector<512x2048xf32> to vector<512xf32>
    %broadcast_in_dim3A_201 = vector.shape_cast %reduce_min3A_200 : vector<512xf32> to vector<512x1xf32>
    %bitcast_convert_type3A_202 = tpu.bitcast %broadcast_in_dim3A_201 : vector<512x1xf32> -> vector<512x1xi32>
    %and3A_203 = arith.constant 2047 : i32
    %and3A_204 = vector.broadcast %and3A_203 : i32 to vector<512x1xi32>
    %and3A_205 = arith.andi %bitcast_convert_type3A_202, %and3A_204 : vector<512x1xi32>
    %gt3A_206 = vector.broadcast %broadcast_in_dim3A_201 : vector<512x1xf32> to vector<512x2048xf32>
    %gt3A_207 = arith.cmpf ogt, %bitcast_convert_type3A_38, %gt3A_206 : vector<512x2048xf32>
    %jit3A_208 = arith.constant 9.99999968E+37 : f32
    %broadcast_in_dim3A_209 = vector.broadcast %jit3A_208 : f32 to vector<512x2048xf32>
    %select_n3A_210 = arith.select %gt3A_207, %bitcast_convert_type3A_38, %broadcast_in_dim3A_209 : vector<512x2048xi1>, vector<512x2048xf32>
    %reduce_min3A_211 = arith.constant dense<0x7F800000> : vector<512xf32>
    %reduce_min3A_212 = vector.multi_reduction <minimumf>, %select_n3A_210, %reduce_min3A_211 [1] : vector<512x2048xf32> to vector<512xf32>
    %broadcast_in_dim3A_213 = vector.shape_cast %reduce_min3A_212 : vector<512xf32> to vector<512x1xf32>
    %bitcast_convert_type3A_214 = tpu.bitcast %broadcast_in_dim3A_213 : vector<512x1xf32> -> vector<512x1xi32>
    %and3A_215 = arith.constant 2047 : i32
    %and3A_216 = vector.broadcast %and3A_215 : i32 to vector<512x1xi32>
    %and3A_217 = arith.andi %bitcast_convert_type3A_214, %and3A_216 : vector<512x1xi32>
    %gt3A_218 = vector.broadcast %broadcast_in_dim3A_213 : vector<512x1xf32> to vector<512x2048xf32>
    %gt3A_219 = arith.cmpf ogt, %bitcast_convert_type3A_38, %gt3A_218 : vector<512x2048xf32>
    %jit3A_220 = arith.constant 9.99999968E+37 : f32
    %broadcast_in_dim3A_221 = vector.broadcast %jit3A_220 : f32 to vector<512x2048xf32>
    %select_n3A_222 = arith.select %gt3A_219, %bitcast_convert_type3A_38, %broadcast_in_dim3A_221 : vector<512x2048xi1>, vector<512x2048xf32>
    %reduce_min3A_223 = arith.constant dense<0x7F800000> : vector<512xf32>
    %reduce_min3A_224 = vector.multi_reduction <minimumf>, %select_n3A_222, %reduce_min3A_223 [1] : vector<512x2048xf32> to vector<512xf32>
    %broadcast_in_dim3A_225 = vector.shape_cast %reduce_min3A_224 : vector<512xf32> to vector<512x1xf32>
    %bitcast_convert_type3A_226 = tpu.bitcast %broadcast_in_dim3A_225 : vector<512x1xf32> -> vector<512x1xi32>
    %and3A_227 = arith.constant 2047 : i32
    %and3A_228 = vector.broadcast %and3A_227 : i32 to vector<512x1xi32>
    %and3A_229 = arith.andi %bitcast_convert_type3A_226, %and3A_228 : vector<512x1xi32>
    %concatenate3A = tpu.concatenate %and3A_49, %and3A_61, %and3A_73, %and3A_85, %and3A_97, %and3A_109, %and3A_121, %and3A_133, %and3A_145, %and3A_157, %and3A_169, %and3A_181, %and3A_193, %and3A_205, %and3A_217, %and3A_229 in 1 : vector<512x1xi32>, vector<512x1xi32>, vector<512x1xi32>, vector<512x1xi32>, vector<512x1xi32>, vector<512x1xi32>, vector<512x1xi32>, vector<512x1xi32>, vector<512x1xi32>, vector<512x1xi32>, vector<512x1xi32>, vector<512x1xi32>, vector<512x1xi32>, vector<512x1xi32>, vector<512x1xi32>, vector<512x1xi32> -> vector<512x16xi32>
    %mul3A_230 = arith.constant 2048 : i32
    %mul3A_231 = arith.muli %add3A_0, %mul3A_230 : i32
    %add3A_232 = vector.broadcast %mul3A_231 : i32 to vector<512x16xi32>
    %add3A_233 = arith.addi %concatenate3A, %add3A_232 : vector<512x16xi32>
    %swap3A = arith.constant 0 : index
    %swap3A_234 = arith.constant 0 : index
    %swap3A_235 = arith.constant 0 : index
    %swap3A_236 = vector.load %arg4[%swap3A, %swap3A_234, %swap3A_235] : memref<1x512x16xi32, #tpu.memory_space<vmem>>, vector<1x512x16xi32>
    %swap3A_237 = vector.shape_cast %swap3A_236 : vector<1x512x16xi32> to vector<512x16xi32>
    %swap3A_238 = vector.shape_cast %add3A_233 : vector<512x16xi32> to vector<1x512x16xi32>
    tpu.vector_store %arg4[%swap3A, %swap3A_234, %swap3A_235], %swap3A_238 {strides = array<i32>} : memref<1x512x16xi32, #tpu.memory_space<vmem>>, vector<1x512x16xi32>,
    return
  }
  func.func @transform_0(%arg0: i32, %arg1: i32) -> (i32, i32, i32) {
    %add3A = arith.constant 4 : i32
    %add3A_0 = arith.addi %arg0, %add3A : i32
    %c0_i32 = arith.constant 0 : i32
    %c0_i32_1 = arith.constant 0 : i32
    return %add3A_0, %arg1, %c0_i32 : i32, i32, i32
  }
  func.func @transform_1(%arg0: i32, %arg1: i32) -> (i32, i32, i32) {
    %add3A = arith.constant 4 : i32
    %add3A_0 = arith.addi %arg0, %add3A : i32
    %c0_i32 = arith.constant 0 : i32
    %c0_i32_1 = arith.constant 0 : i32
    %c0_i32_2 = arith.constant 0 : i32
    return %add3A_0, %c0_i32, %c0_i32_1 : i32, i32, i32
  }
  func.func @transform_2(%arg0: i32, %arg1: i32) -> (i32, i32, i32) {
    %c0_i32 = arith.constant 0 : i32
    %c0_i32_0 = arith.constant 0 : i32
    return %arg0, %arg1, %c0_i32 : i32, i32, i32
  }
}

module attributes {stable_mosaic.version = 14 : i64} {
  func.func @_topk_body(%arg0: i32, %arg1: i32, %arg2: memref<1x512x3xf32, #tpu.memory_space<vmem>>, %arg3: memref<1x3x2048xf32, #tpu.memory_space<vmem>>, %arg4: memref<1x512x16xi32, #tpu.memory_space<vmem>>) attributes {dimension_semantics = [#tpu.dimension_semantics<arbitrary>, #tpu.dimension_semantics<arbitrary>], iteration_bounds = array<i64: 2, 4>, scalar_prefetch = 0 : i64, scratch_operands = 0 : i64, tpu.core_type = #tpu.core_type<tc>, window_params = [{transform_indices = @transform_0, window_bounds = array<i64: 1, 512, 3>}, {transform_indices = @transform_1, window_bounds = array<i64: 1, 3, 2048>}, {transform_indices = @transform_2, window_bounds = array<i64: 1, 512, 16>}]} {
    %add3A = arith.constant 2 : i32
    %add3A_0 = arith.addi %arg0, %add3A : i32
    %get3A = arith.constant 0 : index
    %get3A_1 = arith.constant 0 : index
    %get3A_2 = arith.constant 0 : index
    %get3A_3 = vector.load %arg2[%get3A, %get3A_1, %get3A_2] : memref<1x512x3xf32, #tpu.memory_space<vmem>>, vector<1x512x3xf32>
    %get3A_4 = vector.shape_cast %get3A_3 : vector<1x512x3xf32> to vector<512x3xf32>
    %get3A_5 = arith.constant 0 : index
    %get3A_6 = arith.constant 0 : index
    %get3A_7 = arith.constant 0 : index
    %get3A_8 = vector.load %arg3[%get3A_5, %get3A_6, %get3A_7] : memref<1x3x2048xf32, #tpu.memory_space<vmem>>, vector<1x3x2048xf32>
    %get3A_9 = vector.shape_cast %get3A_8 : vector<1x3x2048xf32> to vector<3x2048xf32>
    %mul3A = arith.mulf %get3A_4, %get3A_4 : vector<512x3xf32>
    %reduce_sum3A = arith.constant dense<0.000000e+00> : vector<512xf32>
    %reduce_sum3A_10 = vector.multi_reduction <add>, %mul3A, %reduce_sum3A [1] : vector<512x3xf32> to vector<512xf32>
    %broadcast_in_dim3A = vector.shape_cast %reduce_sum3A_10 : vector<512xf32> to vector<512x1xf32>
    %mul3A_11 = arith.mulf %get3A_9, %get3A_9 : vector<3x2048xf32>
    %reduce_sum3A_12 = arith.constant dense<0.000000e+00> : vector<2048xf32>
    %reduce_sum3A_13 = vector.multi_reduction <add>, %mul3A_11, %reduce_sum3A_12 [0] : vector<3x2048xf32> to vector<2048xf32>
    %broadcast_in_dim3A_14 = vector.shape_cast %reduce_sum3A_13 : vector<2048xf32> to vector<1x2048xf32>
    %dot_general3A = arith.constant dense<0.000000e+00> : vector<512x2048xf32>
    %dot_general3A_15 = tpu.matmul %get3A_4, %get3A_9, %dot_general3A {dimension_numbers = #tpu.dot_dimension_numbers<[1], [0], [0], [1], [0, 0, 1, 1], [], []>, transpose_lhs_hint = false} : vector<512x3xf32>, vector<3x2048xf32>, vector<512x2048xf32> -> vector<512x2048xf32>
    %mul3A_16 = arith.constant 2.000000e+00 : f32
    %mul3A_17 = vector.broadcast %mul3A_16 : f32 to vector<512x2048xf32>
    %mul3A_18 = arith.mulf %mul3A_17, %dot_general3A_15 : vector<512x2048xf32>
    %sub3A = vector.broadcast %broadcast_in_dim3A : vector<512x1xf32> to vector<512x2048xf32>
    %sub3A_19 = arith.subf %sub3A, %mul3A_18 : vector<512x2048xf32>
    %add3A_20 = vector.broadcast %broadcast_in_dim3A_14 : vector<1x2048xf32> to vector<512x2048xf32>
    %add3A_21 = arith.addf %sub3A_19, %add3A_20 : vector<512x2048xf32>
    %add3A_22 = arith.constant 6.400000e+01 : f32
    %add3A_23 = vector.broadcast %add3A_22 : f32 to vector<512x2048xf32>
    %add3A_24 = arith.addf %add3A_21, %add3A_23 : vector<512x2048xf32>
    %bitcast_convert_type3A = tpu.bitcast %add3A_24 : vector<512x2048xf32> -> vector<512x2048xi32>
    %sub3A_25 = arith.constant 1115684864 : i32
    %sub3A_26 = vector.broadcast %sub3A_25 : i32 to vector<512x2048xi32>
    %sub3A_27 = arith.subi %bitcast_convert_type3A, %sub3A_26 : vector<512x2048xi32>
    %shift_right_arithmetic3A = arith.constant 2 : i32
    %shift_right_arithmetic3A_28 = vector.broadcast %shift_right_arithmetic3A : i32 to vector<512x2048xi32>
    %shift_right_arithmetic3A_29 = arith.shrsi %sub3A_27, %shift_right_arithmetic3A_28 : vector<512x2048xi32>
    %jit3A = arith.constant -2048 : i32
    %jit3A_30 = arith.constant 1036288 : i32
    %max3A = vector.broadcast %jit3A : i32 to vector<512x2048xi32>
    %max3A_31 = arith.maxsi %max3A, %shift_right_arithmetic3A_29 : vector<512x2048xi32>
    %min3A = vector.broadcast %jit3A_30 : i32 to vector<512x2048xi32>
    %min3A_32 = arith.minsi %min3A, %max3A_31 : vector<512x2048xi32>
    %iota3A = tpu.iota {dimensions = array<i32: 1>} : vector<512x2048xi32>
    %add3A_33 = arith.constant 4096 : i32
    %add3A_34 = vector.broadcast %add3A_33 : i32 to vector<512x2048xi32>
    %add3A_35 = arith.addi %min3A_32, %add3A_34 : vector<512x2048xi32>
    %shift_left3A = arith.constant 11 : i32
    %shift_left3A_36 = vector.broadcast %shift_left3A : i32 to vector<512x2048xi32>
    %shift_left3A_37 = arith.shli %add3A_35, %shift_left3A_36 : vector<512x2048xi32>
    %or3A = arith.ori %shift_left3A_37, %iota3A : vector<512x2048xi32>
    %bitcast_convert_type3A_38 = tpu.bitcast %or3A : vector<512x2048xi32> -> vector<512x2048xf32>
    %reduce_min3A = arith.constant dense<0x7F800000> : vector<512xf32>
    %reduce_min3A_39 = vector.multi_reduction <minimumf>, %bitcast_convert_type3A_38, %reduce_min3A [1] : vector<512x2048xf32> to vector<512xf32>
    %broadcast_in_dim3A_40 = vector.shape_cast %reduce_min3A_39 : vector<512xf32> to vector<512x1xf32>
    %gt3A = vector.broadcast %broadcast_in_dim3A_40 : vector<512x1xf32> to vector<512x2048xf32>
    %gt3A_41 = arith.cmpf ogt, %bitcast_convert_type3A_38, %gt3A : vector<512x2048xf32>
    %jit3A_42 = arith.constant 9.99999968E+37 : f32
    %broadcast_in_dim3A_43 = vector.broadcast %jit3A_42 : f32 to vector<512x2048xf32>
    %select_n3A = arith.select %gt3A_41, %bitcast_convert_type3A_38, %broadcast_in_dim3A_43 : vector<512x2048xi1>, vector<512x2048xf32>
    %reduce_min3A_44 = arith.constant dense<0x7F800000> : vector<512xf32>
    %reduce_min3A_45 = vector.multi_reduction <minimumf>, %select_n3A, %reduce_min3A_44 [1] : vector<512x2048xf32> to vector<512xf32>
    %broadcast_in_dim3A_46 = vector.shape_cast %reduce_min3A_45 : vector<512xf32> to vector<512x1xf32>
    %bitcast_convert_type3A_47 = tpu.bitcast %broadcast_in_dim3A_46 : vector<512x1xf32> -> vector<512x1xi32>
    %and3A = arith.constant 2047 : i32
    %and3A_48 = vector.broadcast %and3A : i32 to vector<512x1xi32>
    %and3A_49 = arith.andi %bitcast_convert_type3A_47, %and3A_48 : vector<512x1xi32>
    %gt3A_50 = vector.broadcast %broadcast_in_dim3A_46 : vector<512x1xf32> to vector<512x2048xf32>
    %gt3A_51 = arith.cmpf ogt, %bitcast_convert_type3A_38, %gt3A_50 : vector<512x2048xf32>
    %jit3A_52 = arith.constant 9.99999968E+37 : f32
    %broadcast_in_dim3A_53 = vector.broadcast %jit3A_52 : f32 to vector<512x2048xf32>
    %select_n3A_54 = arith.select %gt3A_51, %bitcast_convert_type3A_38, %broadcast_in_dim3A_53 : vector<512x2048xi1>, vector<512x2048xf32>
    %reduce_min3A_55 = arith.constant dense<0x7F800000> : vector<512xf32>
    %reduce_min3A_56 = vector.multi_reduction <minimumf>, %select_n3A_54, %reduce_min3A_55 [1] : vector<512x2048xf32> to vector<512xf32>
    %broadcast_in_dim3A_57 = vector.shape_cast %reduce_min3A_56 : vector<512xf32> to vector<512x1xf32>
    %bitcast_convert_type3A_58 = tpu.bitcast %broadcast_in_dim3A_57 : vector<512x1xf32> -> vector<512x1xi32>
    %and3A_59 = arith.constant 2047 : i32
    %and3A_60 = vector.broadcast %and3A_59 : i32 to vector<512x1xi32>
    %and3A_61 = arith.andi %bitcast_convert_type3A_58, %and3A_60 : vector<512x1xi32>
    %gt3A_62 = vector.broadcast %broadcast_in_dim3A_57 : vector<512x1xf32> to vector<512x2048xf32>
    %gt3A_63 = arith.cmpf ogt, %bitcast_convert_type3A_38, %gt3A_62 : vector<512x2048xf32>
    %jit3A_64 = arith.constant 9.99999968E+37 : f32
    %broadcast_in_dim3A_65 = vector.broadcast %jit3A_64 : f32 to vector<512x2048xf32>
    %select_n3A_66 = arith.select %gt3A_63, %bitcast_convert_type3A_38, %broadcast_in_dim3A_65 : vector<512x2048xi1>, vector<512x2048xf32>
    %reduce_min3A_67 = arith.constant dense<0x7F800000> : vector<512xf32>
    %reduce_min3A_68 = vector.multi_reduction <minimumf>, %select_n3A_66, %reduce_min3A_67 [1] : vector<512x2048xf32> to vector<512xf32>
    %broadcast_in_dim3A_69 = vector.shape_cast %reduce_min3A_68 : vector<512xf32> to vector<512x1xf32>
    %bitcast_convert_type3A_70 = tpu.bitcast %broadcast_in_dim3A_69 : vector<512x1xf32> -> vector<512x1xi32>
    %and3A_71 = arith.constant 2047 : i32
    %and3A_72 = vector.broadcast %and3A_71 : i32 to vector<512x1xi32>
    %and3A_73 = arith.andi %bitcast_convert_type3A_70, %and3A_72 : vector<512x1xi32>
    %gt3A_74 = vector.broadcast %broadcast_in_dim3A_69 : vector<512x1xf32> to vector<512x2048xf32>
    %gt3A_75 = arith.cmpf ogt, %bitcast_convert_type3A_38, %gt3A_74 : vector<512x2048xf32>
    %jit3A_76 = arith.constant 9.99999968E+37 : f32
    %broadcast_in_dim3A_77 = vector.broadcast %jit3A_76 : f32 to vector<512x2048xf32>
    %select_n3A_78 = arith.select %gt3A_75, %bitcast_convert_type3A_38, %broadcast_in_dim3A_77 : vector<512x2048xi1>, vector<512x2048xf32>
    %reduce_min3A_79 = arith.constant dense<0x7F800000> : vector<512xf32>
    %reduce_min3A_80 = vector.multi_reduction <minimumf>, %select_n3A_78, %reduce_min3A_79 [1] : vector<512x2048xf32> to vector<512xf32>
    %broadcast_in_dim3A_81 = vector.shape_cast %reduce_min3A_80 : vector<512xf32> to vector<512x1xf32>
    %bitcast_convert_type3A_82 = tpu.bitcast %broadcast_in_dim3A_81 : vector<512x1xf32> -> vector<512x1xi32>
    %and3A_83 = arith.constant 2047 : i32
    %and3A_84 = vector.broadcast %and3A_83 : i32 to vector<512x1xi32>
    %and3A_85 = arith.andi %bitcast_convert_type3A_82, %and3A_84 : vector<512x1xi32>
    %gt3A_86 = vector.broadcast %broadcast_in_dim3A_81 : vector<512x1xf32> to vector<512x2048xf32>
    %gt3A_87 = arith.cmpf ogt, %bitcast_convert_type3A_38, %gt3A_86 : vector<512x2048xf32>
    %jit3A_88 = arith.constant 9.99999968E+37 : f32
    %broadcast_in_dim3A_89 = vector.broadcast %jit3A_88 : f32 to vector<512x2048xf32>
    %select_n3A_90 = arith.select %gt3A_87, %bitcast_convert_type3A_38, %broadcast_in_dim3A_89 : vector<512x2048xi1>, vector<512x2048xf32>
    %reduce_min3A_91 = arith.constant dense<0x7F800000> : vector<512xf32>
    %reduce_min3A_92 = vector.multi_reduction <minimumf>, %select_n3A_90, %reduce_min3A_91 [1] : vector<512x2048xf32> to vector<512xf32>
    %broadcast_in_dim3A_93 = vector.shape_cast %reduce_min3A_92 : vector<512xf32> to vector<512x1xf32>
    %bitcast_convert_type3A_94 = tpu.bitcast %broadcast_in_dim3A_93 : vector<512x1xf32> -> vector<512x1xi32>
    %and3A_95 = arith.constant 2047 : i32
    %and3A_96 = vector.broadcast %and3A_95 : i32 to vector<512x1xi32>
    %and3A_97 = arith.andi %bitcast_convert_type3A_94, %and3A_96 : vector<512x1xi32>
    %gt3A_98 = vector.broadcast %broadcast_in_dim3A_93 : vector<512x1xf32> to vector<512x2048xf32>
    %gt3A_99 = arith.cmpf ogt, %bitcast_convert_type3A_38, %gt3A_98 : vector<512x2048xf32>
    %jit3A_100 = arith.constant 9.99999968E+37 : f32
    %broadcast_in_dim3A_101 = vector.broadcast %jit3A_100 : f32 to vector<512x2048xf32>
    %select_n3A_102 = arith.select %gt3A_99, %bitcast_convert_type3A_38, %broadcast_in_dim3A_101 : vector<512x2048xi1>, vector<512x2048xf32>
    %reduce_min3A_103 = arith.constant dense<0x7F800000> : vector<512xf32>
    %reduce_min3A_104 = vector.multi_reduction <minimumf>, %select_n3A_102, %reduce_min3A_103 [1] : vector<512x2048xf32> to vector<512xf32>
    %broadcast_in_dim3A_105 = vector.shape_cast %reduce_min3A_104 : vector<512xf32> to vector<512x1xf32>
    %bitcast_convert_type3A_106 = tpu.bitcast %broadcast_in_dim3A_105 : vector<512x1xf32> -> vector<512x1xi32>
    %and3A_107 = arith.constant 2047 : i32
    %and3A_108 = vector.broadcast %and3A_107 : i32 to vector<512x1xi32>
    %and3A_109 = arith.andi %bitcast_convert_type3A_106, %and3A_108 : vector<512x1xi32>
    %gt3A_110 = vector.broadcast %broadcast_in_dim3A_105 : vector<512x1xf32> to vector<512x2048xf32>
    %gt3A_111 = arith.cmpf ogt, %bitcast_convert_type3A_38, %gt3A_110 : vector<512x2048xf32>
    %jit3A_112 = arith.constant 9.99999968E+37 : f32
    %broadcast_in_dim3A_113 = vector.broadcast %jit3A_112 : f32 to vector<512x2048xf32>
    %select_n3A_114 = arith.select %gt3A_111, %bitcast_convert_type3A_38, %broadcast_in_dim3A_113 : vector<512x2048xi1>, vector<512x2048xf32>
    %reduce_min3A_115 = arith.constant dense<0x7F800000> : vector<512xf32>
    %reduce_min3A_116 = vector.multi_reduction <minimumf>, %select_n3A_114, %reduce_min3A_115 [1] : vector<512x2048xf32> to vector<512xf32>
    %broadcast_in_dim3A_117 = vector.shape_cast %reduce_min3A_116 : vector<512xf32> to vector<512x1xf32>
    %bitcast_convert_type3A_118 = tpu.bitcast %broadcast_in_dim3A_117 : vector<512x1xf32> -> vector<512x1xi32>
    %and3A_119 = arith.constant 2047 : i32
    %and3A_120 = vector.broadcast %and3A_119 : i32 to vector<512x1xi32>
    %and3A_121 = arith.andi %bitcast_convert_type3A_118, %and3A_120 : vector<512x1xi32>
    %gt3A_122 = vector.broadcast %broadcast_in_dim3A_117 : vector<512x1xf32> to vector<512x2048xf32>
    %gt3A_123 = arith.cmpf ogt, %bitcast_convert_type3A_38, %gt3A_122 : vector<512x2048xf32>
    %jit3A_124 = arith.constant 9.99999968E+37 : f32
    %broadcast_in_dim3A_125 = vector.broadcast %jit3A_124 : f32 to vector<512x2048xf32>
    %select_n3A_126 = arith.select %gt3A_123, %bitcast_convert_type3A_38, %broadcast_in_dim3A_125 : vector<512x2048xi1>, vector<512x2048xf32>
    %reduce_min3A_127 = arith.constant dense<0x7F800000> : vector<512xf32>
    %reduce_min3A_128 = vector.multi_reduction <minimumf>, %select_n3A_126, %reduce_min3A_127 [1] : vector<512x2048xf32> to vector<512xf32>
    %broadcast_in_dim3A_129 = vector.shape_cast %reduce_min3A_128 : vector<512xf32> to vector<512x1xf32>
    %bitcast_convert_type3A_130 = tpu.bitcast %broadcast_in_dim3A_129 : vector<512x1xf32> -> vector<512x1xi32>
    %and3A_131 = arith.constant 2047 : i32
    %and3A_132 = vector.broadcast %and3A_131 : i32 to vector<512x1xi32>
    %and3A_133 = arith.andi %bitcast_convert_type3A_130, %and3A_132 : vector<512x1xi32>
    %gt3A_134 = vector.broadcast %broadcast_in_dim3A_129 : vector<512x1xf32> to vector<512x2048xf32>
    %gt3A_135 = arith.cmpf ogt, %bitcast_convert_type3A_38, %gt3A_134 : vector<512x2048xf32>
    %jit3A_136 = arith.constant 9.99999968E+37 : f32
    %broadcast_in_dim3A_137 = vector.broadcast %jit3A_136 : f32 to vector<512x2048xf32>
    %select_n3A_138 = arith.select %gt3A_135, %bitcast_convert_type3A_38, %broadcast_in_dim3A_137 : vector<512x2048xi1>, vector<512x2048xf32>
    %reduce_min3A_139 = arith.constant dense<0x7F800000> : vector<512xf32>
    %reduce_min3A_140 = vector.multi_reduction <minimumf>, %select_n3A_138, %reduce_min3A_139 [1] : vector<512x2048xf32> to vector<512xf32>
    %broadcast_in_dim3A_141 = vector.shape_cast %reduce_min3A_140 : vector<512xf32> to vector<512x1xf32>
    %bitcast_convert_type3A_142 = tpu.bitcast %broadcast_in_dim3A_141 : vector<512x1xf32> -> vector<512x1xi32>
    %and3A_143 = arith.constant 2047 : i32
    %and3A_144 = vector.broadcast %and3A_143 : i32 to vector<512x1xi32>
    %and3A_145 = arith.andi %bitcast_convert_type3A_142, %and3A_144 : vector<512x1xi32>
    %gt3A_146 = vector.broadcast %broadcast_in_dim3A_141 : vector<512x1xf32> to vector<512x2048xf32>
    %gt3A_147 = arith.cmpf ogt, %bitcast_convert_type3A_38, %gt3A_146 : vector<512x2048xf32>
    %jit3A_148 = arith.constant 9.99999968E+37 : f32
    %broadcast_in_dim3A_149 = vector.broadcast %jit3A_148 : f32 to vector<512x2048xf32>
    %select_n3A_150 = arith.select %gt3A_147, %bitcast_convert_type3A_38, %broadcast_in_dim3A_149 : vector<512x2048xi1>, vector<512x2048xf32>
    %reduce_min3A_151 = arith.constant dense<0x7F800000> : vector<512xf32>
    %reduce_min3A_152 = vector.multi_reduction <minimumf>, %select_n3A_150, %reduce_min3A_151 [1] : vector<512x2048xf32> to vector<512xf32>
    %broadcast_in_dim3A_153 = vector.shape_cast %reduce_min3A_152 : vector<512xf32> to vector<512x1xf32>
    %bitcast_convert_type3A_154 = tpu.bitcast %broadcast_in_dim3A_153 : vector<512x1xf32> -> vector<512x1xi32>
    %and3A_155 = arith.constant 2047 : i32
    %and3A_156 = vector.broadcast %and3A_155 : i32 to vector<512x1xi32>
    %and3A_157 = arith.andi %bitcast_convert_type3A_154, %and3A_156 : vector<512x1xi32>
    %gt3A_158 = vector.broadcast %broadcast_in_dim3A_153 : vector<512x1xf32> to vector<512x2048xf32>
    %gt3A_159 = arith.cmpf ogt, %bitcast_convert_type3A_38, %gt3A_158 : vector<512x2048xf32>
    %jit3A_160 = arith.constant 9.99999968E+37 : f32
    %broadcast_in_dim3A_161 = vector.broadcast %jit3A_160 : f32 to vector<512x2048xf32>
    %select_n3A_162 = arith.select %gt3A_159, %bitcast_convert_type3A_38, %broadcast_in_dim3A_161 : vector<512x2048xi1>, vector<512x2048xf32>
    %reduce_min3A_163 = arith.constant dense<0x7F800000> : vector<512xf32>
    %reduce_min3A_164 = vector.multi_reduction <minimumf>, %select_n3A_162, %reduce_min3A_163 [1] : vector<512x2048xf32> to vector<512xf32>
    %broadcast_in_dim3A_165 = vector.shape_cast %reduce_min3A_164 : vector<512xf32> to vector<512x1xf32>
    %bitcast_convert_type3A_166 = tpu.bitcast %broadcast_in_dim3A_165 : vector<512x1xf32> -> vector<512x1xi32>
    %and3A_167 = arith.constant 2047 : i32
    %and3A_168 = vector.broadcast %and3A_167 : i32 to vector<512x1xi32>
    %and3A_169 = arith.andi %bitcast_convert_type3A_166, %and3A_168 : vector<512x1xi32>
    %gt3A_170 = vector.broadcast %broadcast_in_dim3A_165 : vector<512x1xf32> to vector<512x2048xf32>
    %gt3A_171 = arith.cmpf ogt, %bitcast_convert_type3A_38, %gt3A_170 : vector<512x2048xf32>
    %jit3A_172 = arith.constant 9.99999968E+37 : f32
    %broadcast_in_dim3A_173 = vector.broadcast %jit3A_172 : f32 to vector<512x2048xf32>
    %select_n3A_174 = arith.select %gt3A_171, %bitcast_convert_type3A_38, %broadcast_in_dim3A_173 : vector<512x2048xi1>, vector<512x2048xf32>
    %reduce_min3A_175 = arith.constant dense<0x7F800000> : vector<512xf32>
    %reduce_min3A_176 = vector.multi_reduction <minimumf>, %select_n3A_174, %reduce_min3A_175 [1] : vector<512x2048xf32> to vector<512xf32>
    %broadcast_in_dim3A_177 = vector.shape_cast %reduce_min3A_176 : vector<512xf32> to vector<512x1xf32>
    %bitcast_convert_type3A_178 = tpu.bitcast %broadcast_in_dim3A_177 : vector<512x1xf32> -> vector<512x1xi32>
    %and3A_179 = arith.constant 2047 : i32
    %and3A_180 = vector.broadcast %and3A_179 : i32 to vector<512x1xi32>
    %and3A_181 = arith.andi %bitcast_convert_type3A_178, %and3A_180 : vector<512x1xi32>
    %gt3A_182 = vector.broadcast %broadcast_in_dim3A_177 : vector<512x1xf32> to vector<512x2048xf32>
    %gt3A_183 = arith.cmpf ogt, %bitcast_convert_type3A_38, %gt3A_182 : vector<512x2048xf32>
    %jit3A_184 = arith.constant 9.99999968E+37 : f32
    %broadcast_in_dim3A_185 = vector.broadcast %jit3A_184 : f32 to vector<512x2048xf32>
    %select_n3A_186 = arith.select %gt3A_183, %bitcast_convert_type3A_38, %broadcast_in_dim3A_185 : vector<512x2048xi1>, vector<512x2048xf32>
    %reduce_min3A_187 = arith.constant dense<0x7F800000> : vector<512xf32>
    %reduce_min3A_188 = vector.multi_reduction <minimumf>, %select_n3A_186, %reduce_min3A_187 [1] : vector<512x2048xf32> to vector<512xf32>
    %broadcast_in_dim3A_189 = vector.shape_cast %reduce_min3A_188 : vector<512xf32> to vector<512x1xf32>
    %bitcast_convert_type3A_190 = tpu.bitcast %broadcast_in_dim3A_189 : vector<512x1xf32> -> vector<512x1xi32>
    %and3A_191 = arith.constant 2047 : i32
    %and3A_192 = vector.broadcast %and3A_191 : i32 to vector<512x1xi32>
    %and3A_193 = arith.andi %bitcast_convert_type3A_190, %and3A_192 : vector<512x1xi32>
    %gt3A_194 = vector.broadcast %broadcast_in_dim3A_189 : vector<512x1xf32> to vector<512x2048xf32>
    %gt3A_195 = arith.cmpf ogt, %bitcast_convert_type3A_38, %gt3A_194 : vector<512x2048xf32>
    %jit3A_196 = arith.constant 9.99999968E+37 : f32
    %broadcast_in_dim3A_197 = vector.broadcast %jit3A_196 : f32 to vector<512x2048xf32>
    %select_n3A_198 = arith.select %gt3A_195, %bitcast_convert_type3A_38, %broadcast_in_dim3A_197 : vector<512x2048xi1>, vector<512x2048xf32>
    %reduce_min3A_199 = arith.constant dense<0x7F800000> : vector<512xf32>
    %reduce_min3A_200 = vector.multi_reduction <minimumf>, %select_n3A_198, %reduce_min3A_199 [1] : vector<512x2048xf32> to vector<512xf32>
    %broadcast_in_dim3A_201 = vector.shape_cast %reduce_min3A_200 : vector<512xf32> to vector<512x1xf32>
    %bitcast_convert_type3A_202 = tpu.bitcast %broadcast_in_dim3A_201 : vector<512x1xf32> -> vector<512x1xi32>
    %and3A_203 = arith.constant 2047 : i32
    %and3A_204 = vector.broadcast %and3A_203 : i32 to vector<512x1xi32>
    %and3A_205 = arith.andi %bitcast_convert_type3A_202, %and3A_204 : vector<512x1xi32>
    %gt3A_206 = vector.broadcast %broadcast_in_dim3A_201 : vector<512x1xf32> to vector<512x2048xf32>
    %gt3A_207 = arith.cmpf ogt, %bitcast_convert_type3A_38, %gt3A_206 : vector<512x2048xf32>
    %jit3A_208 = arith.constant 9.99999968E+37 : f32
    %broadcast_in_dim3A_209 = vector.broadcast %jit3A_208 : f32 to vector<512x2048xf32>
    %select_n3A_210 = arith.select %gt3A_207, %bitcast_convert_type3A_38, %broadcast_in_dim3A_209 : vector<512x2048xi1>, vector<512x2048xf32>
    %reduce_min3A_211 = arith.constant dense<0x7F800000> : vector<512xf32>
    %reduce_min3A_212 = vector.multi_reduction <minimumf>, %select_n3A_210, %reduce_min3A_211 [1] : vector<512x2048xf32> to vector<512xf32>
    %broadcast_in_dim3A_213 = vector.shape_cast %reduce_min3A_212 : vector<512xf32> to vector<512x1xf32>
    %bitcast_convert_type3A_214 = tpu.bitcast %broadcast_in_dim3A_213 : vector<512x1xf32> -> vector<512x1xi32>
    %and3A_215 = arith.constant 2047 : i32
    %and3A_216 = vector.broadcast %and3A_215 : i32 to vector<512x1xi32>
    %and3A_217 = arith.andi %bitcast_convert_type3A_214, %and3A_216 : vector<512x1xi32>
    %gt3A_218 = vector.broadcast %broadcast_in_dim3A_213 : vector<512x1xf32> to vector<512x2048xf32>
    %gt3A_219 = arith.cmpf ogt, %bitcast_convert_type3A_38, %gt3A_218 : vector<512x2048xf32>
    %jit3A_220 = arith.constant 9.99999968E+37 : f32
    %broadcast_in_dim3A_221 = vector.broadcast %jit3A_220 : f32 to vector<512x2048xf32>
    %select_n3A_222 = arith.select %gt3A_219, %bitcast_convert_type3A_38, %broadcast_in_dim3A_221 : vector<512x2048xi1>, vector<512x2048xf32>
    %reduce_min3A_223 = arith.constant dense<0x7F800000> : vector<512xf32>
    %reduce_min3A_224 = vector.multi_reduction <minimumf>, %select_n3A_222, %reduce_min3A_223 [1] : vector<512x2048xf32> to vector<512xf32>
    %broadcast_in_dim3A_225 = vector.shape_cast %reduce_min3A_224 : vector<512xf32> to vector<512x1xf32>
    %bitcast_convert_type3A_226 = tpu.bitcast %broadcast_in_dim3A_225 : vector<512x1xf32> -> vector<512x1xi32>
    %and3A_227 = arith.constant 2047 : i32
    %and3A_228 = vector.broadcast %and3A_227 : i32 to vector<512x1xi32>
    %and3A_229 = arith.andi %bitcast_convert_type3A_226, %and3A_228 : vector<512x1xi32>
    %concatenate3A = tpu.concatenate %and3A_49, %and3A_61, %and3A_73, %and3A_85, %and3A_97, %and3A_109, %and3A_121, %and3A_133, %and3A_145, %and3A_157, %and3A_169, %and3A_181, %and3A_193, %and3A_205, %and3A_217, %and3A_229 in 1 : vector<512x1xi32>, vector<512x1xi32>, vector<512x1xi32>, vector<512x1xi32>, vector<512x1xi32>, vector<512x1xi32>, vector<512x1xi32>, vector<512x1xi32>, vector<512x1xi32>, vector<512x1xi32>, vector<512x1xi32>, vector<512x1xi32>, vector<512x1xi32>, vector<512x1xi32>, vector<512x1xi32>, vector<512x1xi32> -> vector<512x16xi32>
    %mul3A_230 = arith.constant 2048 : i32
    %mul3A_231 = arith.muli %add3A_0, %mul3A_230 : i32
    %add3A_232 = vector.broadcast %mul3A_231 : i32 to vector<512x16xi32>
    %add3A_233 = arith.addi %concatenate3A, %add3A_232 : vector<512x16xi32>
    %swap3A = arith.constant 0 : index
    %swap3A_234 = arith.constant 0 : index
    %swap3A_235 = arith.constant 0 : index
    %swap3A_236 = vector.load %arg4[%swap3A, %swap3A_234, %swap3A_235] : memref<1x512x16xi32, #tpu.memory_space<vmem>>, vector<1x512x16xi32>
    %swap3A_237 = vector.shape_cast %swap3A_236 : vector<1x512x16xi32> to vector<512x16xi32>
    %swap3A_238 = vector.shape_cast %add3A_233 : vector<512x16xi32> to vector<1x512x16xi32>
    tpu.vector_store %arg4[%swap3A, %swap3A_234, %swap3A_235], %swap3A_238 {strides = array<i32>} : memref<1x512x16xi32, #tpu.memory_space<vmem>>, vector<1x512x16xi32>,
    return
  }
  func.func @transform_0(%arg0: i32, %arg1: i32) -> (i32, i32, i32) {
    %add3A = arith.constant 2 : i32
    %add3A_0 = arith.addi %arg0, %add3A : i32
    %c0_i32 = arith.constant 0 : i32
    %c0_i32_1 = arith.constant 0 : i32
    return %add3A_0, %arg1, %c0_i32 : i32, i32, i32
  }
  func.func @transform_1(%arg0: i32, %arg1: i32) -> (i32, i32, i32) {
    %add3A = arith.constant 2 : i32
    %add3A_0 = arith.addi %arg0, %add3A : i32
    %c0_i32 = arith.constant 0 : i32
    %c0_i32_1 = arith.constant 0 : i32
    %c0_i32_2 = arith.constant 0 : i32
    return %add3A_0, %c0_i32, %c0_i32_1 : i32, i32, i32
  }
  func.func @transform_2(%arg0: i32, %arg1: i32) -> (i32, i32, i32) {
    %c0_i32 = arith.constant 0 : i32
    %c0_i32_0 = arith.constant 0 : i32
    return %arg0, %arg1, %c0_i32 : i32, i32, i32
  }
}

module attributes {stable_mosaic.version = 14 : i64} {
  func.func @_topk_body(%arg0: i32, %arg1: i32, %arg2: memref<1x512x3xf32, #tpu.memory_space<vmem>>, %arg3: memref<1x3x2048xf32, #tpu.memory_space<vmem>>, %arg4: memref<1x512x16xi32, #tpu.memory_space<vmem>>) attributes {dimension_semantics = [#tpu.dimension_semantics<arbitrary>, #tpu.dimension_semantics<arbitrary>], iteration_bounds = array<i64: 2, 4>, scalar_prefetch = 0 : i64, scratch_operands = 0 : i64, tpu.core_type = #tpu.core_type<tc>, window_params = [{transform_indices = @transform_0, window_bounds = array<i64: 1, 512, 3>}, {transform_indices = @transform_1, window_bounds = array<i64: 1, 3, 2048>}, {transform_indices = @transform_2, window_bounds = array<i64: 1, 512, 16>}]} {
    %add3A = arith.constant 0 : i32
    %add3A_0 = arith.addi %arg0, %add3A : i32
    %get3A = arith.constant 0 : index
    %get3A_1 = arith.constant 0 : index
    %get3A_2 = arith.constant 0 : index
    %get3A_3 = vector.load %arg2[%get3A, %get3A_1, %get3A_2] : memref<1x512x3xf32, #tpu.memory_space<vmem>>, vector<1x512x3xf32>
    %get3A_4 = vector.shape_cast %get3A_3 : vector<1x512x3xf32> to vector<512x3xf32>
    %get3A_5 = arith.constant 0 : index
    %get3A_6 = arith.constant 0 : index
    %get3A_7 = arith.constant 0 : index
    %get3A_8 = vector.load %arg3[%get3A_5, %get3A_6, %get3A_7] : memref<1x3x2048xf32, #tpu.memory_space<vmem>>, vector<1x3x2048xf32>
    %get3A_9 = vector.shape_cast %get3A_8 : vector<1x3x2048xf32> to vector<3x2048xf32>
    %mul3A = arith.mulf %get3A_4, %get3A_4 : vector<512x3xf32>
    %reduce_sum3A = arith.constant dense<0.000000e+00> : vector<512xf32>
    %reduce_sum3A_10 = vector.multi_reduction <add>, %mul3A, %reduce_sum3A [1] : vector<512x3xf32> to vector<512xf32>
    %broadcast_in_dim3A = vector.shape_cast %reduce_sum3A_10 : vector<512xf32> to vector<512x1xf32>
    %mul3A_11 = arith.mulf %get3A_9, %get3A_9 : vector<3x2048xf32>
    %reduce_sum3A_12 = arith.constant dense<0.000000e+00> : vector<2048xf32>
    %reduce_sum3A_13 = vector.multi_reduction <add>, %mul3A_11, %reduce_sum3A_12 [0] : vector<3x2048xf32> to vector<2048xf32>
    %broadcast_in_dim3A_14 = vector.shape_cast %reduce_sum3A_13 : vector<2048xf32> to vector<1x2048xf32>
    %dot_general3A = arith.constant dense<0.000000e+00> : vector<512x2048xf32>
    %dot_general3A_15 = tpu.matmul %get3A_4, %get3A_9, %dot_general3A {dimension_numbers = #tpu.dot_dimension_numbers<[1], [0], [0], [1], [0, 0, 1, 1], [], []>, transpose_lhs_hint = false} : vector<512x3xf32>, vector<3x2048xf32>, vector<512x2048xf32> -> vector<512x2048xf32>
    %mul3A_16 = arith.constant 2.000000e+00 : f32
    %mul3A_17 = vector.broadcast %mul3A_16 : f32 to vector<512x2048xf32>
    %mul3A_18 = arith.mulf %mul3A_17, %dot_general3A_15 : vector<512x2048xf32>
    %sub3A = vector.broadcast %broadcast_in_dim3A : vector<512x1xf32> to vector<512x2048xf32>
    %sub3A_19 = arith.subf %sub3A, %mul3A_18 : vector<512x2048xf32>
    %add3A_20 = vector.broadcast %broadcast_in_dim3A_14 : vector<1x2048xf32> to vector<512x2048xf32>
    %add3A_21 = arith.addf %sub3A_19, %add3A_20 : vector<512x2048xf32>
    %add3A_22 = arith.constant 6.400000e+01 : f32
    %add3A_23 = vector.broadcast %add3A_22 : f32 to vector<512x2048xf32>
    %add3A_24 = arith.addf %add3A_21, %add3A_23 : vector<512x2048xf32>
    %bitcast_convert_type3A = tpu.bitcast %add3A_24 : vector<512x2048xf32> -> vector<512x2048xi32>
    %sub3A_25 = arith.constant 1115684864 : i32
    %sub3A_26 = vector.broadcast %sub3A_25 : i32 to vector<512x2048xi32>
    %sub3A_27 = arith.subi %bitcast_convert_type3A, %sub3A_26 : vector<512x2048xi32>
    %shift_right_arithmetic3A = arith.constant 2 : i32
    %shift_right_arithmetic3A_28 = vector.broadcast %shift_right_arithmetic3A : i32 to vector<512x2048xi32>
    %shift_right_arithmetic3A_29 = arith.shrsi %sub3A_27, %shift_right_arithmetic3A_28 : vector<512x2048xi32>
    %jit3A = arith.constant -2048 : i32
    %jit3A_30 = arith.constant 1036288 : i32
    %max3A = vector.broadcast %jit3A : i32 to vector<512x2048xi32>
    %max3A_31 = arith.maxsi %max3A, %shift_right_arithmetic3A_29 : vector<512x2048xi32>
    %min3A = vector.broadcast %jit3A_30 : i32 to vector<512x2048xi32>
    %min3A_32 = arith.minsi %min3A, %max3A_31 : vector<512x2048xi32>
    %iota3A = tpu.iota {dimensions = array<i32: 1>} : vector<512x2048xi32>
    %add3A_33 = arith.constant 4096 : i32
    %add3A_34 = vector.broadcast %add3A_33 : i32 to vector<512x2048xi32>
    %add3A_35 = arith.addi %min3A_32, %add3A_34 : vector<512x2048xi32>
    %shift_left3A = arith.constant 11 : i32
    %shift_left3A_36 = vector.broadcast %shift_left3A : i32 to vector<512x2048xi32>
    %shift_left3A_37 = arith.shli %add3A_35, %shift_left3A_36 : vector<512x2048xi32>
    %or3A = arith.ori %shift_left3A_37, %iota3A : vector<512x2048xi32>
    %bitcast_convert_type3A_38 = tpu.bitcast %or3A : vector<512x2048xi32> -> vector<512x2048xf32>
    %reduce_min3A = arith.constant dense<0x7F800000> : vector<512xf32>
    %reduce_min3A_39 = vector.multi_reduction <minimumf>, %bitcast_convert_type3A_38, %reduce_min3A [1] : vector<512x2048xf32> to vector<512xf32>
    %broadcast_in_dim3A_40 = vector.shape_cast %reduce_min3A_39 : vector<512xf32> to vector<512x1xf32>
    %gt3A = vector.broadcast %broadcast_in_dim3A_40 : vector<512x1xf32> to vector<512x2048xf32>
    %gt3A_41 = arith.cmpf ogt, %bitcast_convert_type3A_38, %gt3A : vector<512x2048xf32>
    %jit3A_42 = arith.constant 9.99999968E+37 : f32
    %broadcast_in_dim3A_43 = vector.broadcast %jit3A_42 : f32 to vector<512x2048xf32>
    %select_n3A = arith.select %gt3A_41, %bitcast_convert_type3A_38, %broadcast_in_dim3A_43 : vector<512x2048xi1>, vector<512x2048xf32>
    %reduce_min3A_44 = arith.constant dense<0x7F800000> : vector<512xf32>
    %reduce_min3A_45 = vector.multi_reduction <minimumf>, %select_n3A, %reduce_min3A_44 [1] : vector<512x2048xf32> to vector<512xf32>
    %broadcast_in_dim3A_46 = vector.shape_cast %reduce_min3A_45 : vector<512xf32> to vector<512x1xf32>
    %bitcast_convert_type3A_47 = tpu.bitcast %broadcast_in_dim3A_46 : vector<512x1xf32> -> vector<512x1xi32>
    %and3A = arith.constant 2047 : i32
    %and3A_48 = vector.broadcast %and3A : i32 to vector<512x1xi32>
    %and3A_49 = arith.andi %bitcast_convert_type3A_47, %and3A_48 : vector<512x1xi32>
    %gt3A_50 = vector.broadcast %broadcast_in_dim3A_46 : vector<512x1xf32> to vector<512x2048xf32>
    %gt3A_51 = arith.cmpf ogt, %bitcast_convert_type3A_38, %gt3A_50 : vector<512x2048xf32>
    %jit3A_52 = arith.constant 9.99999968E+37 : f32
    %broadcast_in_dim3A_53 = vector.broadcast %jit3A_52 : f32 to vector<512x2048xf32>
    %select_n3A_54 = arith.select %gt3A_51, %bitcast_convert_type3A_38, %broadcast_in_dim3A_53 : vector<512x2048xi1>, vector<512x2048xf32>
    %reduce_min3A_55 = arith.constant dense<0x7F800000> : vector<512xf32>
    %reduce_min3A_56 = vector.multi_reduction <minimumf>, %select_n3A_54, %reduce_min3A_55 [1] : vector<512x2048xf32> to vector<512xf32>
    %broadcast_in_dim3A_57 = vector.shape_cast %reduce_min3A_56 : vector<512xf32> to vector<512x1xf32>
    %bitcast_convert_type3A_58 = tpu.bitcast %broadcast_in_dim3A_57 : vector<512x1xf32> -> vector<512x1xi32>
    %and3A_59 = arith.constant 2047 : i32
    %and3A_60 = vector.broadcast %and3A_59 : i32 to vector<512x1xi32>
    %and3A_61 = arith.andi %bitcast_convert_type3A_58, %and3A_60 : vector<512x1xi32>
    %gt3A_62 = vector.broadcast %broadcast_in_dim3A_57 : vector<512x1xf32> to vector<512x2048xf32>
    %gt3A_63 = arith.cmpf ogt, %bitcast_convert_type3A_38, %gt3A_62 : vector<512x2048xf32>
    %jit3A_64 = arith.constant 9.99999968E+37 : f32
    %broadcast_in_dim3A_65 = vector.broadcast %jit3A_64 : f32 to vector<512x2048xf32>
    %select_n3A_66 = arith.select %gt3A_63, %bitcast_convert_type3A_38, %broadcast_in_dim3A_65 : vector<512x2048xi1>, vector<512x2048xf32>
    %reduce_min3A_67 = arith.constant dense<0x7F800000> : vector<512xf32>
    %reduce_min3A_68 = vector.multi_reduction <minimumf>, %select_n3A_66, %reduce_min3A_67 [1] : vector<512x2048xf32> to vector<512xf32>
    %broadcast_in_dim3A_69 = vector.shape_cast %reduce_min3A_68 : vector<512xf32> to vector<512x1xf32>
    %bitcast_convert_type3A_70 = tpu.bitcast %broadcast_in_dim3A_69 : vector<512x1xf32> -> vector<512x1xi32>
    %and3A_71 = arith.constant 2047 : i32
    %and3A_72 = vector.broadcast %and3A_71 : i32 to vector<512x1xi32>
    %and3A_73 = arith.andi %bitcast_convert_type3A_70, %and3A_72 : vector<512x1xi32>
    %gt3A_74 = vector.broadcast %broadcast_in_dim3A_69 : vector<512x1xf32> to vector<512x2048xf32>
    %gt3A_75 = arith.cmpf ogt, %bitcast_convert_type3A_38, %gt3A_74 : vector<512x2048xf32>
    %jit3A_76 = arith.constant 9.99999968E+37 : f32
    %broadcast_in_dim3A_77 = vector.broadcast %jit3A_76 : f32 to vector<512x2048xf32>
    %select_n3A_78 = arith.select %gt3A_75, %bitcast_convert_type3A_38, %broadcast_in_dim3A_77 : vector<512x2048xi1>, vector<512x2048xf32>
    %reduce_min3A_79 = arith.constant dense<0x7F800000> : vector<512xf32>
    %reduce_min3A_80 = vector.multi_reduction <minimumf>, %select_n3A_78, %reduce_min3A_79 [1] : vector<512x2048xf32> to vector<512xf32>
    %broadcast_in_dim3A_81 = vector.shape_cast %reduce_min3A_80 : vector<512xf32> to vector<512x1xf32>
    %bitcast_convert_type3A_82 = tpu.bitcast %broadcast_in_dim3A_81 : vector<512x1xf32> -> vector<512x1xi32>
    %and3A_83 = arith.constant 2047 : i32
    %and3A_84 = vector.broadcast %and3A_83 : i32 to vector<512x1xi32>
    %and3A_85 = arith.andi %bitcast_convert_type3A_82, %and3A_84 : vector<512x1xi32>
    %gt3A_86 = vector.broadcast %broadcast_in_dim3A_81 : vector<512x1xf32> to vector<512x2048xf32>
    %gt3A_87 = arith.cmpf ogt, %bitcast_convert_type3A_38, %gt3A_86 : vector<512x2048xf32>
    %jit3A_88 = arith.constant 9.99999968E+37 : f32
    %broadcast_in_dim3A_89 = vector.broadcast %jit3A_88 : f32 to vector<512x2048xf32>
    %select_n3A_90 = arith.select %gt3A_87, %bitcast_convert_type3A_38, %broadcast_in_dim3A_89 : vector<512x2048xi1>, vector<512x2048xf32>
    %reduce_min3A_91 = arith.constant dense<0x7F800000> : vector<512xf32>
    %reduce_min3A_92 = vector.multi_reduction <minimumf>, %select_n3A_90, %reduce_min3A_91 [1] : vector<512x2048xf32> to vector<512xf32>
    %broadcast_in_dim3A_93 = vector.shape_cast %reduce_min3A_92 : vector<512xf32> to vector<512x1xf32>
    %bitcast_convert_type3A_94 = tpu.bitcast %broadcast_in_dim3A_93 : vector<512x1xf32> -> vector<512x1xi32>
    %and3A_95 = arith.constant 2047 : i32
    %and3A_96 = vector.broadcast %and3A_95 : i32 to vector<512x1xi32>
    %and3A_97 = arith.andi %bitcast_convert_type3A_94, %and3A_96 : vector<512x1xi32>
    %gt3A_98 = vector.broadcast %broadcast_in_dim3A_93 : vector<512x1xf32> to vector<512x2048xf32>
    %gt3A_99 = arith.cmpf ogt, %bitcast_convert_type3A_38, %gt3A_98 : vector<512x2048xf32>
    %jit3A_100 = arith.constant 9.99999968E+37 : f32
    %broadcast_in_dim3A_101 = vector.broadcast %jit3A_100 : f32 to vector<512x2048xf32>
    %select_n3A_102 = arith.select %gt3A_99, %bitcast_convert_type3A_38, %broadcast_in_dim3A_101 : vector<512x2048xi1>, vector<512x2048xf32>
    %reduce_min3A_103 = arith.constant dense<0x7F800000> : vector<512xf32>
    %reduce_min3A_104 = vector.multi_reduction <minimumf>, %select_n3A_102, %reduce_min3A_103 [1] : vector<512x2048xf32> to vector<512xf32>
    %broadcast_in_dim3A_105 = vector.shape_cast %reduce_min3A_104 : vector<512xf32> to vector<512x1xf32>
    %bitcast_convert_type3A_106 = tpu.bitcast %broadcast_in_dim3A_105 : vector<512x1xf32> -> vector<512x1xi32>
    %and3A_107 = arith.constant 2047 : i32
    %and3A_108 = vector.broadcast %and3A_107 : i32 to vector<512x1xi32>
    %and3A_109 = arith.andi %bitcast_convert_type3A_106, %and3A_108 : vector<512x1xi32>
    %gt3A_110 = vector.broadcast %broadcast_in_dim3A_105 : vector<512x1xf32> to vector<512x2048xf32>
    %gt3A_111 = arith.cmpf ogt, %bitcast_convert_type3A_38, %gt3A_110 : vector<512x2048xf32>
    %jit3A_112 = arith.constant 9.99999968E+37 : f32
    %broadcast_in_dim3A_113 = vector.broadcast %jit3A_112 : f32 to vector<512x2048xf32>
    %select_n3A_114 = arith.select %gt3A_111, %bitcast_convert_type3A_38, %broadcast_in_dim3A_113 : vector<512x2048xi1>, vector<512x2048xf32>
    %reduce_min3A_115 = arith.constant dense<0x7F800000> : vector<512xf32>
    %reduce_min3A_116 = vector.multi_reduction <minimumf>, %select_n3A_114, %reduce_min3A_115 [1] : vector<512x2048xf32> to vector<512xf32>
    %broadcast_in_dim3A_117 = vector.shape_cast %reduce_min3A_116 : vector<512xf32> to vector<512x1xf32>
    %bitcast_convert_type3A_118 = tpu.bitcast %broadcast_in_dim3A_117 : vector<512x1xf32> -> vector<512x1xi32>
    %and3A_119 = arith.constant 2047 : i32
    %and3A_120 = vector.broadcast %and3A_119 : i32 to vector<512x1xi32>
    %and3A_121 = arith.andi %bitcast_convert_type3A_118, %and3A_120 : vector<512x1xi32>
    %gt3A_122 = vector.broadcast %broadcast_in_dim3A_117 : vector<512x1xf32> to vector<512x2048xf32>
    %gt3A_123 = arith.cmpf ogt, %bitcast_convert_type3A_38, %gt3A_122 : vector<512x2048xf32>
    %jit3A_124 = arith.constant 9.99999968E+37 : f32
    %broadcast_in_dim3A_125 = vector.broadcast %jit3A_124 : f32 to vector<512x2048xf32>
    %select_n3A_126 = arith.select %gt3A_123, %bitcast_convert_type3A_38, %broadcast_in_dim3A_125 : vector<512x2048xi1>, vector<512x2048xf32>
    %reduce_min3A_127 = arith.constant dense<0x7F800000> : vector<512xf32>
    %reduce_min3A_128 = vector.multi_reduction <minimumf>, %select_n3A_126, %reduce_min3A_127 [1] : vector<512x2048xf32> to vector<512xf32>
    %broadcast_in_dim3A_129 = vector.shape_cast %reduce_min3A_128 : vector<512xf32> to vector<512x1xf32>
    %bitcast_convert_type3A_130 = tpu.bitcast %broadcast_in_dim3A_129 : vector<512x1xf32> -> vector<512x1xi32>
    %and3A_131 = arith.constant 2047 : i32
    %and3A_132 = vector.broadcast %and3A_131 : i32 to vector<512x1xi32>
    %and3A_133 = arith.andi %bitcast_convert_type3A_130, %and3A_132 : vector<512x1xi32>
    %gt3A_134 = vector.broadcast %broadcast_in_dim3A_129 : vector<512x1xf32> to vector<512x2048xf32>
    %gt3A_135 = arith.cmpf ogt, %bitcast_convert_type3A_38, %gt3A_134 : vector<512x2048xf32>
    %jit3A_136 = arith.constant 9.99999968E+37 : f32
    %broadcast_in_dim3A_137 = vector.broadcast %jit3A_136 : f32 to vector<512x2048xf32>
    %select_n3A_138 = arith.select %gt3A_135, %bitcast_convert_type3A_38, %broadcast_in_dim3A_137 : vector<512x2048xi1>, vector<512x2048xf32>
    %reduce_min3A_139 = arith.constant dense<0x7F800000> : vector<512xf32>
    %reduce_min3A_140 = vector.multi_reduction <minimumf>, %select_n3A_138, %reduce_min3A_139 [1] : vector<512x2048xf32> to vector<512xf32>
    %broadcast_in_dim3A_141 = vector.shape_cast %reduce_min3A_140 : vector<512xf32> to vector<512x1xf32>
    %bitcast_convert_type3A_142 = tpu.bitcast %broadcast_in_dim3A_141 : vector<512x1xf32> -> vector<512x1xi32>
    %and3A_143 = arith.constant 2047 : i32
    %and3A_144 = vector.broadcast %and3A_143 : i32 to vector<512x1xi32>
    %and3A_145 = arith.andi %bitcast_convert_type3A_142, %and3A_144 : vector<512x1xi32>
    %gt3A_146 = vector.broadcast %broadcast_in_dim3A_141 : vector<512x1xf32> to vector<512x2048xf32>
    %gt3A_147 = arith.cmpf ogt, %bitcast_convert_type3A_38, %gt3A_146 : vector<512x2048xf32>
    %jit3A_148 = arith.constant 9.99999968E+37 : f32
    %broadcast_in_dim3A_149 = vector.broadcast %jit3A_148 : f32 to vector<512x2048xf32>
    %select_n3A_150 = arith.select %gt3A_147, %bitcast_convert_type3A_38, %broadcast_in_dim3A_149 : vector<512x2048xi1>, vector<512x2048xf32>
    %reduce_min3A_151 = arith.constant dense<0x7F800000> : vector<512xf32>
    %reduce_min3A_152 = vector.multi_reduction <minimumf>, %select_n3A_150, %reduce_min3A_151 [1] : vector<512x2048xf32> to vector<512xf32>
    %broadcast_in_dim3A_153 = vector.shape_cast %reduce_min3A_152 : vector<512xf32> to vector<512x1xf32>
    %bitcast_convert_type3A_154 = tpu.bitcast %broadcast_in_dim3A_153 : vector<512x1xf32> -> vector<512x1xi32>
    %and3A_155 = arith.constant 2047 : i32
    %and3A_156 = vector.broadcast %and3A_155 : i32 to vector<512x1xi32>
    %and3A_157 = arith.andi %bitcast_convert_type3A_154, %and3A_156 : vector<512x1xi32>
    %gt3A_158 = vector.broadcast %broadcast_in_dim3A_153 : vector<512x1xf32> to vector<512x2048xf32>
    %gt3A_159 = arith.cmpf ogt, %bitcast_convert_type3A_38, %gt3A_158 : vector<512x2048xf32>
    %jit3A_160 = arith.constant 9.99999968E+37 : f32
    %broadcast_in_dim3A_161 = vector.broadcast %jit3A_160 : f32 to vector<512x2048xf32>
    %select_n3A_162 = arith.select %gt3A_159, %bitcast_convert_type3A_38, %broadcast_in_dim3A_161 : vector<512x2048xi1>, vector<512x2048xf32>
    %reduce_min3A_163 = arith.constant dense<0x7F800000> : vector<512xf32>
    %reduce_min3A_164 = vector.multi_reduction <minimumf>, %select_n3A_162, %reduce_min3A_163 [1] : vector<512x2048xf32> to vector<512xf32>
    %broadcast_in_dim3A_165 = vector.shape_cast %reduce_min3A_164 : vector<512xf32> to vector<512x1xf32>
    %bitcast_convert_type3A_166 = tpu.bitcast %broadcast_in_dim3A_165 : vector<512x1xf32> -> vector<512x1xi32>
    %and3A_167 = arith.constant 2047 : i32
    %and3A_168 = vector.broadcast %and3A_167 : i32 to vector<512x1xi32>
    %and3A_169 = arith.andi %bitcast_convert_type3A_166, %and3A_168 : vector<512x1xi32>
    %gt3A_170 = vector.broadcast %broadcast_in_dim3A_165 : vector<512x1xf32> to vector<512x2048xf32>
    %gt3A_171 = arith.cmpf ogt, %bitcast_convert_type3A_38, %gt3A_170 : vector<512x2048xf32>
    %jit3A_172 = arith.constant 9.99999968E+37 : f32
    %broadcast_in_dim3A_173 = vector.broadcast %jit3A_172 : f32 to vector<512x2048xf32>
    %select_n3A_174 = arith.select %gt3A_171, %bitcast_convert_type3A_38, %broadcast_in_dim3A_173 : vector<512x2048xi1>, vector<512x2048xf32>
    %reduce_min3A_175 = arith.constant dense<0x7F800000> : vector<512xf32>
    %reduce_min3A_176 = vector.multi_reduction <minimumf>, %select_n3A_174, %reduce_min3A_175 [1] : vector<512x2048xf32> to vector<512xf32>
    %broadcast_in_dim3A_177 = vector.shape_cast %reduce_min3A_176 : vector<512xf32> to vector<512x1xf32>
    %bitcast_convert_type3A_178 = tpu.bitcast %broadcast_in_dim3A_177 : vector<512x1xf32> -> vector<512x1xi32>
    %and3A_179 = arith.constant 2047 : i32
    %and3A_180 = vector.broadcast %and3A_179 : i32 to vector<512x1xi32>
    %and3A_181 = arith.andi %bitcast_convert_type3A_178, %and3A_180 : vector<512x1xi32>
    %gt3A_182 = vector.broadcast %broadcast_in_dim3A_177 : vector<512x1xf32> to vector<512x2048xf32>
    %gt3A_183 = arith.cmpf ogt, %bitcast_convert_type3A_38, %gt3A_182 : vector<512x2048xf32>
    %jit3A_184 = arith.constant 9.99999968E+37 : f32
    %broadcast_in_dim3A_185 = vector.broadcast %jit3A_184 : f32 to vector<512x2048xf32>
    %select_n3A_186 = arith.select %gt3A_183, %bitcast_convert_type3A_38, %broadcast_in_dim3A_185 : vector<512x2048xi1>, vector<512x2048xf32>
    %reduce_min3A_187 = arith.constant dense<0x7F800000> : vector<512xf32>
    %reduce_min3A_188 = vector.multi_reduction <minimumf>, %select_n3A_186, %reduce_min3A_187 [1] : vector<512x2048xf32> to vector<512xf32>
    %broadcast_in_dim3A_189 = vector.shape_cast %reduce_min3A_188 : vector<512xf32> to vector<512x1xf32>
    %bitcast_convert_type3A_190 = tpu.bitcast %broadcast_in_dim3A_189 : vector<512x1xf32> -> vector<512x1xi32>
    %and3A_191 = arith.constant 2047 : i32
    %and3A_192 = vector.broadcast %and3A_191 : i32 to vector<512x1xi32>
    %and3A_193 = arith.andi %bitcast_convert_type3A_190, %and3A_192 : vector<512x1xi32>
    %gt3A_194 = vector.broadcast %broadcast_in_dim3A_189 : vector<512x1xf32> to vector<512x2048xf32>
    %gt3A_195 = arith.cmpf ogt, %bitcast_convert_type3A_38, %gt3A_194 : vector<512x2048xf32>
    %jit3A_196 = arith.constant 9.99999968E+37 : f32
    %broadcast_in_dim3A_197 = vector.broadcast %jit3A_196 : f32 to vector<512x2048xf32>
    %select_n3A_198 = arith.select %gt3A_195, %bitcast_convert_type3A_38, %broadcast_in_dim3A_197 : vector<512x2048xi1>, vector<512x2048xf32>
    %reduce_min3A_199 = arith.constant dense<0x7F800000> : vector<512xf32>
    %reduce_min3A_200 = vector.multi_reduction <minimumf>, %select_n3A_198, %reduce_min3A_199 [1] : vector<512x2048xf32> to vector<512xf32>
    %broadcast_in_dim3A_201 = vector.shape_cast %reduce_min3A_200 : vector<512xf32> to vector<512x1xf32>
    %bitcast_convert_type3A_202 = tpu.bitcast %broadcast_in_dim3A_201 : vector<512x1xf32> -> vector<512x1xi32>
    %and3A_203 = arith.constant 2047 : i32
    %and3A_204 = vector.broadcast %and3A_203 : i32 to vector<512x1xi32>
    %and3A_205 = arith.andi %bitcast_convert_type3A_202, %and3A_204 : vector<512x1xi32>
    %gt3A_206 = vector.broadcast %broadcast_in_dim3A_201 : vector<512x1xf32> to vector<512x2048xf32>
    %gt3A_207 = arith.cmpf ogt, %bitcast_convert_type3A_38, %gt3A_206 : vector<512x2048xf32>
    %jit3A_208 = arith.constant 9.99999968E+37 : f32
    %broadcast_in_dim3A_209 = vector.broadcast %jit3A_208 : f32 to vector<512x2048xf32>
    %select_n3A_210 = arith.select %gt3A_207, %bitcast_convert_type3A_38, %broadcast_in_dim3A_209 : vector<512x2048xi1>, vector<512x2048xf32>
    %reduce_min3A_211 = arith.constant dense<0x7F800000> : vector<512xf32>
    %reduce_min3A_212 = vector.multi_reduction <minimumf>, %select_n3A_210, %reduce_min3A_211 [1] : vector<512x2048xf32> to vector<512xf32>
    %broadcast_in_dim3A_213 = vector.shape_cast %reduce_min3A_212 : vector<512xf32> to vector<512x1xf32>
    %bitcast_convert_type3A_214 = tpu.bitcast %broadcast_in_dim3A_213 : vector<512x1xf32> -> vector<512x1xi32>
    %and3A_215 = arith.constant 2047 : i32
    %and3A_216 = vector.broadcast %and3A_215 : i32 to vector<512x1xi32>
    %and3A_217 = arith.andi %bitcast_convert_type3A_214, %and3A_216 : vector<512x1xi32>
    %gt3A_218 = vector.broadcast %broadcast_in_dim3A_213 : vector<512x1xf32> to vector<512x2048xf32>
    %gt3A_219 = arith.cmpf ogt, %bitcast_convert_type3A_38, %gt3A_218 : vector<512x2048xf32>
    %jit3A_220 = arith.constant 9.99999968E+37 : f32
    %broadcast_in_dim3A_221 = vector.broadcast %jit3A_220 : f32 to vector<512x2048xf32>
    %select_n3A_222 = arith.select %gt3A_219, %bitcast_convert_type3A_38, %broadcast_in_dim3A_221 : vector<512x2048xi1>, vector<512x2048xf32>
    %reduce_min3A_223 = arith.constant dense<0x7F800000> : vector<512xf32>
    %reduce_min3A_224 = vector.multi_reduction <minimumf>, %select_n3A_222, %reduce_min3A_223 [1] : vector<512x2048xf32> to vector<512xf32>
    %broadcast_in_dim3A_225 = vector.shape_cast %reduce_min3A_224 : vector<512xf32> to vector<512x1xf32>
    %bitcast_convert_type3A_226 = tpu.bitcast %broadcast_in_dim3A_225 : vector<512x1xf32> -> vector<512x1xi32>
    %and3A_227 = arith.constant 2047 : i32
    %and3A_228 = vector.broadcast %and3A_227 : i32 to vector<512x1xi32>
    %and3A_229 = arith.andi %bitcast_convert_type3A_226, %and3A_228 : vector<512x1xi32>
    %concatenate3A = tpu.concatenate %and3A_49, %and3A_61, %and3A_73, %and3A_85, %and3A_97, %and3A_109, %and3A_121, %and3A_133, %and3A_145, %and3A_157, %and3A_169, %and3A_181, %and3A_193, %and3A_205, %and3A_217, %and3A_229 in 1 : vector<512x1xi32>, vector<512x1xi32>, vector<512x1xi32>, vector<512x1xi32>, vector<512x1xi32>, vector<512x1xi32>, vector<512x1xi32>, vector<512x1xi32>, vector<512x1xi32>, vector<512x1xi32>, vector<512x1xi32>, vector<512x1xi32>, vector<512x1xi32>, vector<512x1xi32>, vector<512x1xi32>, vector<512x1xi32> -> vector<512x16xi32>
    %mul3A_230 = arith.constant 2048 : i32
    %mul3A_231 = arith.muli %add3A_0, %mul3A_230 : i32
    %add3A_232 = vector.broadcast %mul3A_231 : i32 to vector<512x16xi32>
    %add3A_233 = arith.addi %concatenate3A, %add3A_232 : vector<512x16xi32>
    %swap3A = arith.constant 0 : index
    %swap3A_234 = arith.constant 0 : index
    %swap3A_235 = arith.constant 0 : index
    %swap3A_236 = vector.load %arg4[%swap3A, %swap3A_234, %swap3A_235] : memref<1x512x16xi32, #tpu.memory_space<vmem>>, vector<1x512x16xi32>
    %swap3A_237 = vector.shape_cast %swap3A_236 : vector<1x512x16xi32> to vector<512x16xi32>
    %swap3A_238 = vector.shape_cast %add3A_233 : vector<512x16xi32> to vector<1x512x16xi32>
    tpu.vector_store %arg4[%swap3A, %swap3A_234, %swap3A_235], %swap3A_238 {strides = array<i32>} : memref<1x512x16xi32, #tpu.memory_space<vmem>>, vector<1x512x16xi32>,
    return
  }
  func.func @transform_0(%arg0: i32, %arg1: i32) -> (i32, i32, i32) {
    %add3A = arith.constant 0 : i32
    %add3A_0 = arith.addi %arg0, %add3A : i32
    %c0_i32 = arith.constant 0 : i32
    %c0_i32_1 = arith.constant 0 : i32
    return %add3A_0, %arg1, %c0_i32 : i32, i32, i32
  }
  func.func @transform_1(%arg0: i32, %arg1: i32) -> (i32, i32, i32) {
    %add3A = arith.constant 0 : i32
    %add3A_0 = arith.addi %arg0, %add3A : i32
    %c0_i32 = arith.constant 0 : i32
    %c0_i32_1 = arith.constant 0 : i32
    %c0_i32_2 = arith.constant 0 : i32
    return %add3A_0, %c0_i32, %c0_i32_1 : i32, i32, i32
  }
  func.func @transform_2(%arg0: i32, %arg1: i32) -> (i32, i32, i32) {
    %c0_i32 = arith.constant 0 : i32
    %c0_i32_0 = arith.constant 0 : i32
    return %arg0, %arg1, %c0_i32 : i32, i32, i32
  }
}

module attributes {stable_mosaic.version = 14 : i64} {
  func.func @_mlp_body(%arg0: i32, %arg1: memref<8192x128xf32, #tpu.memory_space<vmem>>, %arg2: memref<512x64xf32, #tpu.memory_space<vmem>>, %arg3: memref<64x64xf32, #tpu.memory_space<vmem>>, %arg4: memref<64x64xf32, #tpu.memory_space<vmem>>, %arg5: memref<64x64xf32, #tpu.memory_space<vmem>>, %arg6: memref<64x64xf32, #tpu.memory_space<vmem>>, %arg7: memref<64x64xf32, #tpu.memory_space<vmem>>, %arg8: memref<1x64xf32, #tpu.memory_space<vmem>>, %arg9: memref<1x64xf32, #tpu.memory_space<vmem>>, %arg10: memref<1x64xf32, #tpu.memory_space<vmem>>, %arg11: memref<1x64xf32, #tpu.memory_space<vmem>>, %arg12: memref<512x64xf32, #tpu.memory_space<vmem>>) attributes {dimension_semantics = [#tpu.dimension_semantics<arbitrary>], iteration_bounds = array<i64: 8>, scalar_prefetch = 0 : i64, scratch_operands = 0 : i64, tpu.core_type = #tpu.core_type<tc>, window_params = [{transform_indices = @transform_0, window_bounds = array<i64: 8192, 128>}, {transform_indices = @transform_1, window_bounds = array<i64: 512, 64>}, {pipeline_mode = #tpu.pipeline_mode<synchronous>, transform_indices = @transform_2, window_bounds = array<i64: 64, 64>}, {pipeline_mode = #tpu.pipeline_mode<synchronous>, transform_indices = @transform_3, window_bounds = array<i64: 64, 64>}, {pipeline_mode = #tpu.pipeline_mode<synchronous>, transform_indices = @transform_4, window_bounds = array<i64: 64, 64>}, {pipeline_mode = #tpu.pipeline_mode<synchronous>, transform_indices = @transform_5, window_bounds = array<i64: 64, 64>}, {pipeline_mode = #tpu.pipeline_mode<synchronous>, transform_indices = @transform_6, window_bounds = array<i64: 64, 64>}, {pipeline_mode = #tpu.pipeline_mode<synchronous>, transform_indices = @transform_7, window_bounds = array<i64: 1, 64>}, {pipeline_mode = #tpu.pipeline_mode<synchronous>, transform_indices = @transform_8, window_bounds = array<i64: 1, 64>}, {pipeline_mode = #tpu.pipeline_mode<synchronous>, transform_indices = @transform_9, window_bounds = array<i64: 1, 64>}, {pipeline_mode = #tpu.pipeline_mode<synchronous>, transform_indices = @transform_10, window_bounds = array<i64: 1, 64>}, {transform_indices = @transform_11, window_bounds = array<i64: 512, 64>}]} {
    %get3A = arith.constant 0 : index
    %get3A_0 = arith.constant 0 : index
    %get3A_1 = vector.load %arg2[%get3A, %get3A_0] : memref<512x64xf32, #tpu.memory_space<vmem>>, vector<512x64xf32>
    %get3A_2 = arith.constant 0 : index
    %get3A_3 = arith.constant 0 : index
    %get3A_4 = vector.load %arg1[%get3A_2, %get3A_3] : memref<8192x128xf32, #tpu.memory_space<vmem>>, vector<8192x64xf32>
    %reshape3A = vector.shape_cast %get3A_4 : vector<8192x64xf32> to vector<512x16x64xf32>
    %broadcast_in_dim3A = vector.shape_cast %get3A_1 : vector<512x64xf32> to vector<512x1x64xf32>
    %sub3A = vector.broadcast %broadcast_in_dim3A : vector<512x1x64xf32> to vector<512x16x64xf32>
    %sub3A_5 = arith.subf %reshape3A, %sub3A : vector<512x16x64xf32>
    %get3A_6 = arith.constant 0 : index
    %get3A_7 = arith.constant 0 : index
    %get3A_8 = vector.load %arg3[%get3A_6, %get3A_7] : memref<64x64xf32, #tpu.memory_space<vmem>>, vector<64x64xf32>
    %dot_general3A = arith.constant dense<0.000000e+00> : vector<512x64xf32>
    %dot_general3A_9 = tpu.matmul %get3A_1, %get3A_8, %dot_general3A {dimension_numbers = #tpu.dot_dimension_numbers<[1], [0], [0], [1], [0, 0, 1, 1], [], []>, transpose_lhs_hint = false} : vector<512x64xf32>, vector<64x64xf32>, vector<512x64xf32> -> vector<512x64xf32>
    %reshape3A_10 = vector.shape_cast %sub3A_5 : vector<512x16x64xf32> to vector<8192x64xf32>
    %get3A_11 = arith.constant 0 : index
    %get3A_12 = arith.constant 0 : index
    %get3A_13 = vector.load %arg4[%get3A_11, %get3A_12] : memref<64x64xf32, #tpu.memory_space<vmem>>, vector<64x64xf32>
    %dot_general3A_14 = arith.constant dense<0.000000e+00> : vector<8192x64xf32>
    %dot_general3A_15 = tpu.matmul %reshape3A_10, %get3A_13, %dot_general3A_14 {dimension_numbers = #tpu.dot_dimension_numbers<[1], [0], [0], [1], [0, 0, 1, 1], [], []>, transpose_lhs_hint = false} : vector<8192x64xf32>, vector<64x64xf32>, vector<8192x64xf32> -> vector<8192x64xf32>
    %reshape3A_16 = vector.shape_cast %dot_general3A_15 : vector<8192x64xf32> to vector<512x16x64xf32>
    %broadcast_in_dim3A_17 = vector.shape_cast %dot_general3A_9 : vector<512x64xf32> to vector<512x1x64xf32>
    %add3A = vector.broadcast %broadcast_in_dim3A_17 : vector<512x1x64xf32> to vector<512x16x64xf32>
    %add3A_18 = arith.addf %reshape3A_16, %add3A : vector<512x16x64xf32>
    %get3A_19 = arith.constant 0 : index
    %get3A_20 = arith.constant 0 : index
    %get3A_21 = vector.load %arg8[%get3A_19, %get3A_20] : memref<1x64xf32, #tpu.memory_space<vmem>>, vector<1x64xf32>
    %broadcast_in_dim3A_22 = vector.shape_cast %get3A_21 : vector<1x64xf32> to vector<1x1x64xf32>
    %add3A_23 = vector.broadcast %broadcast_in_dim3A_22 : vector<1x1x64xf32> to vector<512x16x64xf32>
    %add3A_24 = arith.addf %add3A_18, %add3A_23 : vector<512x16x64xf32>
    %max3A = arith.constant 0.000000e+00 : f32
    %max3A_25 = vector.broadcast %max3A : f32 to vector<512x16x64xf32>
    %max3A_26 = arith.maximumf %add3A_24, %max3A_25 : vector<512x16x64xf32>
    %reshape3A_27 = vector.shape_cast %max3A_26 : vector<512x16x64xf32> to vector<8192x64xf32>
    %get3A_28 = arith.constant 0 : index
    %get3A_29 = arith.constant 0 : index
    %get3A_30 = vector.load %arg5[%get3A_28, %get3A_29] : memref<64x64xf32, #tpu.memory_space<vmem>>, vector<64x64xf32>
    %dot_general3A_31 = arith.constant dense<0.000000e+00> : vector<8192x64xf32>
    %dot_general3A_32 = tpu.matmul %reshape3A_27, %get3A_30, %dot_general3A_31 {dimension_numbers = #tpu.dot_dimension_numbers<[1], [0], [0], [1], [0, 0, 1, 1], [], []>, transpose_lhs_hint = false} : vector<8192x64xf32>, vector<64x64xf32>, vector<8192x64xf32> -> vector<8192x64xf32>
    %get3A_33 = arith.constant 0 : index
    %get3A_34 = arith.constant 0 : index
    %get3A_35 = vector.load %arg9[%get3A_33, %get3A_34] : memref<1x64xf32, #tpu.memory_space<vmem>>, vector<1x64xf32>
    %add3A_36 = vector.broadcast %get3A_35 : vector<1x64xf32> to vector<8192x64xf32>
    %add3A_37 = arith.addf %dot_general3A_32, %add3A_36 : vector<8192x64xf32>
    %max3A_38 = arith.constant 0.000000e+00 : f32
    %max3A_39 = vector.broadcast %max3A_38 : f32 to vector<8192x64xf32>
    %max3A_40 = arith.maximumf %add3A_37, %max3A_39 : vector<8192x64xf32>
    %get3A_41 = arith.constant 0 : index
    %get3A_42 = arith.constant 0 : index
    %get3A_43 = vector.load %arg6[%get3A_41, %get3A_42] : memref<64x64xf32, #tpu.memory_space<vmem>>, vector<64x64xf32>
    %dot_general3A_44 = arith.constant dense<0.000000e+00> : vector<8192x64xf32>
    %dot_general3A_45 = tpu.matmul %max3A_40, %get3A_43, %dot_general3A_44 {dimension_numbers = #tpu.dot_dimension_numbers<[1], [0], [0], [1], [0, 0, 1, 1], [], []>, transpose_lhs_hint = false} : vector<8192x64xf32>, vector<64x64xf32>, vector<8192x64xf32> -> vector<8192x64xf32>
    %get3A_46 = arith.constant 0 : index
    %get3A_47 = arith.constant 0 : index
    %get3A_48 = vector.load %arg10[%get3A_46, %get3A_47] : memref<1x64xf32, #tpu.memory_space<vmem>>, vector<1x64xf32>
    %add3A_49 = vector.broadcast %get3A_48 : vector<1x64xf32> to vector<8192x64xf32>
    %add3A_50 = arith.addf %dot_general3A_45, %add3A_49 : vector<8192x64xf32>
    %max3A_51 = arith.constant 0.000000e+00 : f32
    %max3A_52 = vector.broadcast %max3A_51 : f32 to vector<8192x64xf32>
    %max3A_53 = arith.maximumf %add3A_50, %max3A_52 : vector<8192x64xf32>
    %reshape3A_54 = vector.shape_cast %max3A_53 : vector<8192x64xf32> to vector<512x16x64xf32>
    %reduce_sum3A = arith.constant dense<0.000000e+00> : vector<512x64xf32>
    %reduce_sum3A_55 = vector.multi_reduction <add>, %reshape3A_54, %reduce_sum3A [1] : vector<512x16x64xf32> to vector<512x64xf32>
    %mul3A = arith.constant 6.250000e-02 : f32
    %mul3A_56 = vector.broadcast %mul3A : f32 to vector<512x64xf32>
    %mul3A_57 = arith.mulf %reduce_sum3A_55, %mul3A_56 : vector<512x64xf32>
    %get3A_58 = arith.constant 0 : index
    %get3A_59 = arith.constant 0 : index
    %get3A_60 = vector.load %arg7[%get3A_58, %get3A_59] : memref<64x64xf32, #tpu.memory_space<vmem>>, vector<64x64xf32>
    %dot_general3A_61 = arith.constant dense<0.000000e+00> : vector<512x64xf32>
    %dot_general3A_62 = tpu.matmul %get3A_1, %get3A_60, %dot_general3A_61 {dimension_numbers = #tpu.dot_dimension_numbers<[1], [0], [0], [1], [0, 0, 1, 1], [], []>, transpose_lhs_hint = false} : vector<512x64xf32>, vector<64x64xf32>, vector<512x64xf32> -> vector<512x64xf32>
    %get3A_63 = arith.constant 0 : index
    %get3A_64 = arith.constant 0 : index
    %get3A_65 = vector.load %arg11[%get3A_63, %get3A_64] : memref<1x64xf32, #tpu.memory_space<vmem>>, vector<1x64xf32>
    %add3A_66 = vector.broadcast %get3A_65 : vector<1x64xf32> to vector<512x64xf32>
    %add3A_67 = arith.addf %dot_general3A_62, %add3A_66 : vector<512x64xf32>
    %add3A_68 = arith.addf %add3A_67, %mul3A_57 : vector<512x64xf32>
    %max3A_69 = arith.constant 0.000000e+00 : f32
    %max3A_70 = vector.broadcast %max3A_69 : f32 to vector<512x64xf32>
    %max3A_71 = arith.maximumf %add3A_68, %max3A_70 : vector<512x64xf32>
    %swap3A = arith.constant 0 : index
    %swap3A_72 = arith.constant 0 : index
    %swap3A_73 = vector.load %arg12[%swap3A, %swap3A_72] : memref<512x64xf32, #tpu.memory_space<vmem>>, vector<512x64xf32>
    tpu.vector_store %arg12[%swap3A, %swap3A_72], %max3A_71 {strides = array<i32>} : memref<512x64xf32, #tpu.memory_space<vmem>>, vector<512x64xf32>,
    return
  }
  func.func @transform_0(%arg0: i32) -> (i32, i32) {
    %c0_i32 = arith.constant 0 : i32
    %c0_i32_0 = arith.constant 0 : i32
    return %arg0, %c0_i32 : i32, i32
  }
  func.func @transform_1(%arg0: i32) -> (i32, i32) {
    %add3A = arith.constant 24 : i32
    %add3A_0 = arith.addi %arg0, %add3A : i32
    %c0_i32 = arith.constant 0 : i32
    %c0_i32_1 = arith.constant 0 : i32
    return %add3A_0, %c0_i32 : i32, i32
  }
  func.func @transform_2(%arg0: i32) -> (i32, i32) {
    %c0_i32 = arith.constant 0 : i32
    %c0_i32_0 = arith.constant 0 : i32
    %c0_i32_1 = arith.constant 0 : i32
    return %c0_i32, %c0_i32_0 : i32, i32
  }
  func.func @transform_3(%arg0: i32) -> (i32, i32) {
    %c0_i32 = arith.constant 0 : i32
    %c0_i32_0 = arith.constant 0 : i32
    %c0_i32_1 = arith.constant 0 : i32
    return %c0_i32, %c0_i32_0 : i32, i32
  }
  func.func @transform_4(%arg0: i32) -> (i32, i32) {
    %c0_i32 = arith.constant 0 : i32
    %c0_i32_0 = arith.constant 0 : i32
    %c0_i32_1 = arith.constant 0 : i32
    return %c0_i32, %c0_i32_0 : i32, i32
  }
  func.func @transform_5(%arg0: i32) -> (i32, i32) {
    %c0_i32 = arith.constant 0 : i32
    %c0_i32_0 = arith.constant 0 : i32
    %c0_i32_1 = arith.constant 0 : i32
    return %c0_i32, %c0_i32_0 : i32, i32
  }
  func.func @transform_6(%arg0: i32) -> (i32, i32) {
    %c0_i32 = arith.constant 0 : i32
    %c0_i32_0 = arith.constant 0 : i32
    %c0_i32_1 = arith.constant 0 : i32
    return %c0_i32, %c0_i32_0 : i32, i32
  }
  func.func @transform_7(%arg0: i32) -> (i32, i32) {
    %c0_i32 = arith.constant 0 : i32
    %c0_i32_0 = arith.constant 0 : i32
    %c0_i32_1 = arith.constant 0 : i32
    return %c0_i32, %c0_i32_0 : i32, i32
  }
  func.func @transform_8(%arg0: i32) -> (i32, i32) {
    %c0_i32 = arith.constant 0 : i32
    %c0_i32_0 = arith.constant 0 : i32
    %c0_i32_1 = arith.constant 0 : i32
    return %c0_i32, %c0_i32_0 : i32, i32
  }
  func.func @transform_9(%arg0: i32) -> (i32, i32) {
    %c0_i32 = arith.constant 0 : i32
    %c0_i32_0 = arith.constant 0 : i32
    %c0_i32_1 = arith.constant 0 : i32
    return %c0_i32, %c0_i32_0 : i32, i32
  }
  func.func @transform_10(%arg0: i32) -> (i32, i32) {
    %c0_i32 = arith.constant 0 : i32
    %c0_i32_0 = arith.constant 0 : i32
    %c0_i32_1 = arith.constant 0 : i32
    return %c0_i32, %c0_i32_0 : i32, i32
  }
  func.func @transform_11(%arg0: i32) -> (i32, i32) {
    %c0_i32 = arith.constant 0 : i32
    %c0_i32_0 = arith.constant 0 : i32
    return %arg0, %c0_i32 : i32, i32
  }
}

module attributes {stable_mosaic.version = 14 : i64} {
  func.func @_mlp_body(%arg0: i32, %arg1: memref<8192x128xf32, #tpu.memory_space<vmem>>, %arg2: memref<512x64xf32, #tpu.memory_space<vmem>>, %arg3: memref<64x64xf32, #tpu.memory_space<vmem>>, %arg4: memref<64x64xf32, #tpu.memory_space<vmem>>, %arg5: memref<64x64xf32, #tpu.memory_space<vmem>>, %arg6: memref<64x64xf32, #tpu.memory_space<vmem>>, %arg7: memref<64x64xf32, #tpu.memory_space<vmem>>, %arg8: memref<1x64xf32, #tpu.memory_space<vmem>>, %arg9: memref<1x64xf32, #tpu.memory_space<vmem>>, %arg10: memref<1x64xf32, #tpu.memory_space<vmem>>, %arg11: memref<1x64xf32, #tpu.memory_space<vmem>>, %arg12: memref<512x64xf32, #tpu.memory_space<vmem>>) attributes {dimension_semantics = [#tpu.dimension_semantics<arbitrary>], iteration_bounds = array<i64: 8>, scalar_prefetch = 0 : i64, scratch_operands = 0 : i64, tpu.core_type = #tpu.core_type<tc>, window_params = [{transform_indices = @transform_0, window_bounds = array<i64: 8192, 128>}, {transform_indices = @transform_1, window_bounds = array<i64: 512, 64>}, {pipeline_mode = #tpu.pipeline_mode<synchronous>, transform_indices = @transform_2, window_bounds = array<i64: 64, 64>}, {pipeline_mode = #tpu.pipeline_mode<synchronous>, transform_indices = @transform_3, window_bounds = array<i64: 64, 64>}, {pipeline_mode = #tpu.pipeline_mode<synchronous>, transform_indices = @transform_4, window_bounds = array<i64: 64, 64>}, {pipeline_mode = #tpu.pipeline_mode<synchronous>, transform_indices = @transform_5, window_bounds = array<i64: 64, 64>}, {pipeline_mode = #tpu.pipeline_mode<synchronous>, transform_indices = @transform_6, window_bounds = array<i64: 64, 64>}, {pipeline_mode = #tpu.pipeline_mode<synchronous>, transform_indices = @transform_7, window_bounds = array<i64: 1, 64>}, {pipeline_mode = #tpu.pipeline_mode<synchronous>, transform_indices = @transform_8, window_bounds = array<i64: 1, 64>}, {pipeline_mode = #tpu.pipeline_mode<synchronous>, transform_indices = @transform_9, window_bounds = array<i64: 1, 64>}, {pipeline_mode = #tpu.pipeline_mode<synchronous>, transform_indices = @transform_10, window_bounds = array<i64: 1, 64>}, {transform_indices = @transform_11, window_bounds = array<i64: 512, 64>}]} {
    %get3A = arith.constant 0 : index
    %get3A_0 = arith.constant 0 : index
    %get3A_1 = vector.load %arg2[%get3A, %get3A_0] : memref<512x64xf32, #tpu.memory_space<vmem>>, vector<512x64xf32>
    %get3A_2 = arith.constant 0 : index
    %get3A_3 = arith.constant 0 : index
    %get3A_4 = vector.load %arg1[%get3A_2, %get3A_3] : memref<8192x128xf32, #tpu.memory_space<vmem>>, vector<8192x64xf32>
    %reshape3A = vector.shape_cast %get3A_4 : vector<8192x64xf32> to vector<512x16x64xf32>
    %broadcast_in_dim3A = vector.shape_cast %get3A_1 : vector<512x64xf32> to vector<512x1x64xf32>
    %sub3A = vector.broadcast %broadcast_in_dim3A : vector<512x1x64xf32> to vector<512x16x64xf32>
    %sub3A_5 = arith.subf %reshape3A, %sub3A : vector<512x16x64xf32>
    %get3A_6 = arith.constant 0 : index
    %get3A_7 = arith.constant 0 : index
    %get3A_8 = vector.load %arg3[%get3A_6, %get3A_7] : memref<64x64xf32, #tpu.memory_space<vmem>>, vector<64x64xf32>
    %dot_general3A = arith.constant dense<0.000000e+00> : vector<512x64xf32>
    %dot_general3A_9 = tpu.matmul %get3A_1, %get3A_8, %dot_general3A {dimension_numbers = #tpu.dot_dimension_numbers<[1], [0], [0], [1], [0, 0, 1, 1], [], []>, transpose_lhs_hint = false} : vector<512x64xf32>, vector<64x64xf32>, vector<512x64xf32> -> vector<512x64xf32>
    %reshape3A_10 = vector.shape_cast %sub3A_5 : vector<512x16x64xf32> to vector<8192x64xf32>
    %get3A_11 = arith.constant 0 : index
    %get3A_12 = arith.constant 0 : index
    %get3A_13 = vector.load %arg4[%get3A_11, %get3A_12] : memref<64x64xf32, #tpu.memory_space<vmem>>, vector<64x64xf32>
    %dot_general3A_14 = arith.constant dense<0.000000e+00> : vector<8192x64xf32>
    %dot_general3A_15 = tpu.matmul %reshape3A_10, %get3A_13, %dot_general3A_14 {dimension_numbers = #tpu.dot_dimension_numbers<[1], [0], [0], [1], [0, 0, 1, 1], [], []>, transpose_lhs_hint = false} : vector<8192x64xf32>, vector<64x64xf32>, vector<8192x64xf32> -> vector<8192x64xf32>
    %reshape3A_16 = vector.shape_cast %dot_general3A_15 : vector<8192x64xf32> to vector<512x16x64xf32>
    %broadcast_in_dim3A_17 = vector.shape_cast %dot_general3A_9 : vector<512x64xf32> to vector<512x1x64xf32>
    %add3A = vector.broadcast %broadcast_in_dim3A_17 : vector<512x1x64xf32> to vector<512x16x64xf32>
    %add3A_18 = arith.addf %reshape3A_16, %add3A : vector<512x16x64xf32>
    %get3A_19 = arith.constant 0 : index
    %get3A_20 = arith.constant 0 : index
    %get3A_21 = vector.load %arg8[%get3A_19, %get3A_20] : memref<1x64xf32, #tpu.memory_space<vmem>>, vector<1x64xf32>
    %broadcast_in_dim3A_22 = vector.shape_cast %get3A_21 : vector<1x64xf32> to vector<1x1x64xf32>
    %add3A_23 = vector.broadcast %broadcast_in_dim3A_22 : vector<1x1x64xf32> to vector<512x16x64xf32>
    %add3A_24 = arith.addf %add3A_18, %add3A_23 : vector<512x16x64xf32>
    %max3A = arith.constant 0.000000e+00 : f32
    %max3A_25 = vector.broadcast %max3A : f32 to vector<512x16x64xf32>
    %max3A_26 = arith.maximumf %add3A_24, %max3A_25 : vector<512x16x64xf32>
    %reshape3A_27 = vector.shape_cast %max3A_26 : vector<512x16x64xf32> to vector<8192x64xf32>
    %get3A_28 = arith.constant 0 : index
    %get3A_29 = arith.constant 0 : index
    %get3A_30 = vector.load %arg5[%get3A_28, %get3A_29] : memref<64x64xf32, #tpu.memory_space<vmem>>, vector<64x64xf32>
    %dot_general3A_31 = arith.constant dense<0.000000e+00> : vector<8192x64xf32>
    %dot_general3A_32 = tpu.matmul %reshape3A_27, %get3A_30, %dot_general3A_31 {dimension_numbers = #tpu.dot_dimension_numbers<[1], [0], [0], [1], [0, 0, 1, 1], [], []>, transpose_lhs_hint = false} : vector<8192x64xf32>, vector<64x64xf32>, vector<8192x64xf32> -> vector<8192x64xf32>
    %get3A_33 = arith.constant 0 : index
    %get3A_34 = arith.constant 0 : index
    %get3A_35 = vector.load %arg9[%get3A_33, %get3A_34] : memref<1x64xf32, #tpu.memory_space<vmem>>, vector<1x64xf32>
    %add3A_36 = vector.broadcast %get3A_35 : vector<1x64xf32> to vector<8192x64xf32>
    %add3A_37 = arith.addf %dot_general3A_32, %add3A_36 : vector<8192x64xf32>
    %max3A_38 = arith.constant 0.000000e+00 : f32
    %max3A_39 = vector.broadcast %max3A_38 : f32 to vector<8192x64xf32>
    %max3A_40 = arith.maximumf %add3A_37, %max3A_39 : vector<8192x64xf32>
    %get3A_41 = arith.constant 0 : index
    %get3A_42 = arith.constant 0 : index
    %get3A_43 = vector.load %arg6[%get3A_41, %get3A_42] : memref<64x64xf32, #tpu.memory_space<vmem>>, vector<64x64xf32>
    %dot_general3A_44 = arith.constant dense<0.000000e+00> : vector<8192x64xf32>
    %dot_general3A_45 = tpu.matmul %max3A_40, %get3A_43, %dot_general3A_44 {dimension_numbers = #tpu.dot_dimension_numbers<[1], [0], [0], [1], [0, 0, 1, 1], [], []>, transpose_lhs_hint = false} : vector<8192x64xf32>, vector<64x64xf32>, vector<8192x64xf32> -> vector<8192x64xf32>
    %get3A_46 = arith.constant 0 : index
    %get3A_47 = arith.constant 0 : index
    %get3A_48 = vector.load %arg10[%get3A_46, %get3A_47] : memref<1x64xf32, #tpu.memory_space<vmem>>, vector<1x64xf32>
    %add3A_49 = vector.broadcast %get3A_48 : vector<1x64xf32> to vector<8192x64xf32>
    %add3A_50 = arith.addf %dot_general3A_45, %add3A_49 : vector<8192x64xf32>
    %max3A_51 = arith.constant 0.000000e+00 : f32
    %max3A_52 = vector.broadcast %max3A_51 : f32 to vector<8192x64xf32>
    %max3A_53 = arith.maximumf %add3A_50, %max3A_52 : vector<8192x64xf32>
    %reshape3A_54 = vector.shape_cast %max3A_53 : vector<8192x64xf32> to vector<512x16x64xf32>
    %reduce_sum3A = arith.constant dense<0.000000e+00> : vector<512x64xf32>
    %reduce_sum3A_55 = vector.multi_reduction <add>, %reshape3A_54, %reduce_sum3A [1] : vector<512x16x64xf32> to vector<512x64xf32>
    %mul3A = arith.constant 6.250000e-02 : f32
    %mul3A_56 = vector.broadcast %mul3A : f32 to vector<512x64xf32>
    %mul3A_57 = arith.mulf %reduce_sum3A_55, %mul3A_56 : vector<512x64xf32>
    %get3A_58 = arith.constant 0 : index
    %get3A_59 = arith.constant 0 : index
    %get3A_60 = vector.load %arg7[%get3A_58, %get3A_59] : memref<64x64xf32, #tpu.memory_space<vmem>>, vector<64x64xf32>
    %dot_general3A_61 = arith.constant dense<0.000000e+00> : vector<512x64xf32>
    %dot_general3A_62 = tpu.matmul %get3A_1, %get3A_60, %dot_general3A_61 {dimension_numbers = #tpu.dot_dimension_numbers<[1], [0], [0], [1], [0, 0, 1, 1], [], []>, transpose_lhs_hint = false} : vector<512x64xf32>, vector<64x64xf32>, vector<512x64xf32> -> vector<512x64xf32>
    %get3A_63 = arith.constant 0 : index
    %get3A_64 = arith.constant 0 : index
    %get3A_65 = vector.load %arg11[%get3A_63, %get3A_64] : memref<1x64xf32, #tpu.memory_space<vmem>>, vector<1x64xf32>
    %add3A_66 = vector.broadcast %get3A_65 : vector<1x64xf32> to vector<512x64xf32>
    %add3A_67 = arith.addf %dot_general3A_62, %add3A_66 : vector<512x64xf32>
    %add3A_68 = arith.addf %add3A_67, %mul3A_57 : vector<512x64xf32>
    %max3A_69 = arith.constant 0.000000e+00 : f32
    %max3A_70 = vector.broadcast %max3A_69 : f32 to vector<512x64xf32>
    %max3A_71 = arith.maximumf %add3A_68, %max3A_70 : vector<512x64xf32>
    %swap3A = arith.constant 0 : index
    %swap3A_72 = arith.constant 0 : index
    %swap3A_73 = vector.load %arg12[%swap3A, %swap3A_72] : memref<512x64xf32, #tpu.memory_space<vmem>>, vector<512x64xf32>
    tpu.vector_store %arg12[%swap3A, %swap3A_72], %max3A_71 {strides = array<i32>} : memref<512x64xf32, #tpu.memory_space<vmem>>, vector<512x64xf32>,
    return
  }
  func.func @transform_0(%arg0: i32) -> (i32, i32) {
    %c0_i32 = arith.constant 0 : i32
    %c0_i32_0 = arith.constant 0 : i32
    return %arg0, %c0_i32 : i32, i32
  }
  func.func @transform_1(%arg0: i32) -> (i32, i32) {
    %add3A = arith.constant 16 : i32
    %add3A_0 = arith.addi %arg0, %add3A : i32
    %c0_i32 = arith.constant 0 : i32
    %c0_i32_1 = arith.constant 0 : i32
    return %add3A_0, %c0_i32 : i32, i32
  }
  func.func @transform_2(%arg0: i32) -> (i32, i32) {
    %c0_i32 = arith.constant 0 : i32
    %c0_i32_0 = arith.constant 0 : i32
    %c0_i32_1 = arith.constant 0 : i32
    return %c0_i32, %c0_i32_0 : i32, i32
  }
  func.func @transform_3(%arg0: i32) -> (i32, i32) {
    %c0_i32 = arith.constant 0 : i32
    %c0_i32_0 = arith.constant 0 : i32
    %c0_i32_1 = arith.constant 0 : i32
    return %c0_i32, %c0_i32_0 : i32, i32
  }
  func.func @transform_4(%arg0: i32) -> (i32, i32) {
    %c0_i32 = arith.constant 0 : i32
    %c0_i32_0 = arith.constant 0 : i32
    %c0_i32_1 = arith.constant 0 : i32
    return %c0_i32, %c0_i32_0 : i32, i32
  }
  func.func @transform_5(%arg0: i32) -> (i32, i32) {
    %c0_i32 = arith.constant 0 : i32
    %c0_i32_0 = arith.constant 0 : i32
    %c0_i32_1 = arith.constant 0 : i32
    return %c0_i32, %c0_i32_0 : i32, i32
  }
  func.func @transform_6(%arg0: i32) -> (i32, i32) {
    %c0_i32 = arith.constant 0 : i32
    %c0_i32_0 = arith.constant 0 : i32
    %c0_i32_1 = arith.constant 0 : i32
    return %c0_i32, %c0_i32_0 : i32, i32
  }
  func.func @transform_7(%arg0: i32) -> (i32, i32) {
    %c0_i32 = arith.constant 0 : i32
    %c0_i32_0 = arith.constant 0 : i32
    %c0_i32_1 = arith.constant 0 : i32
    return %c0_i32, %c0_i32_0 : i32, i32
  }
  func.func @transform_8(%arg0: i32) -> (i32, i32) {
    %c0_i32 = arith.constant 0 : i32
    %c0_i32_0 = arith.constant 0 : i32
    %c0_i32_1 = arith.constant 0 : i32
    return %c0_i32, %c0_i32_0 : i32, i32
  }
  func.func @transform_9(%arg0: i32) -> (i32, i32) {
    %c0_i32 = arith.constant 0 : i32
    %c0_i32_0 = arith.constant 0 : i32
    %c0_i32_1 = arith.constant 0 : i32
    return %c0_i32, %c0_i32_0 : i32, i32
  }
  func.func @transform_10(%arg0: i32) -> (i32, i32) {
    %c0_i32 = arith.constant 0 : i32
    %c0_i32_0 = arith.constant 0 : i32
    %c0_i32_1 = arith.constant 0 : i32
    return %c0_i32, %c0_i32_0 : i32, i32
  }
  func.func @transform_11(%arg0: i32) -> (i32, i32) {
    %c0_i32 = arith.constant 0 : i32
    %c0_i32_0 = arith.constant 0 : i32
    return %arg0, %c0_i32 : i32, i32
  }
}

module attributes {stable_mosaic.version = 14 : i64} {
  func.func @_mlp_body(%arg0: i32, %arg1: memref<8192x128xf32, #tpu.memory_space<vmem>>, %arg2: memref<512x64xf32, #tpu.memory_space<vmem>>, %arg3: memref<64x64xf32, #tpu.memory_space<vmem>>, %arg4: memref<64x64xf32, #tpu.memory_space<vmem>>, %arg5: memref<64x64xf32, #tpu.memory_space<vmem>>, %arg6: memref<64x64xf32, #tpu.memory_space<vmem>>, %arg7: memref<64x64xf32, #tpu.memory_space<vmem>>, %arg8: memref<1x64xf32, #tpu.memory_space<vmem>>, %arg9: memref<1x64xf32, #tpu.memory_space<vmem>>, %arg10: memref<1x64xf32, #tpu.memory_space<vmem>>, %arg11: memref<1x64xf32, #tpu.memory_space<vmem>>, %arg12: memref<512x64xf32, #tpu.memory_space<vmem>>) attributes {dimension_semantics = [#tpu.dimension_semantics<arbitrary>], iteration_bounds = array<i64: 8>, scalar_prefetch = 0 : i64, scratch_operands = 0 : i64, tpu.core_type = #tpu.core_type<tc>, window_params = [{transform_indices = @transform_0, window_bounds = array<i64: 8192, 128>}, {transform_indices = @transform_1, window_bounds = array<i64: 512, 64>}, {pipeline_mode = #tpu.pipeline_mode<synchronous>, transform_indices = @transform_2, window_bounds = array<i64: 64, 64>}, {pipeline_mode = #tpu.pipeline_mode<synchronous>, transform_indices = @transform_3, window_bounds = array<i64: 64, 64>}, {pipeline_mode = #tpu.pipeline_mode<synchronous>, transform_indices = @transform_4, window_bounds = array<i64: 64, 64>}, {pipeline_mode = #tpu.pipeline_mode<synchronous>, transform_indices = @transform_5, window_bounds = array<i64: 64, 64>}, {pipeline_mode = #tpu.pipeline_mode<synchronous>, transform_indices = @transform_6, window_bounds = array<i64: 64, 64>}, {pipeline_mode = #tpu.pipeline_mode<synchronous>, transform_indices = @transform_7, window_bounds = array<i64: 1, 64>}, {pipeline_mode = #tpu.pipeline_mode<synchronous>, transform_indices = @transform_8, window_bounds = array<i64: 1, 64>}, {pipeline_mode = #tpu.pipeline_mode<synchronous>, transform_indices = @transform_9, window_bounds = array<i64: 1, 64>}, {pipeline_mode = #tpu.pipeline_mode<synchronous>, transform_indices = @transform_10, window_bounds = array<i64: 1, 64>}, {transform_indices = @transform_11, window_bounds = array<i64: 512, 64>}]} {
    %get3A = arith.constant 0 : index
    %get3A_0 = arith.constant 0 : index
    %get3A_1 = vector.load %arg2[%get3A, %get3A_0] : memref<512x64xf32, #tpu.memory_space<vmem>>, vector<512x64xf32>
    %get3A_2 = arith.constant 0 : index
    %get3A_3 = arith.constant 0 : index
    %get3A_4 = vector.load %arg1[%get3A_2, %get3A_3] : memref<8192x128xf32, #tpu.memory_space<vmem>>, vector<8192x64xf32>
    %reshape3A = vector.shape_cast %get3A_4 : vector<8192x64xf32> to vector<512x16x64xf32>
    %broadcast_in_dim3A = vector.shape_cast %get3A_1 : vector<512x64xf32> to vector<512x1x64xf32>
    %sub3A = vector.broadcast %broadcast_in_dim3A : vector<512x1x64xf32> to vector<512x16x64xf32>
    %sub3A_5 = arith.subf %reshape3A, %sub3A : vector<512x16x64xf32>
    %get3A_6 = arith.constant 0 : index
    %get3A_7 = arith.constant 0 : index
    %get3A_8 = vector.load %arg3[%get3A_6, %get3A_7] : memref<64x64xf32, #tpu.memory_space<vmem>>, vector<64x64xf32>
    %dot_general3A = arith.constant dense<0.000000e+00> : vector<512x64xf32>
    %dot_general3A_9 = tpu.matmul %get3A_1, %get3A_8, %dot_general3A {dimension_numbers = #tpu.dot_dimension_numbers<[1], [0], [0], [1], [0, 0, 1, 1], [], []>, transpose_lhs_hint = false} : vector<512x64xf32>, vector<64x64xf32>, vector<512x64xf32> -> vector<512x64xf32>
    %reshape3A_10 = vector.shape_cast %sub3A_5 : vector<512x16x64xf32> to vector<8192x64xf32>
    %get3A_11 = arith.constant 0 : index
    %get3A_12 = arith.constant 0 : index
    %get3A_13 = vector.load %arg4[%get3A_11, %get3A_12] : memref<64x64xf32, #tpu.memory_space<vmem>>, vector<64x64xf32>
    %dot_general3A_14 = arith.constant dense<0.000000e+00> : vector<8192x64xf32>
    %dot_general3A_15 = tpu.matmul %reshape3A_10, %get3A_13, %dot_general3A_14 {dimension_numbers = #tpu.dot_dimension_numbers<[1], [0], [0], [1], [0, 0, 1, 1], [], []>, transpose_lhs_hint = false} : vector<8192x64xf32>, vector<64x64xf32>, vector<8192x64xf32> -> vector<8192x64xf32>
    %reshape3A_16 = vector.shape_cast %dot_general3A_15 : vector<8192x64xf32> to vector<512x16x64xf32>
    %broadcast_in_dim3A_17 = vector.shape_cast %dot_general3A_9 : vector<512x64xf32> to vector<512x1x64xf32>
    %add3A = vector.broadcast %broadcast_in_dim3A_17 : vector<512x1x64xf32> to vector<512x16x64xf32>
    %add3A_18 = arith.addf %reshape3A_16, %add3A : vector<512x16x64xf32>
    %get3A_19 = arith.constant 0 : index
    %get3A_20 = arith.constant 0 : index
    %get3A_21 = vector.load %arg8[%get3A_19, %get3A_20] : memref<1x64xf32, #tpu.memory_space<vmem>>, vector<1x64xf32>
    %broadcast_in_dim3A_22 = vector.shape_cast %get3A_21 : vector<1x64xf32> to vector<1x1x64xf32>
    %add3A_23 = vector.broadcast %broadcast_in_dim3A_22 : vector<1x1x64xf32> to vector<512x16x64xf32>
    %add3A_24 = arith.addf %add3A_18, %add3A_23 : vector<512x16x64xf32>
    %max3A = arith.constant 0.000000e+00 : f32
    %max3A_25 = vector.broadcast %max3A : f32 to vector<512x16x64xf32>
    %max3A_26 = arith.maximumf %add3A_24, %max3A_25 : vector<512x16x64xf32>
    %reshape3A_27 = vector.shape_cast %max3A_26 : vector<512x16x64xf32> to vector<8192x64xf32>
    %get3A_28 = arith.constant 0 : index
    %get3A_29 = arith.constant 0 : index
    %get3A_30 = vector.load %arg5[%get3A_28, %get3A_29] : memref<64x64xf32, #tpu.memory_space<vmem>>, vector<64x64xf32>
    %dot_general3A_31 = arith.constant dense<0.000000e+00> : vector<8192x64xf32>
    %dot_general3A_32 = tpu.matmul %reshape3A_27, %get3A_30, %dot_general3A_31 {dimension_numbers = #tpu.dot_dimension_numbers<[1], [0], [0], [1], [0, 0, 1, 1], [], []>, transpose_lhs_hint = false} : vector<8192x64xf32>, vector<64x64xf32>, vector<8192x64xf32> -> vector<8192x64xf32>
    %get3A_33 = arith.constant 0 : index
    %get3A_34 = arith.constant 0 : index
    %get3A_35 = vector.load %arg9[%get3A_33, %get3A_34] : memref<1x64xf32, #tpu.memory_space<vmem>>, vector<1x64xf32>
    %add3A_36 = vector.broadcast %get3A_35 : vector<1x64xf32> to vector<8192x64xf32>
    %add3A_37 = arith.addf %dot_general3A_32, %add3A_36 : vector<8192x64xf32>
    %max3A_38 = arith.constant 0.000000e+00 : f32
    %max3A_39 = vector.broadcast %max3A_38 : f32 to vector<8192x64xf32>
    %max3A_40 = arith.maximumf %add3A_37, %max3A_39 : vector<8192x64xf32>
    %get3A_41 = arith.constant 0 : index
    %get3A_42 = arith.constant 0 : index
    %get3A_43 = vector.load %arg6[%get3A_41, %get3A_42] : memref<64x64xf32, #tpu.memory_space<vmem>>, vector<64x64xf32>
    %dot_general3A_44 = arith.constant dense<0.000000e+00> : vector<8192x64xf32>
    %dot_general3A_45 = tpu.matmul %max3A_40, %get3A_43, %dot_general3A_44 {dimension_numbers = #tpu.dot_dimension_numbers<[1], [0], [0], [1], [0, 0, 1, 1], [], []>, transpose_lhs_hint = false} : vector<8192x64xf32>, vector<64x64xf32>, vector<8192x64xf32> -> vector<8192x64xf32>
    %get3A_46 = arith.constant 0 : index
    %get3A_47 = arith.constant 0 : index
    %get3A_48 = vector.load %arg10[%get3A_46, %get3A_47] : memref<1x64xf32, #tpu.memory_space<vmem>>, vector<1x64xf32>
    %add3A_49 = vector.broadcast %get3A_48 : vector<1x64xf32> to vector<8192x64xf32>
    %add3A_50 = arith.addf %dot_general3A_45, %add3A_49 : vector<8192x64xf32>
    %max3A_51 = arith.constant 0.000000e+00 : f32
    %max3A_52 = vector.broadcast %max3A_51 : f32 to vector<8192x64xf32>
    %max3A_53 = arith.maximumf %add3A_50, %max3A_52 : vector<8192x64xf32>
    %reshape3A_54 = vector.shape_cast %max3A_53 : vector<8192x64xf32> to vector<512x16x64xf32>
    %reduce_sum3A = arith.constant dense<0.000000e+00> : vector<512x64xf32>
    %reduce_sum3A_55 = vector.multi_reduction <add>, %reshape3A_54, %reduce_sum3A [1] : vector<512x16x64xf32> to vector<512x64xf32>
    %mul3A = arith.constant 6.250000e-02 : f32
    %mul3A_56 = vector.broadcast %mul3A : f32 to vector<512x64xf32>
    %mul3A_57 = arith.mulf %reduce_sum3A_55, %mul3A_56 : vector<512x64xf32>
    %get3A_58 = arith.constant 0 : index
    %get3A_59 = arith.constant 0 : index
    %get3A_60 = vector.load %arg7[%get3A_58, %get3A_59] : memref<64x64xf32, #tpu.memory_space<vmem>>, vector<64x64xf32>
    %dot_general3A_61 = arith.constant dense<0.000000e+00> : vector<512x64xf32>
    %dot_general3A_62 = tpu.matmul %get3A_1, %get3A_60, %dot_general3A_61 {dimension_numbers = #tpu.dot_dimension_numbers<[1], [0], [0], [1], [0, 0, 1, 1], [], []>, transpose_lhs_hint = false} : vector<512x64xf32>, vector<64x64xf32>, vector<512x64xf32> -> vector<512x64xf32>
    %get3A_63 = arith.constant 0 : index
    %get3A_64 = arith.constant 0 : index
    %get3A_65 = vector.load %arg11[%get3A_63, %get3A_64] : memref<1x64xf32, #tpu.memory_space<vmem>>, vector<1x64xf32>
    %add3A_66 = vector.broadcast %get3A_65 : vector<1x64xf32> to vector<512x64xf32>
    %add3A_67 = arith.addf %dot_general3A_62, %add3A_66 : vector<512x64xf32>
    %add3A_68 = arith.addf %add3A_67, %mul3A_57 : vector<512x64xf32>
    %max3A_69 = arith.constant 0.000000e+00 : f32
    %max3A_70 = vector.broadcast %max3A_69 : f32 to vector<512x64xf32>
    %max3A_71 = arith.maximumf %add3A_68, %max3A_70 : vector<512x64xf32>
    %swap3A = arith.constant 0 : index
    %swap3A_72 = arith.constant 0 : index
    %swap3A_73 = vector.load %arg12[%swap3A, %swap3A_72] : memref<512x64xf32, #tpu.memory_space<vmem>>, vector<512x64xf32>
    tpu.vector_store %arg12[%swap3A, %swap3A_72], %max3A_71 {strides = array<i32>} : memref<512x64xf32, #tpu.memory_space<vmem>>, vector<512x64xf32>,
    return
  }
  func.func @transform_0(%arg0: i32) -> (i32, i32) {
    %c0_i32 = arith.constant 0 : i32
    %c0_i32_0 = arith.constant 0 : i32
    return %arg0, %c0_i32 : i32, i32
  }
  func.func @transform_1(%arg0: i32) -> (i32, i32) {
    %add3A = arith.constant 8 : i32
    %add3A_0 = arith.addi %arg0, %add3A : i32
    %c0_i32 = arith.constant 0 : i32
    %c0_i32_1 = arith.constant 0 : i32
    return %add3A_0, %c0_i32 : i32, i32
  }
  func.func @transform_2(%arg0: i32) -> (i32, i32) {
    %c0_i32 = arith.constant 0 : i32
    %c0_i32_0 = arith.constant 0 : i32
    %c0_i32_1 = arith.constant 0 : i32
    return %c0_i32, %c0_i32_0 : i32, i32
  }
  func.func @transform_3(%arg0: i32) -> (i32, i32) {
    %c0_i32 = arith.constant 0 : i32
    %c0_i32_0 = arith.constant 0 : i32
    %c0_i32_1 = arith.constant 0 : i32
    return %c0_i32, %c0_i32_0 : i32, i32
  }
  func.func @transform_4(%arg0: i32) -> (i32, i32) {
    %c0_i32 = arith.constant 0 : i32
    %c0_i32_0 = arith.constant 0 : i32
    %c0_i32_1 = arith.constant 0 : i32
    return %c0_i32, %c0_i32_0 : i32, i32
  }
  func.func @transform_5(%arg0: i32) -> (i32, i32) {
    %c0_i32 = arith.constant 0 : i32
    %c0_i32_0 = arith.constant 0 : i32
    %c0_i32_1 = arith.constant 0 : i32
    return %c0_i32, %c0_i32_0 : i32, i32
  }
  func.func @transform_6(%arg0: i32) -> (i32, i32) {
    %c0_i32 = arith.constant 0 : i32
    %c0_i32_0 = arith.constant 0 : i32
    %c0_i32_1 = arith.constant 0 : i32
    return %c0_i32, %c0_i32_0 : i32, i32
  }
  func.func @transform_7(%arg0: i32) -> (i32, i32) {
    %c0_i32 = arith.constant 0 : i32
    %c0_i32_0 = arith.constant 0 : i32
    %c0_i32_1 = arith.constant 0 : i32
    return %c0_i32, %c0_i32_0 : i32, i32
  }
  func.func @transform_8(%arg0: i32) -> (i32, i32) {
    %c0_i32 = arith.constant 0 : i32
    %c0_i32_0 = arith.constant 0 : i32
    %c0_i32_1 = arith.constant 0 : i32
    return %c0_i32, %c0_i32_0 : i32, i32
  }
  func.func @transform_9(%arg0: i32) -> (i32, i32) {
    %c0_i32 = arith.constant 0 : i32
    %c0_i32_0 = arith.constant 0 : i32
    %c0_i32_1 = arith.constant 0 : i32
    return %c0_i32, %c0_i32_0 : i32, i32
  }
  func.func @transform_10(%arg0: i32) -> (i32, i32) {
    %c0_i32 = arith.constant 0 : i32
    %c0_i32_0 = arith.constant 0 : i32
    %c0_i32_1 = arith.constant 0 : i32
    return %c0_i32, %c0_i32_0 : i32, i32
  }
  func.func @transform_11(%arg0: i32) -> (i32, i32) {
    %c0_i32 = arith.constant 0 : i32
    %c0_i32_0 = arith.constant 0 : i32
    return %arg0, %c0_i32 : i32, i32
  }
}

module attributes {stable_mosaic.version = 14 : i64} {
  func.func @_mlp_body(%arg0: i32, %arg1: memref<8192x128xf32, #tpu.memory_space<vmem>>, %arg2: memref<512x64xf32, #tpu.memory_space<vmem>>, %arg3: memref<64x64xf32, #tpu.memory_space<vmem>>, %arg4: memref<64x64xf32, #tpu.memory_space<vmem>>, %arg5: memref<64x64xf32, #tpu.memory_space<vmem>>, %arg6: memref<64x64xf32, #tpu.memory_space<vmem>>, %arg7: memref<64x64xf32, #tpu.memory_space<vmem>>, %arg8: memref<1x64xf32, #tpu.memory_space<vmem>>, %arg9: memref<1x64xf32, #tpu.memory_space<vmem>>, %arg10: memref<1x64xf32, #tpu.memory_space<vmem>>, %arg11: memref<1x64xf32, #tpu.memory_space<vmem>>, %arg12: memref<512x64xf32, #tpu.memory_space<vmem>>) attributes {dimension_semantics = [#tpu.dimension_semantics<arbitrary>], iteration_bounds = array<i64: 8>, scalar_prefetch = 0 : i64, scratch_operands = 0 : i64, tpu.core_type = #tpu.core_type<tc>, window_params = [{transform_indices = @transform_0, window_bounds = array<i64: 8192, 128>}, {transform_indices = @transform_1, window_bounds = array<i64: 512, 64>}, {pipeline_mode = #tpu.pipeline_mode<synchronous>, transform_indices = @transform_2, window_bounds = array<i64: 64, 64>}, {pipeline_mode = #tpu.pipeline_mode<synchronous>, transform_indices = @transform_3, window_bounds = array<i64: 64, 64>}, {pipeline_mode = #tpu.pipeline_mode<synchronous>, transform_indices = @transform_4, window_bounds = array<i64: 64, 64>}, {pipeline_mode = #tpu.pipeline_mode<synchronous>, transform_indices = @transform_5, window_bounds = array<i64: 64, 64>}, {pipeline_mode = #tpu.pipeline_mode<synchronous>, transform_indices = @transform_6, window_bounds = array<i64: 64, 64>}, {pipeline_mode = #tpu.pipeline_mode<synchronous>, transform_indices = @transform_7, window_bounds = array<i64: 1, 64>}, {pipeline_mode = #tpu.pipeline_mode<synchronous>, transform_indices = @transform_8, window_bounds = array<i64: 1, 64>}, {pipeline_mode = #tpu.pipeline_mode<synchronous>, transform_indices = @transform_9, window_bounds = array<i64: 1, 64>}, {pipeline_mode = #tpu.pipeline_mode<synchronous>, transform_indices = @transform_10, window_bounds = array<i64: 1, 64>}, {transform_indices = @transform_11, window_bounds = array<i64: 512, 64>}]} {
    %get3A = arith.constant 0 : index
    %get3A_0 = arith.constant 0 : index
    %get3A_1 = vector.load %arg2[%get3A, %get3A_0] : memref<512x64xf32, #tpu.memory_space<vmem>>, vector<512x64xf32>
    %get3A_2 = arith.constant 0 : index
    %get3A_3 = arith.constant 0 : index
    %get3A_4 = vector.load %arg1[%get3A_2, %get3A_3] : memref<8192x128xf32, #tpu.memory_space<vmem>>, vector<8192x64xf32>
    %reshape3A = vector.shape_cast %get3A_4 : vector<8192x64xf32> to vector<512x16x64xf32>
    %broadcast_in_dim3A = vector.shape_cast %get3A_1 : vector<512x64xf32> to vector<512x1x64xf32>
    %sub3A = vector.broadcast %broadcast_in_dim3A : vector<512x1x64xf32> to vector<512x16x64xf32>
    %sub3A_5 = arith.subf %reshape3A, %sub3A : vector<512x16x64xf32>
    %get3A_6 = arith.constant 0 : index
    %get3A_7 = arith.constant 0 : index
    %get3A_8 = vector.load %arg3[%get3A_6, %get3A_7] : memref<64x64xf32, #tpu.memory_space<vmem>>, vector<64x64xf32>
    %dot_general3A = arith.constant dense<0.000000e+00> : vector<512x64xf32>
    %dot_general3A_9 = tpu.matmul %get3A_1, %get3A_8, %dot_general3A {dimension_numbers = #tpu.dot_dimension_numbers<[1], [0], [0], [1], [0, 0, 1, 1], [], []>, transpose_lhs_hint = false} : vector<512x64xf32>, vector<64x64xf32>, vector<512x64xf32> -> vector<512x64xf32>
    %reshape3A_10 = vector.shape_cast %sub3A_5 : vector<512x16x64xf32> to vector<8192x64xf32>
    %get3A_11 = arith.constant 0 : index
    %get3A_12 = arith.constant 0 : index
    %get3A_13 = vector.load %arg4[%get3A_11, %get3A_12] : memref<64x64xf32, #tpu.memory_space<vmem>>, vector<64x64xf32>
    %dot_general3A_14 = arith.constant dense<0.000000e+00> : vector<8192x64xf32>
    %dot_general3A_15 = tpu.matmul %reshape3A_10, %get3A_13, %dot_general3A_14 {dimension_numbers = #tpu.dot_dimension_numbers<[1], [0], [0], [1], [0, 0, 1, 1], [], []>, transpose_lhs_hint = false} : vector<8192x64xf32>, vector<64x64xf32>, vector<8192x64xf32> -> vector<8192x64xf32>
    %reshape3A_16 = vector.shape_cast %dot_general3A_15 : vector<8192x64xf32> to vector<512x16x64xf32>
    %broadcast_in_dim3A_17 = vector.shape_cast %dot_general3A_9 : vector<512x64xf32> to vector<512x1x64xf32>
    %add3A = vector.broadcast %broadcast_in_dim3A_17 : vector<512x1x64xf32> to vector<512x16x64xf32>
    %add3A_18 = arith.addf %reshape3A_16, %add3A : vector<512x16x64xf32>
    %get3A_19 = arith.constant 0 : index
    %get3A_20 = arith.constant 0 : index
    %get3A_21 = vector.load %arg8[%get3A_19, %get3A_20] : memref<1x64xf32, #tpu.memory_space<vmem>>, vector<1x64xf32>
    %broadcast_in_dim3A_22 = vector.shape_cast %get3A_21 : vector<1x64xf32> to vector<1x1x64xf32>
    %add3A_23 = vector.broadcast %broadcast_in_dim3A_22 : vector<1x1x64xf32> to vector<512x16x64xf32>
    %add3A_24 = arith.addf %add3A_18, %add3A_23 : vector<512x16x64xf32>
    %max3A = arith.constant 0.000000e+00 : f32
    %max3A_25 = vector.broadcast %max3A : f32 to vector<512x16x64xf32>
    %max3A_26 = arith.maximumf %add3A_24, %max3A_25 : vector<512x16x64xf32>
    %reshape3A_27 = vector.shape_cast %max3A_26 : vector<512x16x64xf32> to vector<8192x64xf32>
    %get3A_28 = arith.constant 0 : index
    %get3A_29 = arith.constant 0 : index
    %get3A_30 = vector.load %arg5[%get3A_28, %get3A_29] : memref<64x64xf32, #tpu.memory_space<vmem>>, vector<64x64xf32>
    %dot_general3A_31 = arith.constant dense<0.000000e+00> : vector<8192x64xf32>
    %dot_general3A_32 = tpu.matmul %reshape3A_27, %get3A_30, %dot_general3A_31 {dimension_numbers = #tpu.dot_dimension_numbers<[1], [0], [0], [1], [0, 0, 1, 1], [], []>, transpose_lhs_hint = false} : vector<8192x64xf32>, vector<64x64xf32>, vector<8192x64xf32> -> vector<8192x64xf32>
    %get3A_33 = arith.constant 0 : index
    %get3A_34 = arith.constant 0 : index
    %get3A_35 = vector.load %arg9[%get3A_33, %get3A_34] : memref<1x64xf32, #tpu.memory_space<vmem>>, vector<1x64xf32>
    %add3A_36 = vector.broadcast %get3A_35 : vector<1x64xf32> to vector<8192x64xf32>
    %add3A_37 = arith.addf %dot_general3A_32, %add3A_36 : vector<8192x64xf32>
    %max3A_38 = arith.constant 0.000000e+00 : f32
    %max3A_39 = vector.broadcast %max3A_38 : f32 to vector<8192x64xf32>
    %max3A_40 = arith.maximumf %add3A_37, %max3A_39 : vector<8192x64xf32>
    %get3A_41 = arith.constant 0 : index
    %get3A_42 = arith.constant 0 : index
    %get3A_43 = vector.load %arg6[%get3A_41, %get3A_42] : memref<64x64xf32, #tpu.memory_space<vmem>>, vector<64x64xf32>
    %dot_general3A_44 = arith.constant dense<0.000000e+00> : vector<8192x64xf32>
    %dot_general3A_45 = tpu.matmul %max3A_40, %get3A_43, %dot_general3A_44 {dimension_numbers = #tpu.dot_dimension_numbers<[1], [0], [0], [1], [0, 0, 1, 1], [], []>, transpose_lhs_hint = false} : vector<8192x64xf32>, vector<64x64xf32>, vector<8192x64xf32> -> vector<8192x64xf32>
    %get3A_46 = arith.constant 0 : index
    %get3A_47 = arith.constant 0 : index
    %get3A_48 = vector.load %arg10[%get3A_46, %get3A_47] : memref<1x64xf32, #tpu.memory_space<vmem>>, vector<1x64xf32>
    %add3A_49 = vector.broadcast %get3A_48 : vector<1x64xf32> to vector<8192x64xf32>
    %add3A_50 = arith.addf %dot_general3A_45, %add3A_49 : vector<8192x64xf32>
    %max3A_51 = arith.constant 0.000000e+00 : f32
    %max3A_52 = vector.broadcast %max3A_51 : f32 to vector<8192x64xf32>
    %max3A_53 = arith.maximumf %add3A_50, %max3A_52 : vector<8192x64xf32>
    %reshape3A_54 = vector.shape_cast %max3A_53 : vector<8192x64xf32> to vector<512x16x64xf32>
    %reduce_sum3A = arith.constant dense<0.000000e+00> : vector<512x64xf32>
    %reduce_sum3A_55 = vector.multi_reduction <add>, %reshape3A_54, %reduce_sum3A [1] : vector<512x16x64xf32> to vector<512x64xf32>
    %mul3A = arith.constant 6.250000e-02 : f32
    %mul3A_56 = vector.broadcast %mul3A : f32 to vector<512x64xf32>
    %mul3A_57 = arith.mulf %reduce_sum3A_55, %mul3A_56 : vector<512x64xf32>
    %get3A_58 = arith.constant 0 : index
    %get3A_59 = arith.constant 0 : index
    %get3A_60 = vector.load %arg7[%get3A_58, %get3A_59] : memref<64x64xf32, #tpu.memory_space<vmem>>, vector<64x64xf32>
    %dot_general3A_61 = arith.constant dense<0.000000e+00> : vector<512x64xf32>
    %dot_general3A_62 = tpu.matmul %get3A_1, %get3A_60, %dot_general3A_61 {dimension_numbers = #tpu.dot_dimension_numbers<[1], [0], [0], [1], [0, 0, 1, 1], [], []>, transpose_lhs_hint = false} : vector<512x64xf32>, vector<64x64xf32>, vector<512x64xf32> -> vector<512x64xf32>
    %get3A_63 = arith.constant 0 : index
    %get3A_64 = arith.constant 0 : index
    %get3A_65 = vector.load %arg11[%get3A_63, %get3A_64] : memref<1x64xf32, #tpu.memory_space<vmem>>, vector<1x64xf32>
    %add3A_66 = vector.broadcast %get3A_65 : vector<1x64xf32> to vector<512x64xf32>
    %add3A_67 = arith.addf %dot_general3A_62, %add3A_66 : vector<512x64xf32>
    %add3A_68 = arith.addf %add3A_67, %mul3A_57 : vector<512x64xf32>
    %max3A_69 = arith.constant 0.000000e+00 : f32
    %max3A_70 = vector.broadcast %max3A_69 : f32 to vector<512x64xf32>
    %max3A_71 = arith.maximumf %add3A_68, %max3A_70 : vector<512x64xf32>
    %swap3A = arith.constant 0 : index
    %swap3A_72 = arith.constant 0 : index
    %swap3A_73 = vector.load %arg12[%swap3A, %swap3A_72] : memref<512x64xf32, #tpu.memory_space<vmem>>, vector<512x64xf32>
    tpu.vector_store %arg12[%swap3A, %swap3A_72], %max3A_71 {strides = array<i32>} : memref<512x64xf32, #tpu.memory_space<vmem>>, vector<512x64xf32>,
    return
  }
  func.func @transform_0(%arg0: i32) -> (i32, i32) {
    %c0_i32 = arith.constant 0 : i32
    %c0_i32_0 = arith.constant 0 : i32
    return %arg0, %c0_i32 : i32, i32
  }
  func.func @transform_1(%arg0: i32) -> (i32, i32) {
    %add3A = arith.constant 0 : i32
    %add3A_0 = arith.addi %arg0, %add3A : i32
    %c0_i32 = arith.constant 0 : i32
    %c0_i32_1 = arith.constant 0 : i32
    return %add3A_0, %c0_i32 : i32, i32
  }
  func.func @transform_2(%arg0: i32) -> (i32, i32) {
    %c0_i32 = arith.constant 0 : i32
    %c0_i32_0 = arith.constant 0 : i32
    %c0_i32_1 = arith.constant 0 : i32
    return %c0_i32, %c0_i32_0 : i32, i32
  }
  func.func @transform_3(%arg0: i32) -> (i32, i32) {
    %c0_i32 = arith.constant 0 : i32
    %c0_i32_0 = arith.constant 0 : i32
    %c0_i32_1 = arith.constant 0 : i32
    return %c0_i32, %c0_i32_0 : i32, i32
  }
  func.func @transform_4(%arg0: i32) -> (i32, i32) {
    %c0_i32 = arith.constant 0 : i32
    %c0_i32_0 = arith.constant 0 : i32
    %c0_i32_1 = arith.constant 0 : i32
    return %c0_i32, %c0_i32_0 : i32, i32
  }
  func.func @transform_5(%arg0: i32) -> (i32, i32) {
    %c0_i32 = arith.constant 0 : i32
    %c0_i32_0 = arith.constant 0 : i32
    %c0_i32_1 = arith.constant 0 : i32
    return %c0_i32, %c0_i32_0 : i32, i32
  }
  func.func @transform_6(%arg0: i32) -> (i32, i32) {
    %c0_i32 = arith.constant 0 : i32
    %c0_i32_0 = arith.constant 0 : i32
    %c0_i32_1 = arith.constant 0 : i32
    return %c0_i32, %c0_i32_0 : i32, i32
  }
  func.func @transform_7(%arg0: i32) -> (i32, i32) {
    %c0_i32 = arith.constant 0 : i32
    %c0_i32_0 = arith.constant 0 : i32
    %c0_i32_1 = arith.constant 0 : i32
    return %c0_i32, %c0_i32_0 : i32, i32
  }
  func.func @transform_8(%arg0: i32) -> (i32, i32) {
    %c0_i32 = arith.constant 0 : i32
    %c0_i32_0 = arith.constant 0 : i32
    %c0_i32_1 = arith.constant 0 : i32
    return %c0_i32, %c0_i32_0 : i32, i32
  }
  func.func @transform_9(%arg0: i32) -> (i32, i32) {
    %c0_i32 = arith.constant 0 : i32
    %c0_i32_0 = arith.constant 0 : i32
    %c0_i32_1 = arith.constant 0 : i32
    return %c0_i32, %c0_i32_0 : i32, i32
  }
  func.func @transform_10(%arg0: i32) -> (i32, i32) {
    %c0_i32 = arith.constant 0 : i32
    %c0_i32_0 = arith.constant 0 : i32
    %c0_i32_1 = arith.constant 0 : i32
    return %c0_i32, %c0_i32_0 : i32, i32
  }
  func.func @transform_11(%arg0: i32) -> (i32, i32) {
    %c0_i32 = arith.constant 0 : i32
    %c0_i32_0 = arith.constant 0 : i32
    return %arg0, %c0_i32 : i32, i32
  }
}

</mosaic_0001>

<sc_bundles>
// kernel: kernel.14.cloned.1.call-start
scs
__scs_entry_jumppad:
0x0: {  	(pc) =	sbr.rel $0x88, $3  }
0x1: {  	(tag) =	ssettag $0x0;
	lr =	simm.s32 $0x1  }
0x2: {  	[smem:$0x3F93] =	sst lr;
	_ =	strace $0xD0000000  }
0x3: {  	_ = 	snop  }
0x4: {  	_ = 	snop  }
0x5: {  	_ = 	snop  }
0x6: {  	_ = 	snop  }
0x7: {  	_ = 	snop  }
__scs_overlays_trampoline_lowered:
0x8: {  	[smem:$0x3FA2] =	sst s0  }
0x9: {  	[smem:$0x3FA3] =	sst s1  }
0xa: {  	[smem:$0x3FA4] =	sst s2  }
0xb: {  	[smem:$0x3FA5] =	sst s3  }
0xc: {  	[smem:$0x3FA6] =	sst s4  }
0xd: {  	[smem:$0x3FA7] =	sst s5  }
0xe: {  	[smem:$0x3FA8] =	sst s6  }
0xf: {  	[smem:$0x3FA9] =	sst s7  }
0x10: {  	[smem:$0x3FAA] =	sst s8  }
0x11: {  	[smem:$0x3FAB] =	sst s9;
	s0 =	simm.s32 @!p0 $0x0  }
0x12: {  	s1 =	sld [smem:$0x3F91];
	s0 =	simm.s32 @p0 $0x1  }
0x13: {  	[smem:$0x3FAC] =	sst s0;
	s0 =	simm.s32 @!p1 $0x0  }
0x14: {  	s2 =	sld [smem:$0x3F90];
	s0 =	simm.s32 @p1 $0x1  }
0x15: {  	[smem:$0x3FAD] =	sst s0;
	s0 =	simm.s32 @!p2 $0x0  }
0x16: {  	s3 =	sld [smem:$0x3FDB];
	s0 =	simm.s32 @p2 $0x1  }
0x17: {  	s4 =	simm.s32 $0x1BF5;
	[smem:$0x3FAF] =	sst s0  }
0x18: {  	s0 =	sld [smem:$0x3F92];
	_ =	swait.ge [sflag:s4], $0x0  }
0x19: {  	s7 =	sld [smem:$0x3F93]  }
0x1a: {  	s8 =	sadd.s32 $0xFFFFE003, lr  }
0x1b: {  	s9 =	sadd.s32 $0xFFFFFEF7, lr;
	s5 =	simm.s32 $0xFFFFFFFF;
	p2 =	slt.u32 s8, $0xFFFFF086  }
0x1c: {  	p1 =	slt.u32 s9, $0xF7A;
	s5 =	simm.s32 @!p2 $0x0  }
0x1d: {  	s5 =	simm.s32 @p1 $0x1;
	p0 =	seq.s32 s7, s2  }
0x1e: {  	s7 =	smul.u32 @!p0 $0xF7A, s2;
	p2 =	seq.s32 @!p0 s5, $0x0  }
0x1f: {  	s9 =	smul.u32 $0xF7A, s1;
	s8 =	simm.s32 @!p0 $0x1BF5;
	p2 =	por !p2, p0  }
0x20: {  	[sflag:s8] =	ssyncset.s32 @!p0 $0xFFFFF086;
	s6 =	sadd.s32 @!p0 s3, s7;
	s7 =	simm.s32 @!p0 $0x108  }
0x21: {  	s3 =	sadd.s32 s3, s9;
	s6 =	sadd.s32 @!p0 $0x88, s6;
	s7 =	simm.s32 @p2 $0x1082  }
0x22: {  	[simem:s7], [sflag:s8] =	dma.local @!p0 [hbm:s6], $0xF7A  }
0x23: {  	s9 =	sor.u32 $0xD0000000, s2;
	s6 =	simm.s32 $0x108;
	_ =	swait.ge @!p0 [sflag:s8], $0x0  }
0x24: {  	s3 =	sadd.s32 $0x88, s3;
	s6 =	simm.s32 @!p1 $0x1082;
	[sflag:s4] =	ssyncset.s32 $0xFFFFF086  }
0x25: {  	[simem:s6], [sflag:s4] =	dma.local [hbm:s3], $0xF7A  }
0x26: {  	[smem:$0x3F93] =	sst s1;
	(tag) =	ssettag s2;
	_ =	strace s9  }
0x27: {  	s1 =	sld [smem:$0x3FA3]  }
0x28: {  	s2 =	sld [smem:$0x3FA4]  }
0x29: {  	s4 =	sld [smem:$0x3FA6]  }
0x2a: {  	p0 =	seq.s32 s5, $0x0;
	s5 =	sld [smem:$0x3FA7]  }
0x2b: {  	s6 =	sld [smem:$0x3FA8]  }
0x2c: {  	s7 =	sld [smem:$0x3FA9]  }
0x2d: {  	s3 =	simm.s32 $0x108;
	s8 =	sld [smem:$0x3FAA]  }
0x2e: {  	s3 =	simm.s32 @!p0 $0x1082;
	s9 =	sld [smem:$0x3FAB]  }
0x2f: {  	lr =	sadd.s32 s0, s3;
	s0 =	sld [smem:$0x3FA2]  }
0x30: {  	s3 =	sld [smem:$0x3FA5]  }
0x31: {  	[smem:$0x3FAE] =	sst s10  }
0x32: {  	s10 =	sld [smem:$0x3FAC];
	_ =	sdelay $0x3  }
0x33: {  	p0 =	seq.s32 s10, $0x1;
	s10 =	sld [smem:$0x3FAE];
	_ =	sdelay $0x3  }
0x34: {  	[smem:$0x3FAE] =	sst s10  }
0x35: {  	s10 =	sld [smem:$0x3FAD];
	_ =	sdelay $0x3  }
0x36: {  	p1 =	seq.s32 s10, $0x1;
	s10 =	sld [smem:$0x3FAE];
	_ =	sdelay $0x3  }
0x37: {  	[smem:$0x3FAE] =	sst s10  }
0x38: {  	s10 =	sld [smem:$0x3FAF]  }
0x39: {  	_ = 	snop;
	(pc) =	sbr.ind lr, $3  }
0x3a: {  	_ = 	snop  }
0x3b: {  	_ = 	snop  }
0x3c: {  	p2 =	seq.s32 s10, $0x1;
	s10 =	sld [smem:$0x3FAE]  }
0x3d: {  	_ =	shalt  }
0x3e: {  	_ =	shalt  }
0x3f: {  	_ =	shalt  }
0x40: {  	_ =	shalt  }
0x41: {  	_ =	shalt  }
0x42: {  	_ =	shalt  }
0x43: {  	_ =	shalt  }
0x44: {  	_ =	shalt  }
0x45: {  	_ =	shalt  }
0x46: {  	_ =	shalt  }
0x47: {  	_ =	shalt  }
0x48: {  	_ =	shalt  }
0x49: {  	_ =	shalt  }
0x4a: {  	_ =	shalt  }
0x4b: {  	_ =	shalt  }
0x4c: {  	_ =	shalt  }
0x4d: {  	_ =	shalt  }
0x4e: {  	_ =	shalt  }
0x4f: {  	_ =	shalt  }
0x50: {  	_ =	shalt  }
0x51: {  	_ =	shalt  }
0x52: {  	_ =	shalt  }
0x53: {  	_ =	shalt  }
0x54: {  	_ =	shalt  }
0x55: {  	_ =	shalt  }
0x56: {  	_ =	shalt  }
0x57: {  	_ =	shalt  }
0x58: {  	_ =	shalt  }
0x59: {  	_ =	shalt  }
0x5a: {  	_ =	shalt  }
0x5b: {  	_ =	shalt  }
0x5c: {  	_ =	shalt  }
0x5d: {  	_ =	shalt  }
0x5e: {  	_ =	shalt  }
0x5f: {  	_ =	shalt  }
0x60: {  	_ =	shalt  }
0x61: {  	_ =	shalt  }
0x62: {  	_ =	shalt  }
0x63: {  	_ =	shalt  }
0x64: {  	_ =	shalt  }
0x65: {  	_ =	shalt  }
0x66: {  	_ =	shalt  }
0x67: {  	_ =	shalt  }
0x68: {  	_ =	shalt  }
0x69: {  	_ =	shalt  }
0x6a: {  	_ =	shalt  }
0x6b: {  	_ =	shalt  }
0x6c: {  	_ =	shalt  }
0x6d: {  	_ =	shalt  }
0x6e: {  	_ =	shalt  }
0x6f: {  	_ =	shalt  }
0x70: {  	_ =	shalt  }
0x71: {  	_ =	shalt  }
0x72: {  	_ =	shalt  }
0x73: {  	_ =	shalt  }
0x74: {  	_ =	shalt  }
0x75: {  	_ =	shalt  }
0x76: {  	_ =	shalt  }
0x77: {  	_ =	shalt  }
0x78: {  	_ =	shalt  }
0x79: {  	_ =	shalt  }
0x7a: {  	_ =	shalt  }
0x7b: {  	_ =	shalt  }
0x7c: {  	_ =	shalt  }
0x7d: {  	_ =	shalt  }
0x7e: {  	_ =	shalt  }
0x7f: {  	_ =	shalt  }
0x80: {  	_ =	shalt  }
0x81: {  	_ =	shalt  }
0x82: {  	_ =	shalt  }
0x83: {  	_ =	shalt  }
0x84: {  	_ =	shalt  }
0x85: {  	_ =	shalt  }
0x86: {  	_ =	shalt  }
0x87: {  	_ =	shalt  }
.Lfunc_end0:
.L_simem_size_0:
called_computation_lowered:
.L_overlay_start_0:
0x88: {  	s2 =	sld [smem:$0x3FD9]  }
0x89: {  	s3 =	sld [smem:$0x3FFE];
	_ =	sdelay $0x1  }
0x8a: {  	s1 =	srdreg.scid  }
0x8b: {  	s0 =	sand.u32 $0x1, s1  }
0x8c: {  	s17 =	sshll.u32 s0, $0xA;
	s2 =	sadd.s32 s3, s2  }
0x8d: {  	s2 =	sadd.s32 s2, s17  }
0x8e: {  	[smem:$0x3FBA] =	sst s2  }
0x8f: {  	_ = 	snop  }
0x90: {  	(tm) =	ssettm $0x1  }
0x91: {  	s18 =	sld [smem:$0x3FFB];
	_ =	sdelay $0x3  }
0x92: {  	_ =	strace s18  }
0x93: {  	s2 =	sld [smem:$0x3FFC];
	_ =	sdelay $0x3  }
0x94: {  	_ =	strace s2  }
0x95: {  	s2 =	sld [smem:$0x3FFD];
	_ =	sdelay $0x3  }
0x96: {  	_ =	strace s2  }
0x97: {  	_ =	strace $0x8FFFFFFF  }
0x98: {  	s19 =	sld [smem:$0x3FDB];
	_ =	sdelay $0x1  }
0x99: {  	s20 =	simm.s32 $_scs_section_size  }
0x9a: {  	s4 =	simm.s32 $_size__tile_overlayer_lowered;
	s5 =	simm.s32 $_tile_overlayer_lowered  }
0x9b: {  	s6 =	simm.s32 $0x1BFF;
	s21 =	sshll.u32 s5, $0x1;
	s3 =	sadd.s32 s20, s19  }
0x9c: {  	s22 =	simm.s32 $0x0;
	s4 =	sshll.u32 s4, $0x1;
	s5 =	sadd.s32 s21, s3  }
0x9d: {  	[timem:s22], [sflag:s6] =	dma.local [hbm:s5], s4  }
0x9e: {  	_ =	swait.ge [sflag:s6], s4  }
0x9f: {  	s4 =	ssub.s32 $0x0, s4;
	[sflag:s6] =	ssyncset.done $0x0  }
0xa0: {  	[sflag:s6] =	ssyncadd.s32 s4;
	_ =	sdelay $0x1  }
0xa1: {  	s23 =	simm.s32 $0x1B8B  }
0xa2: {  	_ =	swait.ge [sflag:s23], $0x1  }
0xa3: {  	[sflag:s23] =	ssyncset.done $0x0  }
0xa4: {  	[sflag:s23] =	ssyncadd.s32 $0xFFFFFFFF  }
0xa5: {  	s4 =	sld [smem:$0x0]  }
0xa6: {  	s5 =	sand.u32 $0xFFFFFFFE, s1  }
0xa7: {  	p0 =	sne.s32 s1, s5  }
0xa8: {  	s5 =	sshll.u32 @p0 s5, $0xE  }
0xa9: {  	s5 =	sadd.s32 @p0 $0x11B8D, s5;
	s6 =	sshll.u32 @p0 s4, $0x11  }
0xaa: {  	s5 =	sor.u32 @p0 s6, s5  }
0xab: {  	[sflag:s5] =	ssyncadd.remote.s32 @p0 $0x1;
	_ =	sdelay $0x1  }
0xac: {  	s5 =	simm.s32 @p0 $0x1B8D  }
0xad: {  	_ =	swait.eq @p0 [sflag:s5], $0x1  }
0xae: {  	[sflag:s5] =	ssyncadd.s32 @p0 $0xFFFFFFFF  }
0xaf: {  	s6 =	sshll.u32 @!p0 s1, $0xE  }
0xb0: {  	s6 =	sor.u32 @!p0 $0x4000, s6;
	s5 =	simm.s32 @!p0 $0x1B8D  }
0xb1: {  	s4 =	sshll.u32 @!p0 s4, $0x11;
	s6 =	sadd.s32 @!p0 $0x11B8D, s6;
	_ =	swait.eq @!p0 [sflag:s5], $0x1  }
0xb2: {  	s4 =	sor.u32 @!p0 s4, s6;
	[sflag:s5] =	ssyncadd.s32 @!p0 $0xFFFFFFFF  }
0xb3: {  	s25 =	simm.s32 $0x1B8E;
	s24 =	sld [smem:$0x3FFE];
	[sflag:s4] =	ssyncadd.remote.s32 @!p0 $0x1  }
0xb4: {  	s26 =	simm.s32 $execute0_lowered;
	[smem:$0x3FD2] =	sst s25  }
0xb5: {  	s5 =	sshll.u32 s26, $0x1;
	_ =	strace $0x8000004F;
	[dreg:$0x1] =	wrdreg $0xFFFFFFFF  }
0xb6: {  	s28 =	simm.s32 $_size_execute0_lowered;
	s3 =	sadd.s32 s3, s5;
	[dreg:$0x0] =	wrdreg $0x0  }
0xb7: {  	s5 =	sshll.u32 s28, $0x1;
	[dreg:$0x2] =	wrdreg s3  }
0xb8: {  	[dreg:$0x3] =	wrdreg s5  }
0xb9: {  	[dreg:$0x4] =	wrdreg $0xC0  }
0xba: {  	_ =	task [dreg:s22], $0x5FFFF  }
0xbb: {  	[dreg:$0x1] =	wrdreg $0xFFFFFFFF  }
0xbc: {  	[dreg:$0x0] =	wrdreg $0x60  }
0xbd: {  	[dreg:$0x2] =	wrdreg s24  }
0xbe: {  	[dreg:$0x3] =	wrdreg $0x9  }
0xbf: {  	_ =	task.clear_ibuf [dreg:s22], $0x4FFFF;
	_ =	strace $0x9000004F  }
0xc0: {  	s29 =	simm.s32 $0x9;
	_ =	strace $0x80000051  }
0xc1: {  	_ =	swait.ge [sflag:s29], $0x1  }
0xc2: {  	[sflag:s29] =	ssyncadd.s32 $0xFFFFFFFF  }
0xc3: {  	_ =	strace $0x90000051  }
0xc4: {  	_ =	sfence  }
0xc5: {  	s30 =	sld [smem:$0x0];
	_ =	sdelay $0x2  }
0xc6: {  	s31 =	sshll.u32 s1, $0xD;
	s1 =	sshrl.u32 s1, $0x2  }
0xc7: {  	s4 =	sand.u32 $0x4000, s31;
	s1 =	sadd.s32 s1, s30  }
0xc8: {  	s0 =	sor.u32 s4, s0;
	s1 =	sshll.u32 s1, $0x11  }
0xc9: {  	s0 =	sor.u32 s1, s0  }
0xca: {  	s0 =	sadd.s32 $0x8F2B, s0  }
0xcb: {  	[sflag:s0] =	ssyncadd.remote.s32 $0x1  }
0xcc: {  	_ =	sfence.sel $0xFFFF  }
0xcd: {  	[dreg:$0x0] =	wrdreg $0xFFFFFFFF;
	(pc) =	sbr.abs _section_cstart, $3  }
0xce: {  	[dreg:$0x1] =	wrdreg $0xFFFFFFFF  }
0xcf: {  	_ =	task.clear_ibuf [dreg:s22], $0x2FFFF;
	_ =	strace $0x9FFFFFFF  }
0xd0: {  	(tm) =	ssettm $0x7FFFFFFF  }
0xd1: {  	_ =	shalt  }
tec
execute0_lowered:
.L_overlay_start_1:
0x0: {  	(tag) =	ssettag $0x1  }
0x1: {  	s4 =	rddreg [dreg:$0x0]  }
0x2: {  	s0 =	rddreg [dreg:$0x1];
	s2 =	simm.s32 $0x0;
	s3 =	srdreg.scid  }
0x3: {  	s1 =	stileid.u32;
	s10 =	simm.s32 $0x1;
	s11 =	simm.s32 $0x0  }
0x4: {  	[smem:$0x7FF] =	sst s2;
	s5 =	sand.u32 $0x1, s3;
	s6 =	sshll.u32 s1, $0x9  }
0x5: {  	s3 =	sadd.s32 $0x43A00, s4;
	s8 =	sshll.u32 s1, $0x10;
	_ =	strace $0x80000050  }
0x6: {  	s7 =	sshll.u32 s5, $0x8;
	s29 =	ssub.s32 $0x2, s5;
	s8 =	sadd.s32 s8, s4  }
0x7: {  	s30 =	sshll.u32 s5, $0xF;
	s6 =	sor.u32 s7, s6;
	s9 =	sshrl.u32 s29, $0x1  }
0x8: {  	s31 =	sadd.s32 s30, s8;
	s8 =	simm.s32 $0x80;
	s6 =	sadd.s32 s6, s4  }
0x9: {  	s7 =	ssub.s32 s29, s9;
	s9 =	simm.s32 $0x800;
	s4 =	sadd.s32 $0x387A00, s6  }
0xa: {  	s5 =	smax.u32 s7, $0x1;
	s6 =	sadd.s32 $0x389A00, s31;
	s7 =	simm.s32 $0x2  }
.LBB2_1:
0xb: {  	[tilespmem:s2], [sflag:$0x2] =	stream.linear.gather [hbm4b:s4+s2], $0x800, $0x38;
	[tilespmem:$0x4800] =	vst v63  }
0xc: {  	_ =	swait.ge [sflag:s7], $0x800  }
0xd: {  	[sflag:s7] =	ssyncset.done $0x0  }
0xe: {  	s12 =	simm.s32 $0x0;
	[sflag:s7] =	ssyncadd.s32 $0xFFFFF800  }
0xf: {  	[tilespmem:s9], [sflag:$0x1] =	stream.indirect.gather [hbm4b:s3+s8], $0x80, s12, s8, $0xb8;
	[tilespmem:$0x4800] =	vst v63  }
0x10: {  	_ =	swait.ge [sflag:s10], $0x4000  }
0x11: {  	[sflag:s10] =	ssyncset.done $0x0  }
0x12: {  	[sflag:s10] =	ssyncadd.s32 $0xFFFFC000  }
0x13: {  	[hbm4b:s6+s2] =	stream.linear.scatter [tilespmem:s9], [sflag:$0x2], $0x4000, $0x38;
	[tilespmem:$0x4800] =	vst v63  }
0x14: {  	s13 =	simm.s32 $0x200;
	_ =	swait.ge [sflag:s7], $0x4000  }
0x15: {  	s14 =	simm.s32 $0x400;
	s12 =	sadd.s32 $0x800, s6;
	[sflag:s7] =	ssyncset.done $0x0  }
.LBB2_2:
0x16: {  	s15 =	sshra.s32 s13, $0x2  }
0x17: {  	[sflag:s7] =	ssyncadd.s32 $0xFFFFC000;
	s13 =	smov.u32 s14;
	s16 =	sadd.s32 $0x200, s14  }
0x18: {  	[tilespmem:s9], [sflag:$0x1] =	stream.indirect.gather [hbm4b:s3+s8], $0x80, s15, s8, $0xb8;
	[tilespmem:$0x4800] =	vst v63  }
0x19: {  	p0 =	sne.s32 s14, $0x1E00;
	_ =	swait.ge [sflag:s10], $0x4000  }
.Ltmp0:
0x1a: {  	[sflag:s10] =	ssyncset.done $0x0;
	(pc) =	sbr.rel @p0 .LBB2_2-.Ltmp0, $4  }
0x1b: {  	[sflag:s10] =	ssyncadd.s32 $0xFFFFC000  }
0x1c: {  	[hbm4b:s12+s2] =	stream.linear.scatter [tilespmem:s9], [sflag:$0x2], $0x4000, $0x38;
	[tilespmem:$0x4800] =	vst v63  }
0x1d: {  	_ =	swait.ge [sflag:s7], $0x4000  }
0x1e: {  	s14 =	smov.u32 s16;
	s12 =	sadd.s32 $0x800, s12;
	[sflag:s7] =	ssyncset.done $0x0  }
0x1f: {  	s13 =	sshra.s32 s13, $0x2;
	[sflag:s7] =	ssyncadd.s32 $0xFFFFC000  }
0x20: {  	[tilespmem:s9], [sflag:$0x1] =	stream.indirect.gather [hbm4b:s3+s8], $0x80, s13, s8, $0xb8;
	[tilespmem:$0x4800] =	vst v63  }
0x21: {  	s11 =	sadd.s32 $0x1, s11;
	_ =	swait.ge [sflag:s10], $0x4000  }
0x22: {  	p0 =	sne.s32 s11, s5;
	[sflag:s10] =	ssyncset.done $0x0  }
.Ltmp1:
0x23: {  	[sflag:s10] =	ssyncadd.s32 $0xFFFFC000;
	(pc) =	sbr.rel @p0 .LBB2_1-.Ltmp1, $4  }
0x24: {  	[hbm4b:s12+s2] =	stream.linear.scatter [tilespmem:s9], [sflag:$0x2], $0x4000, $0x38;
	[tilespmem:$0x4800] =	vst v63  }
0x25: {  	_ =	swait.ge [sflag:s7], $0x4000  }
0x26: {  	[sflag:s7] =	ssyncset.done $0x0  }
0x27: {  	[sflag:s7] =	ssyncadd.s32 $0xFFFFC000  }
0x28: {  	_ =	sfence.sel $0x180000  }
0x29: {  	[bflag:$0x0] =	sbarrier.arrive $0xFFFF  }
0x2a: {  	p0 =	sne.s32 s1, $0x0;
	_ =	strace $0x90000050  }
0x2b: {  	s0 =	sadd.s32 @!p0 $0x100000, s0;
	[bflag:$0x2] =	sbarrier.arrive $0xFFFF  }
0x2c: {  	[sflag:s0] =	ssyncadd.tile.s32 @!p0 $0x1;
	_ =	shalt  }
.Lfunc_end2:
_tile_overlayer_lowered:
.L_overlay_start_2:
0x2d: {  	(tag) =	ssettag $0x2  }
0x2e: {  	s0 =	rddreg [dreg:$0x0];
	s2 =	stileid.u32  }
0x2f: {  	s1 =	rddreg [dreg:$0x1];
	p0 =	sne.s32 s2, $0x0  }
0x30: {  	s3 =	rddreg [dreg:$0x2];
	[bflag:$0x3] =	sbarrier.arrive $0xFFFF;
	s2 =	simm.s32 @!p0 $0x1C02  }
0x31: {  	[timem:s3], [sflag:s2] =	dma.local @!p0 [hbm:s0], s1  }
0x32: {  	s0 =	simm.s32 @!p0 $0x2  }
0x33: {  	_ =	swait.ge @!p0 [sflag:s0], s1  }
0x34: {  	s1 =	ssub.s32 @!p0 $0x0, s1;
	[sflag:s0] =	ssyncset.done @!p0 $0x0  }
0x35: {  	[sflag:s0] =	ssyncadd.s32 @!p0 s1  }
0x36: {  	[bflag:$0x3] =	sbarrier.arrive $0xFFFF  }
0x37: {  	_ =	shalt  }

// kernel: kernel.17.cloned.1.call-start
scs
__scs_entry_jumppad:
0x0: {  	(pc) =	sbr.rel $0x88, $3  }
0x1: {  	(tag) =	ssettag $0x0;
	lr =	simm.s32 $0x1  }
0x2: {  	[smem:$0x3F93] =	sst lr;
	_ =	strace $0xD0000000  }
0x3: {  	_ = 	snop  }
0x4: {  	_ = 	snop  }
0x5: {  	_ = 	snop  }
0x6: {  	_ = 	snop  }
0x7: {  	_ = 	snop  }
__scs_overlays_trampoline_lowered:
0x8: {  	[smem:$0x3FA2] =	sst s0  }
0x9: {  	[smem:$0x3FA3] =	sst s1  }
0xa: {  	[smem:$0x3FA4] =	sst s2  }
0xb: {  	[smem:$0x3FA5] =	sst s3  }
0xc: {  	[smem:$0x3FA6] =	sst s4  }
0xd: {  	[smem:$0x3FA7] =	sst s5  }
0xe: {  	[smem:$0x3FA8] =	sst s6  }
0xf: {  	[smem:$0x3FA9] =	sst s7  }
0x10: {  	[smem:$0x3FAA] =	sst s8  }
0x11: {  	[smem:$0x3FAB] =	sst s9;
	s0 =	simm.s32 @!p0 $0x0  }
0x12: {  	s1 =	sld [smem:$0x3F91];
	s0 =	simm.s32 @p0 $0x1  }
0x13: {  	[smem:$0x3FAC] =	sst s0;
	s0 =	simm.s32 @!p1 $0x0  }
0x14: {  	s2 =	sld [smem:$0x3F90];
	s0 =	simm.s32 @p1 $0x1  }
0x15: {  	[smem:$0x3FAD] =	sst s0;
	s0 =	simm.s32 @!p2 $0x0  }
0x16: {  	s3 =	sld [smem:$0x3FDB];
	s0 =	simm.s32 @p2 $0x1  }
0x17: {  	s4 =	simm.s32 $0x1BF5;
	[smem:$0x3FAF] =	sst s0  }
0x18: {  	s0 =	sld [smem:$0x3F92];
	_ =	swait.ge [sflag:s4], $0x0  }
0x19: {  	s7 =	sld [smem:$0x3F93]  }
0x1a: {  	s8 =	sadd.s32 $0xFFFFE003, lr  }
0x1b: {  	s9 =	sadd.s32 $0xFFFFFEF7, lr;
	s5 =	simm.s32 $0xFFFFFFFF;
	p2 =	slt.u32 s8, $0xFFFFF086  }
0x1c: {  	p1 =	slt.u32 s9, $0xF7A;
	s5 =	simm.s32 @!p2 $0x0  }
0x1d: {  	s5 =	simm.s32 @p1 $0x1;
	p0 =	seq.s32 s7, s2  }
0x1e: {  	s7 =	smul.u32 @!p0 $0xF7A, s2;
	p2 =	seq.s32 @!p0 s5, $0x0  }
0x1f: {  	s9 =	smul.u32 $0xF7A, s1;
	s8 =	simm.s32 @!p0 $0x1BF5;
	p2 =	por !p2, p0  }
0x20: {  	[sflag:s8] =	ssyncset.s32 @!p0 $0xFFFFF086;
	s6 =	sadd.s32 @!p0 s3, s7;
	s7 =	simm.s32 @!p0 $0x108  }
0x21: {  	s3 =	sadd.s32 s3, s9;
	s6 =	sadd.s32 @!p0 $0x88, s6;
	s7 =	simm.s32 @p2 $0x1082  }
0x22: {  	[simem:s7], [sflag:s8] =	dma.local @!p0 [hbm:s6], $0xF7A  }
0x23: {  	s9 =	sor.u32 $0xD0000000, s2;
	s6 =	simm.s32 $0x108;
	_ =	swait.ge @!p0 [sflag:s8], $0x0  }
0x24: {  	s3 =	sadd.s32 $0x88, s3;
	s6 =	simm.s32 @!p1 $0x1082;
	[sflag:s4] =	ssyncset.s32 $0xFFFFF086  }
0x25: {  	[simem:s6], [sflag:s4] =	dma.local [hbm:s3], $0xF7A  }
0x26: {  	[smem:$0x3F93] =	sst s1;
	(tag) =	ssettag s2;
	_ =	strace s9  }
0x27: {  	s1 =	sld [smem:$0x3FA3]  }
0x28: {  	s2 =	sld [smem:$0x3FA4]  }
0x29: {  	s4 =	sld [smem:$0x3FA6]  }
0x2a: {  	p0 =	seq.s32 s5, $0x0;
	s5 =	sld [smem:$0x3FA7]  }
0x2b: {  	s6 =	sld [smem:$0x3FA8]  }
0x2c: {  	s7 =	sld [smem:$0x3FA9]  }
0x2d: {  	s3 =	simm.s32 $0x108;
	s8 =	sld [smem:$0x3FAA]  }
0x2e: {  	s3 =	simm.s32 @!p0 $0x1082;
	s9 =	sld [smem:$0x3FAB]  }
0x2f: {  	lr =	sadd.s32 s0, s3;
	s0 =	sld [smem:$0x3FA2]  }
0x30: {  	s3 =	sld [smem:$0x3FA5]  }
0x31: {  	[smem:$0x3FAE] =	sst s10  }
0x32: {  	s10 =	sld [smem:$0x3FAC];
	_ =	sdelay $0x3  }
0x33: {  	p0 =	seq.s32 s10, $0x1;
	s10 =	sld [smem:$0x3FAE];
	_ =	sdelay $0x3  }
0x34: {  	[smem:$0x3FAE] =	sst s10  }
0x35: {  	s10 =	sld [smem:$0x3FAD];
	_ =	sdelay $0x3  }
0x36: {  	p1 =	seq.s32 s10, $0x1;
	s10 =	sld [smem:$0x3FAE];
	_ =	sdelay $0x3  }
0x37: {  	[smem:$0x3FAE] =	sst s10  }
0x38: {  	s10 =	sld [smem:$0x3FAF]  }
0x39: {  	_ = 	snop;
	(pc) =	sbr.ind lr, $3  }
0x3a: {  	_ = 	snop  }
0x3b: {  	_ = 	snop  }
0x3c: {  	p2 =	seq.s32 s10, $0x1;
	s10 =	sld [smem:$0x3FAE]  }
0x3d: {  	_ =	shalt  }
0x3e: {  	_ =	shalt  }
0x3f: {  	_ =	shalt  }
0x40: {  	_ =	shalt  }
0x41: {  	_ =	shalt  }
0x42: {  	_ =	shalt  }
0x43: {  	_ =	shalt  }
0x44: {  	_ =	shalt  }
0x45: {  	_ =	shalt  }
0x46: {  	_ =	shalt  }
0x47: {  	_ =	shalt  }
0x48: {  	_ =	shalt  }
0x49: {  	_ =	shalt  }
0x4a: {  	_ =	shalt  }
0x4b: {  	_ =	shalt  }
0x4c: {  	_ =	shalt  }
0x4d: {  	_ =	shalt  }
0x4e: {  	_ =	shalt  }
0x4f: {  	_ =	shalt  }
0x50: {  	_ =	shalt  }
0x51: {  	_ =	shalt  }
0x52: {  	_ =	shalt  }
0x53: {  	_ =	shalt  }
0x54: {  	_ =	shalt  }
0x55: {  	_ =	shalt  }
0x56: {  	_ =	shalt  }
0x57: {  	_ =	shalt  }
0x58: {  	_ =	shalt  }
0x59: {  	_ =	shalt  }
0x5a: {  	_ =	shalt  }
0x5b: {  	_ =	shalt  }
0x5c: {  	_ =	shalt  }
0x5d: {  	_ =	shalt  }
0x5e: {  	_ =	shalt  }
0x5f: {  	_ =	shalt  }
0x60: {  	_ =	shalt  }
0x61: {  	_ =	shalt  }
0x62: {  	_ =	shalt  }
0x63: {  	_ =	shalt  }
0x64: {  	_ =	shalt  }
0x65: {  	_ =	shalt  }
0x66: {  	_ =	shalt  }
0x67: {  	_ =	shalt  }
0x68: {  	_ =	shalt  }
0x69: {  	_ =	shalt  }
0x6a: {  	_ =	shalt  }
0x6b: {  	_ =	shalt  }
0x6c: {  	_ =	shalt  }
0x6d: {  	_ =	shalt  }
0x6e: {  	_ =	shalt  }
0x6f: {  	_ =	shalt  }
0x70: {  	_ =	shalt  }
0x71: {  	_ =	shalt  }
0x72: {  	_ =	shalt  }
0x73: {  	_ =	shalt  }
0x74: {  	_ =	shalt  }
0x75: {  	_ =	shalt  }
0x76: {  	_ =	shalt  }
0x77: {  	_ =	shalt  }
0x78: {  	_ =	shalt  }
0x79: {  	_ =	shalt  }
0x7a: {  	_ =	shalt  }
0x7b: {  	_ =	shalt  }
0x7c: {  	_ =	shalt  }
0x7d: {  	_ =	shalt  }
0x7e: {  	_ =	shalt  }
0x7f: {  	_ =	shalt  }
0x80: {  	_ =	shalt  }
0x81: {  	_ =	shalt  }
0x82: {  	_ =	shalt  }
0x83: {  	_ =	shalt  }
0x84: {  	_ =	shalt  }
0x85: {  	_ =	shalt  }
0x86: {  	_ =	shalt  }
0x87: {  	_ =	shalt  }
.Lfunc_end0:
.L_simem_size_0:
called_computation.1_lowered:
.L_overlay_start_0:
0x88: {  	s2 =	sld [smem:$0x3FD9]  }
0x89: {  	s3 =	sld [smem:$0x3FFE];
	_ =	sdelay $0x1  }
0x8a: {  	s1 =	srdreg.scid  }
0x8b: {  	s0 =	sand.u32 $0x1, s1  }
0x8c: {  	s17 =	sshll.u32 s0, $0xA;
	s2 =	sadd.s32 s3, s2  }
0x8d: {  	s2 =	sadd.s32 s2, s17  }
0x8e: {  	[smem:$0x3FBA] =	sst s2  }
0x8f: {  	_ = 	snop  }
0x90: {  	(tm) =	ssettm $0x1  }
0x91: {  	s18 =	sld [smem:$0x3FFB];
	_ =	sdelay $0x3  }
0x92: {  	_ =	strace s18  }
0x93: {  	s2 =	sld [smem:$0x3FFC];
	_ =	sdelay $0x3  }
0x94: {  	_ =	strace s2  }
0x95: {  	s2 =	sld [smem:$0x3FFD];
	_ =	sdelay $0x3  }
0x96: {  	_ =	strace s2  }
0x97: {  	_ =	strace $0x8FFFFFFF  }
0x98: {  	s19 =	sld [smem:$0x3FDB];
	_ =	sdelay $0x1  }
0x99: {  	s20 =	simm.s32 $_scs_section_size  }
0x9a: {  	s4 =	simm.s32 $_size__tile_overlayer_lowered;
	s5 =	simm.s32 $_tile_overlayer_lowered  }
0x9b: {  	s6 =	simm.s32 $0x1BFF;
	s21 =	sshll.u32 s5, $0x1;
	s3 =	sadd.s32 s20, s19  }
0x9c: {  	s22 =	simm.s32 $0x0;
	s4 =	sshll.u32 s4, $0x1;
	s5 =	sadd.s32 s21, s3  }
0x9d: {  	[timem:s22], [sflag:s6] =	dma.local [hbm:s5], s4  }
0x9e: {  	_ =	swait.ge [sflag:s6], s4  }
0x9f: {  	s4 =	ssub.s32 $0x0, s4;
	[sflag:s6] =	ssyncset.done $0x0  }
0xa0: {  	[sflag:s6] =	ssyncadd.s32 s4;
	_ =	sdelay $0x1  }
0xa1: {  	s23 =	simm.s32 $0x1B8B  }
0xa2: {  	_ =	swait.ge [sflag:s23], $0x1  }
0xa3: {  	[sflag:s23] =	ssyncset.done $0x0  }
0xa4: {  	[sflag:s23] =	ssyncadd.s32 $0xFFFFFFFF  }
0xa5: {  	s4 =	sld [smem:$0x0]  }
0xa6: {  	s5 =	sand.u32 $0xFFFFFFFE, s1  }
0xa7: {  	p0 =	sne.s32 s1, s5  }
0xa8: {  	s5 =	sshll.u32 @p0 s5, $0xE  }
0xa9: {  	s5 =	sadd.s32 @p0 $0x11B8D, s5;
	s6 =	sshll.u32 @p0 s4, $0x11  }
0xaa: {  	s5 =	sor.u32 @p0 s6, s5  }
0xab: {  	[sflag:s5] =	ssyncadd.remote.s32 @p0 $0x1;
	_ =	sdelay $0x1  }
0xac: {  	s5 =	simm.s32 @p0 $0x1B8D  }
0xad: {  	_ =	swait.eq @p0 [sflag:s5], $0x1  }
0xae: {  	[sflag:s5] =	ssyncadd.s32 @p0 $0xFFFFFFFF  }
0xaf: {  	s6 =	sshll.u32 @!p0 s1, $0xE  }
0xb0: {  	s6 =	sor.u32 @!p0 $0x4000, s6;
	s5 =	simm.s32 @!p0 $0x1B8D  }
0xb1: {  	s4 =	sshll.u32 @!p0 s4, $0x11;
	s6 =	sadd.s32 @!p0 $0x11B8D, s6;
	_ =	swait.eq @!p0 [sflag:s5], $0x1  }
0xb2: {  	s4 =	sor.u32 @!p0 s4, s6;
	[sflag:s5] =	ssyncadd.s32 @!p0 $0xFFFFFFFF  }
0xb3: {  	s25 =	simm.s32 $0x1B8E;
	s24 =	sld [smem:$0x3FFE];
	[sflag:s4] =	ssyncadd.remote.s32 @!p0 $0x1  }
0xb4: {  	s26 =	simm.s32 $execute0_lowered;
	[smem:$0x3FD2] =	sst s25  }
0xb5: {  	s5 =	sshll.u32 s26, $0x1;
	_ =	strace $0x8000004C;
	[dreg:$0x1] =	wrdreg $0xFFFFFFFF  }
0xb6: {  	s28 =	simm.s32 $_size_execute0_lowered;
	s3 =	sadd.s32 s3, s5;
	[dreg:$0x0] =	wrdreg $0x0  }
0xb7: {  	s5 =	sshll.u32 s28, $0x1;
	[dreg:$0x2] =	wrdreg s3  }
0xb8: {  	[dreg:$0x3] =	wrdreg s5  }
0xb9: {  	[dreg:$0x4] =	wrdreg $0xC0  }
0xba: {  	_ =	task [dreg:s22], $0x5FFFF  }
0xbb: {  	[dreg:$0x1] =	wrdreg $0xFFFFFFFF  }
0xbc: {  	[dreg:$0x0] =	wrdreg $0x60  }
0xbd: {  	[dreg:$0x2] =	wrdreg s24  }
0xbe: {  	[dreg:$0x3] =	wrdreg $0xA  }
0xbf: {  	_ =	task.clear_ibuf [dreg:s22], $0x4FFFF;
	_ =	strace $0x9000004C  }
0xc0: {  	s29 =	simm.s32 $0xA;
	_ =	strace $0x8000004E  }
0xc1: {  	_ =	swait.ge [sflag:s29], $0x1  }
0xc2: {  	[sflag:s29] =	ssyncadd.s32 $0xFFFFFFFF  }
0xc3: {  	_ =	strace $0x9000004E  }
0xc4: {  	_ =	sfence  }
0xc5: {  	s30 =	sld [smem:$0x0];
	_ =	sdelay $0x2  }
0xc6: {  	s31 =	sshll.u32 s1, $0xD;
	s1 =	sshrl.u32 s1, $0x2  }
0xc7: {  	s4 =	sand.u32 $0x4000, s31;
	s1 =	sadd.s32 s1, s30  }
0xc8: {  	s0 =	sor.u32 s4, s0;
	s1 =	sshll.u32 s1, $0x11  }
0xc9: {  	s0 =	sor.u32 s1, s0  }
0xca: {  	s0 =	sadd.s32 $0x8F2B, s0  }
0xcb: {  	[sflag:s0] =	ssyncadd.remote.s32 $0x1  }
0xcc: {  	_ =	sfence.sel $0xFFFF  }
0xcd: {  	[dreg:$0x0] =	wrdreg $0xFFFFFFFF;
	(pc) =	sbr.abs _section_cstart, $3  }
0xce: {  	[dreg:$0x1] =	wrdreg $0xFFFFFFFF  }
0xcf: {  	_ =	task.clear_ibuf [dreg:s22], $0x2FFFF;
	_ =	strace $0x9FFFFFFF  }
0xd0: {  	(tm) =	ssettm $0x7FFFFFFF  }
0xd1: {  	_ =	shalt  }
tec
execute0_lowered:
.L_overlay_start_1:
0x0: {  	(tag) =	ssettag $0x1  }
0x1: {  	s4 =	rddreg [dreg:$0x0]  }
0x2: {  	s0 =	rddreg [dreg:$0x1];
	s2 =	simm.s32 $0x0;
	s3 =	srdreg.scid  }
0x3: {  	s1 =	stileid.u32;
	s10 =	simm.s32 $0x1;
	s11 =	simm.s32 $0x0  }
0x4: {  	[smem:$0x7FF] =	sst s2;
	s5 =	sand.u32 $0x1, s3;
	s6 =	sshll.u32 s1, $0x9  }
0x5: {  	s3 =	sadd.s32 $0x43A00, s4;
	s8 =	sshll.u32 s1, $0x10;
	_ =	strace $0x8000004D  }
0x6: {  	s7 =	sshll.u32 s5, $0x8;
	s29 =	ssub.s32 $0x2, s5;
	s8 =	sadd.s32 s8, s4  }
0x7: {  	s30 =	sshll.u32 s5, $0xF;
	s6 =	sor.u32 s7, s6;
	s9 =	sshrl.u32 s29, $0x1  }
0x8: {  	s31 =	sadd.s32 s30, s8;
	s8 =	simm.s32 $0x80;
	s6 =	sadd.s32 s6, s4  }
0x9: {  	s7 =	ssub.s32 s29, s9;
	s9 =	simm.s32 $0x800;
	s4 =	sadd.s32 $0x285A00, s6  }
0xa: {  	s5 =	smax.u32 s7, $0x1;
	s6 =	sadd.s32 $0x287A00, s31;
	s7 =	simm.s32 $0x2  }
.LBB2_1:
0xb: {  	[tilespmem:s2], [sflag:$0x2] =	stream.linear.gather [hbm4b:s4+s2], $0x800, $0x38;
	[tilespmem:$0x4800] =	vst v63  }
0xc: {  	_ =	swait.ge [sflag:s7], $0x800  }
0xd: {  	[sflag:s7] =	ssyncset.done $0x0  }
0xe: {  	s12 =	simm.s32 $0x0;
	[sflag:s7] =	ssyncadd.s32 $0xFFFFF800  }
0xf: {  	[tilespmem:s9], [sflag:$0x1] =	stream.indirect.gather [hbm4b:s3+s8], $0x80, s12, s8, $0xb8;
	[tilespmem:$0x4800] =	vst v63  }
0x10: {  	_ =	swait.ge [sflag:s10], $0x4000  }
0x11: {  	[sflag:s10] =	ssyncset.done $0x0  }
0x12: {  	[sflag:s10] =	ssyncadd.s32 $0xFFFFC000  }
0x13: {  	[hbm4b:s6+s2] =	stream.linear.scatter [tilespmem:s9], [sflag:$0x2], $0x4000, $0x38;
	[tilespmem:$0x4800] =	vst v63  }
0x14: {  	s13 =	simm.s32 $0x200;
	_ =	swait.ge [sflag:s7], $0x4000  }
0x15: {  	s14 =	simm.s32 $0x400;
	s12 =	sadd.s32 $0x800, s6;
	[sflag:s7] =	ssyncset.done $0x0  }
.LBB2_2:
0x16: {  	s15 =	sshra.s32 s13, $0x2  }
0x17: {  	[sflag:s7] =	ssyncadd.s32 $0xFFFFC000;
	s13 =	smov.u32 s14;
	s16 =	sadd.s32 $0x200, s14  }
0x18: {  	[tilespmem:s9], [sflag:$0x1] =	stream.indirect.gather [hbm4b:s3+s8], $0x80, s15, s8, $0xb8;
	[tilespmem:$0x4800] =	vst v63  }
0x19: {  	p0 =	sne.s32 s14, $0x1E00;
	_ =	swait.ge [sflag:s10], $0x4000  }
.Ltmp0:
0x1a: {  	[sflag:s10] =	ssyncset.done $0x0;
	(pc) =	sbr.rel @p0 .LBB2_2-.Ltmp0, $4  }
0x1b: {  	[sflag:s10] =	ssyncadd.s32 $0xFFFFC000  }
0x1c: {  	[hbm4b:s12+s2] =	stream.linear.scatter [tilespmem:s9], [sflag:$0x2], $0x4000, $0x38;
	[tilespmem:$0x4800] =	vst v63  }
0x1d: {  	_ =	swait.ge [sflag:s7], $0x4000  }
0x1e: {  	s14 =	smov.u32 s16;
	s12 =	sadd.s32 $0x800, s12;
	[sflag:s7] =	ssyncset.done $0x0  }
0x1f: {  	s13 =	sshra.s32 s13, $0x2;
	[sflag:s7] =	ssyncadd.s32 $0xFFFFC000  }
0x20: {  	[tilespmem:s9], [sflag:$0x1] =	stream.indirect.gather [hbm4b:s3+s8], $0x80, s13, s8, $0xb8;
	[tilespmem:$0x4800] =	vst v63  }
0x21: {  	s11 =	sadd.s32 $0x1, s11;
	_ =	swait.ge [sflag:s10], $0x4000  }
0x22: {  	p0 =	sne.s32 s11, s5;
	[sflag:s10] =	ssyncset.done $0x0  }
.Ltmp1:
0x23: {  	[sflag:s10] =	ssyncadd.s32 $0xFFFFC000;
	(pc) =	sbr.rel @p0 .LBB2_1-.Ltmp1, $4  }
0x24: {  	[hbm4b:s12+s2] =	stream.linear.scatter [tilespmem:s9], [sflag:$0x2], $0x4000, $0x38;
	[tilespmem:$0x4800] =	vst v63  }
0x25: {  	_ =	swait.ge [sflag:s7], $0x4000  }
0x26: {  	[sflag:s7] =	ssyncset.done $0x0  }
0x27: {  	[sflag:s7] =	ssyncadd.s32 $0xFFFFC000  }
0x28: {  	_ =	sfence.sel $0x180000  }
0x29: {  	[bflag:$0x0] =	sbarrier.arrive $0xFFFF  }
0x2a: {  	p0 =	sne.s32 s1, $0x0;
	_ =	strace $0x9000004D  }
0x2b: {  	s0 =	sadd.s32 @!p0 $0x100000, s0;
	[bflag:$0x2] =	sbarrier.arrive $0xFFFF  }
0x2c: {  	[sflag:s0] =	ssyncadd.tile.s32 @!p0 $0x1;
	_ =	shalt  }
.Lfunc_end2:
_tile_overlayer_lowered:
.L_overlay_start_2:
0x2d: {  	(tag) =	ssettag $0x2  }
0x2e: {  	s0 =	rddreg [dreg:$0x0];
	s2 =	stileid.u32  }
0x2f: {  	s1 =	rddreg [dreg:$0x1];
	p0 =	sne.s32 s2, $0x0  }
0x30: {  	s3 =	rddreg [dreg:$0x2];
	[bflag:$0x3] =	sbarrier.arrive $0xFFFF;
	s2 =	simm.s32 @!p0 $0x1C02  }
0x31: {  	[timem:s3], [sflag:s2] =	dma.local @!p0 [hbm:s0], s1  }
0x32: {  	s0 =	simm.s32 @!p0 $0x2  }
0x33: {  	_ =	swait.ge @!p0 [sflag:s0], s1  }
0x34: {  	s1 =	ssub.s32 @!p0 $0x0, s1;
	[sflag:s0] =	ssyncset.done @!p0 $0x0  }
0x35: {  	[sflag:s0] =	ssyncadd.s32 @!p0 s1  }
0x36: {  	[bflag:$0x3] =	sbarrier.arrive $0xFFFF  }
0x37: {  	_ =	shalt  }

// kernel: kernel.20.cloned.1.call-start
scs
__scs_entry_jumppad:
0x0: {  	(pc) =	sbr.rel $0x88, $3  }
0x1: {  	(tag) =	ssettag $0x0;
	lr =	simm.s32 $0x1  }
0x2: {  	[smem:$0x3F93] =	sst lr;
	_ =	strace $0xD0000000  }
0x3: {  	_ = 	snop  }
0x4: {  	_ = 	snop  }
0x5: {  	_ = 	snop  }
0x6: {  	_ = 	snop  }
0x7: {  	_ = 	snop  }
__scs_overlays_trampoline_lowered:
0x8: {  	[smem:$0x3FA2] =	sst s0  }
0x9: {  	[smem:$0x3FA3] =	sst s1  }
0xa: {  	[smem:$0x3FA4] =	sst s2  }
0xb: {  	[smem:$0x3FA5] =	sst s3  }
0xc: {  	[smem:$0x3FA6] =	sst s4  }
0xd: {  	[smem:$0x3FA7] =	sst s5  }
0xe: {  	[smem:$0x3FA8] =	sst s6  }
0xf: {  	[smem:$0x3FA9] =	sst s7  }
0x10: {  	[smem:$0x3FAA] =	sst s8  }
0x11: {  	[smem:$0x3FAB] =	sst s9;
	s0 =	simm.s32 @!p0 $0x0  }
0x12: {  	s1 =	sld [smem:$0x3F91];
	s0 =	simm.s32 @p0 $0x1  }
0x13: {  	[smem:$0x3FAC] =	sst s0;
	s0 =	simm.s32 @!p1 $0x0  }
0x14: {  	s2 =	sld [smem:$0x3F90];
	s0 =	simm.s32 @p1 $0x1  }
0x15: {  	[smem:$0x3FAD] =	sst s0;
	s0 =	simm.s32 @!p2 $0x0  }
0x16: {  	s3 =	sld [smem:$0x3FDB];
	s0 =	simm.s32 @p2 $0x1  }
0x17: {  	s4 =	simm.s32 $0x1BF5;
	[smem:$0x3FAF] =	sst s0  }
0x18: {  	s0 =	sld [smem:$0x3F92];
	_ =	swait.ge [sflag:s4], $0x0  }
0x19: {  	s7 =	sld [smem:$0x3F93]  }
0x1a: {  	s8 =	sadd.s32 $0xFFFFE003, lr  }
0x1b: {  	s9 =	sadd.s32 $0xFFFFFEF7, lr;
	s5 =	simm.s32 $0xFFFFFFFF;
	p2 =	slt.u32 s8, $0xFFFFF086  }
0x1c: {  	p1 =	slt.u32 s9, $0xF7A;
	s5 =	simm.s32 @!p2 $0x0  }
0x1d: {  	s5 =	simm.s32 @p1 $0x1;
	p0 =	seq.s32 s7, s2  }
0x1e: {  	s7 =	smul.u32 @!p0 $0xF7A, s2;
	p2 =	seq.s32 @!p0 s5, $0x0  }
0x1f: {  	s9 =	smul.u32 $0xF7A, s1;
	s8 =	simm.s32 @!p0 $0x1BF5;
	p2 =	por !p2, p0  }
0x20: {  	[sflag:s8] =	ssyncset.s32 @!p0 $0xFFFFF086;
	s6 =	sadd.s32 @!p0 s3, s7;
	s7 =	simm.s32 @!p0 $0x108  }
0x21: {  	s3 =	sadd.s32 s3, s9;
	s6 =	sadd.s32 @!p0 $0x88, s6;
	s7 =	simm.s32 @p2 $0x1082  }
0x22: {  	[simem:s7], [sflag:s8] =	dma.local @!p0 [hbm:s6], $0xF7A  }
0x23: {  	s9 =	sor.u32 $0xD0000000, s2;
	s6 =	simm.s32 $0x108;
	_ =	swait.ge @!p0 [sflag:s8], $0x0  }
0x24: {  	s3 =	sadd.s32 $0x88, s3;
	s6 =	simm.s32 @!p1 $0x1082;
	[sflag:s4] =	ssyncset.s32 $0xFFFFF086  }
0x25: {  	[simem:s6], [sflag:s4] =	dma.local [hbm:s3], $0xF7A  }
0x26: {  	[smem:$0x3F93] =	sst s1;
	(tag) =	ssettag s2;
	_ =	strace s9  }
0x27: {  	s1 =	sld [smem:$0x3FA3]  }
0x28: {  	s2 =	sld [smem:$0x3FA4]  }
0x29: {  	s4 =	sld [smem:$0x3FA6]  }
0x2a: {  	p0 =	seq.s32 s5, $0x0;
	s5 =	sld [smem:$0x3FA7]  }
0x2b: {  	s6 =	sld [smem:$0x3FA8]  }
0x2c: {  	s7 =	sld [smem:$0x3FA9]  }
0x2d: {  	s3 =	simm.s32 $0x108;
	s8 =	sld [smem:$0x3FAA]  }
0x2e: {  	s3 =	simm.s32 @!p0 $0x1082;
	s9 =	sld [smem:$0x3FAB]  }
0x2f: {  	lr =	sadd.s32 s0, s3;
	s0 =	sld [smem:$0x3FA2]  }
0x30: {  	s3 =	sld [smem:$0x3FA5]  }
0x31: {  	[smem:$0x3FAE] =	sst s10  }
0x32: {  	s10 =	sld [smem:$0x3FAC];
	_ =	sdelay $0x3  }
0x33: {  	p0 =	seq.s32 s10, $0x1;
	s10 =	sld [smem:$0x3FAE];
	_ =	sdelay $0x3  }
0x34: {  	[smem:$0x3FAE] =	sst s10  }
0x35: {  	s10 =	sld [smem:$0x3FAD];
	_ =	sdelay $0x3  }
0x36: {  	p1 =	seq.s32 s10, $0x1;
	s10 =	sld [smem:$0x3FAE];
	_ =	sdelay $0x3  }
0x37: {  	[smem:$0x3FAE] =	sst s10  }
0x38: {  	s10 =	sld [smem:$0x3FAF]  }
0x39: {  	_ = 	snop;
	(pc) =	sbr.ind lr, $3  }
0x3a: {  	_ = 	snop  }
0x3b: {  	_ = 	snop  }
0x3c: {  	p2 =	seq.s32 s10, $0x1;
	s10 =	sld [smem:$0x3FAE]  }
0x3d: {  	_ =	shalt  }
0x3e: {  	_ =	shalt  }
0x3f: {  	_ =	shalt  }
0x40: {  	_ =	shalt  }
0x41: {  	_ =	shalt  }
0x42: {  	_ =	shalt  }
0x43: {  	_ =	shalt  }
0x44: {  	_ =	shalt  }
0x45: {  	_ =	shalt  }
0x46: {  	_ =	shalt  }
0x47: {  	_ =	shalt  }
0x48: {  	_ =	shalt  }
0x49: {  	_ =	shalt  }
0x4a: {  	_ =	shalt  }
0x4b: {  	_ =	shalt  }
0x4c: {  	_ =	shalt  }
0x4d: {  	_ =	shalt  }
0x4e: {  	_ =	shalt  }
0x4f: {  	_ =	shalt  }
0x50: {  	_ =	shalt  }
0x51: {  	_ =	shalt  }
0x52: {  	_ =	shalt  }
0x53: {  	_ =	shalt  }
0x54: {  	_ =	shalt  }
0x55: {  	_ =	shalt  }
0x56: {  	_ =	shalt  }
0x57: {  	_ =	shalt  }
0x58: {  	_ =	shalt  }
0x59: {  	_ =	shalt  }
0x5a: {  	_ =	shalt  }
0x5b: {  	_ =	shalt  }
0x5c: {  	_ =	shalt  }
0x5d: {  	_ =	shalt  }
0x5e: {  	_ =	shalt  }
0x5f: {  	_ =	shalt  }
0x60: {  	_ =	shalt  }
0x61: {  	_ =	shalt  }
0x62: {  	_ =	shalt  }
0x63: {  	_ =	shalt  }
0x64: {  	_ =	shalt  }
0x65: {  	_ =	shalt  }
0x66: {  	_ =	shalt  }
0x67: {  	_ =	shalt  }
0x68: {  	_ =	shalt  }
0x69: {  	_ =	shalt  }
0x6a: {  	_ =	shalt  }
0x6b: {  	_ =	shalt  }
0x6c: {  	_ =	shalt  }
0x6d: {  	_ =	shalt  }
0x6e: {  	_ =	shalt  }
0x6f: {  	_ =	shalt  }
0x70: {  	_ =	shalt  }
0x71: {  	_ =	shalt  }
0x72: {  	_ =	shalt  }
0x73: {  	_ =	shalt  }
0x74: {  	_ =	shalt  }
0x75: {  	_ =	shalt  }
0x76: {  	_ =	shalt  }
0x77: {  	_ =	shalt  }
0x78: {  	_ =	shalt  }
0x79: {  	_ =	shalt  }
0x7a: {  	_ =	shalt  }
0x7b: {  	_ =	shalt  }
0x7c: {  	_ =	shalt  }
0x7d: {  	_ =	shalt  }
0x7e: {  	_ =	shalt  }
0x7f: {  	_ =	shalt  }
0x80: {  	_ =	shalt  }
0x81: {  	_ =	shalt  }
0x82: {  	_ =	shalt  }
0x83: {  	_ =	shalt  }
0x84: {  	_ =	shalt  }
0x85: {  	_ =	shalt  }
0x86: {  	_ =	shalt  }
0x87: {  	_ =	shalt  }
.Lfunc_end0:
.L_simem_size_0:
called_computation.2_lowered:
.L_overlay_start_0:
0x88: {  	s2 =	sld [smem:$0x3FD9]  }
0x89: {  	s3 =	sld [smem:$0x3FFE];
	_ =	sdelay $0x1  }
0x8a: {  	s1 =	srdreg.scid  }
0x8b: {  	s0 =	sand.u32 $0x1, s1  }
0x8c: {  	s17 =	sshll.u32 s0, $0xA;
	s2 =	sadd.s32 s3, s2  }
0x8d: {  	s2 =	sadd.s32 s2, s17  }
0x8e: {  	[smem:$0x3FBA] =	sst s2  }
0x8f: {  	_ = 	snop  }
0x90: {  	(tm) =	ssettm $0x1  }
0x91: {  	s18 =	sld [smem:$0x3FFB];
	_ =	sdelay $0x3  }
0x92: {  	_ =	strace s18  }
0x93: {  	s2 =	sld [smem:$0x3FFC];
	_ =	sdelay $0x3  }
0x94: {  	_ =	strace s2  }
0x95: {  	s2 =	sld [smem:$0x3FFD];
	_ =	sdelay $0x3  }
0x96: {  	_ =	strace s2  }
0x97: {  	_ =	strace $0x8FFFFFFF  }
0x98: {  	s19 =	sld [smem:$0x3FDB];
	_ =	sdelay $0x1  }
0x99: {  	s20 =	simm.s32 $_scs_section_size  }
0x9a: {  	s4 =	simm.s32 $_size__tile_overlayer_lowered;
	s5 =	simm.s32 $_tile_overlayer_lowered  }
0x9b: {  	s6 =	simm.s32 $0x1BFF;
	s21 =	sshll.u32 s5, $0x1;
	s3 =	sadd.s32 s20, s19  }
0x9c: {  	s22 =	simm.s32 $0x0;
	s4 =	sshll.u32 s4, $0x1;
	s5 =	sadd.s32 s21, s3  }
0x9d: {  	[timem:s22], [sflag:s6] =	dma.local [hbm:s5], s4  }
0x9e: {  	_ =	swait.ge [sflag:s6], s4  }
0x9f: {  	s4 =	ssub.s32 $0x0, s4;
	[sflag:s6] =	ssyncset.done $0x0  }
0xa0: {  	[sflag:s6] =	ssyncadd.s32 s4;
	_ =	sdelay $0x1  }
0xa1: {  	s23 =	simm.s32 $0x1B8B  }
0xa2: {  	_ =	swait.ge [sflag:s23], $0x1  }
0xa3: {  	[sflag:s23] =	ssyncset.done $0x0  }
0xa4: {  	[sflag:s23] =	ssyncadd.s32 $0xFFFFFFFF  }
0xa5: {  	s4 =	sld [smem:$0x0]  }
0xa6: {  	s5 =	sand.u32 $0xFFFFFFFE, s1  }
0xa7: {  	p0 =	sne.s32 s1, s5  }
0xa8: {  	s5 =	sshll.u32 @p0 s5, $0xE  }
0xa9: {  	s5 =	sadd.s32 @p0 $0x11B8D, s5;
	s6 =	sshll.u32 @p0 s4, $0x11  }
0xaa: {  	s5 =	sor.u32 @p0 s6, s5  }
0xab: {  	[sflag:s5] =	ssyncadd.remote.s32 @p0 $0x1;
	_ =	sdelay $0x1  }
0xac: {  	s5 =	simm.s32 @p0 $0x1B8D  }
0xad: {  	_ =	swait.eq @p0 [sflag:s5], $0x1  }
0xae: {  	[sflag:s5] =	ssyncadd.s32 @p0 $0xFFFFFFFF  }
0xaf: {  	s6 =	sshll.u32 @!p0 s1, $0xE  }
0xb0: {  	s6 =	sor.u32 @!p0 $0x4000, s6;
	s5 =	simm.s32 @!p0 $0x1B8D  }
0xb1: {  	s4 =	sshll.u32 @!p0 s4, $0x11;
	s6 =	sadd.s32 @!p0 $0x11B8D, s6;
	_ =	swait.eq @!p0 [sflag:s5], $0x1  }
0xb2: {  	s4 =	sor.u32 @!p0 s4, s6;
	[sflag:s5] =	ssyncadd.s32 @!p0 $0xFFFFFFFF  }
0xb3: {  	s25 =	simm.s32 $0x1B8E;
	s24 =	sld [smem:$0x3FFE];
	[sflag:s4] =	ssyncadd.remote.s32 @!p0 $0x1  }
0xb4: {  	s26 =	simm.s32 $execute0_lowered;
	[smem:$0x3FD2] =	sst s25  }
0xb5: {  	s5 =	sshll.u32 s26, $0x1;
	_ =	strace $0x80000049;
	[dreg:$0x1] =	wrdreg $0xFFFFFFFF  }
0xb6: {  	s28 =	simm.s32 $_size_execute0_lowered;
	s3 =	sadd.s32 s3, s5;
	[dreg:$0x0] =	wrdreg $0x0  }
0xb7: {  	s5 =	sshll.u32 s28, $0x1;
	[dreg:$0x2] =	wrdreg s3  }
0xb8: {  	[dreg:$0x3] =	wrdreg s5  }
0xb9: {  	[dreg:$0x4] =	wrdreg $0xC0  }
0xba: {  	_ =	task [dreg:s22], $0x5FFFF  }
0xbb: {  	[dreg:$0x1] =	wrdreg $0xFFFFFFFF  }
0xbc: {  	[dreg:$0x0] =	wrdreg $0x60  }
0xbd: {  	[dreg:$0x2] =	wrdreg s24  }
0xbe: {  	[dreg:$0x3] =	wrdreg $0xB  }
0xbf: {  	_ =	task.clear_ibuf [dreg:s22], $0x4FFFF;
	_ =	strace $0x90000049  }
0xc0: {  	s29 =	simm.s32 $0xB;
	_ =	strace $0x8000004B  }
0xc1: {  	_ =	swait.ge [sflag:s29], $0x1  }
0xc2: {  	[sflag:s29] =	ssyncadd.s32 $0xFFFFFFFF  }
0xc3: {  	_ =	strace $0x9000004B  }
0xc4: {  	_ =	sfence  }
0xc5: {  	s30 =	sld [smem:$0x0];
	_ =	sdelay $0x2  }
0xc6: {  	s31 =	sshll.u32 s1, $0xD;
	s1 =	sshrl.u32 s1, $0x2  }
0xc7: {  	s4 =	sand.u32 $0x4000, s31;
	s1 =	sadd.s32 s1, s30  }
0xc8: {  	s0 =	sor.u32 s4, s0;
	s1 =	sshll.u32 s1, $0x11  }
0xc9: {  	s0 =	sor.u32 s1, s0  }
0xca: {  	s0 =	sadd.s32 $0x8F2B, s0  }
0xcb: {  	[sflag:s0] =	ssyncadd.remote.s32 $0x1  }
0xcc: {  	_ =	sfence.sel $0xFFFF  }
0xcd: {  	[dreg:$0x0] =	wrdreg $0xFFFFFFFF;
	(pc) =	sbr.abs _section_cstart, $3  }
0xce: {  	[dreg:$0x1] =	wrdreg $0xFFFFFFFF  }
0xcf: {  	_ =	task.clear_ibuf [dreg:s22], $0x2FFFF;
	_ =	strace $0x9FFFFFFF  }
0xd0: {  	(tm) =	ssettm $0x7FFFFFFF  }
0xd1: {  	_ =	shalt  }
tec
execute0_lowered:
.L_overlay_start_1:
0x0: {  	(tag) =	ssettag $0x1  }
0x1: {  	s4 =	rddreg [dreg:$0x0]  }
0x2: {  	s0 =	rddreg [dreg:$0x1];
	s2 =	simm.s32 $0x0;
	s3 =	srdreg.scid  }
0x3: {  	s1 =	stileid.u32;
	s10 =	simm.s32 $0x1;
	s11 =	simm.s32 $0x0  }
0x4: {  	[smem:$0x7FF] =	sst s2;
	s5 =	sand.u32 $0x1, s3;
	s6 =	sshll.u32 s1, $0x9  }
0x5: {  	s3 =	sadd.s32 $0x43A00, s4;
	s8 =	sshll.u32 s1, $0x10;
	_ =	strace $0x8000004A  }
0x6: {  	s7 =	sshll.u32 s5, $0x8;
	s29 =	ssub.s32 $0x2, s5;
	s8 =	sadd.s32 s8, s4  }
0x7: {  	s30 =	sshll.u32 s5, $0xF;
	s6 =	sor.u32 s7, s6;
	s9 =	sshrl.u32 s29, $0x1  }
0x8: {  	s31 =	sadd.s32 s30, s8;
	s8 =	simm.s32 $0x80;
	s6 =	sadd.s32 s6, s4  }
0x9: {  	s7 =	ssub.s32 s29, s9;
	s9 =	simm.s32 $0x800;
	s4 =	sadd.s32 $0x183A00, s6  }
0xa: {  	s5 =	smax.u32 s7, $0x1;
	s6 =	sadd.s32 $0x185A00, s31;
	s7 =	simm.s32 $0x2  }
.LBB2_1:
0xb: {  	[tilespmem:s2], [sflag:$0x2] =	stream.linear.gather [hbm4b:s4+s2], $0x800, $0x38;
	[tilespmem:$0x4800] =	vst v63  }
0xc: {  	_ =	swait.ge [sflag:s7], $0x800  }
0xd: {  	[sflag:s7] =	ssyncset.done $0x0  }
0xe: {  	s12 =	simm.s32 $0x0;
	[sflag:s7] =	ssyncadd.s32 $0xFFFFF800  }
0xf: {  	[tilespmem:s9], [sflag:$0x1] =	stream.indirect.gather [hbm4b:s3+s8], $0x80, s12, s8, $0xb8;
	[tilespmem:$0x4800] =	vst v63  }
0x10: {  	_ =	swait.ge [sflag:s10], $0x4000  }
0x11: {  	[sflag:s10] =	ssyncset.done $0x0  }
0x12: {  	[sflag:s10] =	ssyncadd.s32 $0xFFFFC000  }
0x13: {  	[hbm4b:s6+s2] =	stream.linear.scatter [tilespmem:s9], [sflag:$0x2], $0x4000, $0x38;
	[tilespmem:$0x4800] =	vst v63  }
0x14: {  	s13 =	simm.s32 $0x200;
	_ =	swait.ge [sflag:s7], $0x4000  }
0x15: {  	s14 =	simm.s32 $0x400;
	s12 =	sadd.s32 $0x800, s6;
	[sflag:s7] =	ssyncset.done $0x0  }
.LBB2_2:
0x16: {  	s15 =	sshra.s32 s13, $0x2  }
0x17: {  	[sflag:s7] =	ssyncadd.s32 $0xFFFFC000;
	s13 =	smov.u32 s14;
	s16 =	sadd.s32 $0x200, s14  }
0x18: {  	[tilespmem:s9], [sflag:$0x1] =	stream.indirect.gather [hbm4b:s3+s8], $0x80, s15, s8, $0xb8;
	[tilespmem:$0x4800] =	vst v63  }
0x19: {  	p0 =	sne.s32 s14, $0x1E00;
	_ =	swait.ge [sflag:s10], $0x4000  }
.Ltmp0:
0x1a: {  	[sflag:s10] =	ssyncset.done $0x0;
	(pc) =	sbr.rel @p0 .LBB2_2-.Ltmp0, $4  }
0x1b: {  	[sflag:s10] =	ssyncadd.s32 $0xFFFFC000  }
0x1c: {  	[hbm4b:s12+s2] =	stream.linear.scatter [tilespmem:s9], [sflag:$0x2], $0x4000, $0x38;
	[tilespmem:$0x4800] =	vst v63  }
0x1d: {  	_ =	swait.ge [sflag:s7], $0x4000  }
0x1e: {  	s14 =	smov.u32 s16;
	s12 =	sadd.s32 $0x800, s12;
	[sflag:s7] =	ssyncset.done $0x0  }
0x1f: {  	s13 =	sshra.s32 s13, $0x2;
	[sflag:s7] =	ssyncadd.s32 $0xFFFFC000  }
0x20: {  	[tilespmem:s9], [sflag:$0x1] =	stream.indirect.gather [hbm4b:s3+s8], $0x80, s13, s8, $0xb8;
	[tilespmem:$0x4800] =	vst v63  }
0x21: {  	s11 =	sadd.s32 $0x1, s11;
	_ =	swait.ge [sflag:s10], $0x4000  }
0x22: {  	p0 =	sne.s32 s11, s5;
	[sflag:s10] =	ssyncset.done $0x0  }
.Ltmp1:
0x23: {  	[sflag:s10] =	ssyncadd.s32 $0xFFFFC000;
	(pc) =	sbr.rel @p0 .LBB2_1-.Ltmp1, $4  }
0x24: {  	[hbm4b:s12+s2] =	stream.linear.scatter [tilespmem:s9], [sflag:$0x2], $0x4000, $0x38;
	[tilespmem:$0x4800] =	vst v63  }
0x25: {  	_ =	swait.ge [sflag:s7], $0x4000  }
0x26: {  	[sflag:s7] =	ssyncset.done $0x0  }
0x27: {  	[sflag:s7] =	ssyncadd.s32 $0xFFFFC000  }
0x28: {  	_ =	sfence.sel $0x180000  }
0x29: {  	[bflag:$0x0] =	sbarrier.arrive $0xFFFF  }
0x2a: {  	p0 =	sne.s32 s1, $0x0;
	_ =	strace $0x9000004A  }
0x2b: {  	s0 =	sadd.s32 @!p0 $0x100000, s0;
	[bflag:$0x2] =	sbarrier.arrive $0xFFFF  }
0x2c: {  	[sflag:s0] =	ssyncadd.tile.s32 @!p0 $0x1;
	_ =	shalt  }
.Lfunc_end2:
_tile_overlayer_lowered:
.L_overlay_start_2:
0x2d: {  	(tag) =	ssettag $0x2  }
0x2e: {  	s0 =	rddreg [dreg:$0x0];
	s2 =	stileid.u32  }
0x2f: {  	s1 =	rddreg [dreg:$0x1];
	p0 =	sne.s32 s2, $0x0  }
0x30: {  	s3 =	rddreg [dreg:$0x2];
	[bflag:$0x3] =	sbarrier.arrive $0xFFFF;
	s2 =	simm.s32 @!p0 $0x1C02  }
0x31: {  	[timem:s3], [sflag:s2] =	dma.local @!p0 [hbm:s0], s1  }
0x32: {  	s0 =	simm.s32 @!p0 $0x2  }
0x33: {  	_ =	swait.ge @!p0 [sflag:s0], s1  }
0x34: {  	s1 =	ssub.s32 @!p0 $0x0, s1;
	[sflag:s0] =	ssyncset.done @!p0 $0x0  }
0x35: {  	[sflag:s0] =	ssyncadd.s32 @!p0 s1  }
0x36: {  	[bflag:$0x3] =	sbarrier.arrive $0xFFFF  }
0x37: {  	_ =	shalt  }

// kernel: kernel.23.cloned.1.call-start
scs
__scs_entry_jumppad:
0x0: {  	(pc) =	sbr.rel $0x88, $3  }
0x1: {  	(tag) =	ssettag $0x0;
	lr =	simm.s32 $0x1  }
0x2: {  	[smem:$0x3F93] =	sst lr;
	_ =	strace $0xD0000000  }
0x3: {  	_ = 	snop  }
0x4: {  	_ = 	snop  }
0x5: {  	_ = 	snop  }
0x6: {  	_ = 	snop  }
0x7: {  	_ = 	snop  }
__scs_overlays_trampoline_lowered:
0x8: {  	[smem:$0x3FA2] =	sst s0  }
0x9: {  	[smem:$0x3FA3] =	sst s1  }
0xa: {  	[smem:$0x3FA4] =	sst s2  }
0xb: {  	[smem:$0x3FA5] =	sst s3  }
0xc: {  	[smem:$0x3FA6] =	sst s4  }
0xd: {  	[smem:$0x3FA7] =	sst s5  }
0xe: {  	[smem:$0x3FA8] =	sst s6  }
0xf: {  	[smem:$0x3FA9] =	sst s7  }
0x10: {  	[smem:$0x3FAA] =	sst s8  }
0x11: {  	[smem:$0x3FAB] =	sst s9;
	s0 =	simm.s32 @!p0 $0x0  }
0x12: {  	s1 =	sld [smem:$0x3F91];
	s0 =	simm.s32 @p0 $0x1  }
0x13: {  	[smem:$0x3FAC] =	sst s0;
	s0 =	simm.s32 @!p1 $0x0  }
0x14: {  	s2 =	sld [smem:$0x3F90];
	s0 =	simm.s32 @p1 $0x1  }
0x15: {  	[smem:$0x3FAD] =	sst s0;
	s0 =	simm.s32 @!p2 $0x0  }
0x16: {  	s3 =	sld [smem:$0x3FDB];
	s0 =	simm.s32 @p2 $0x1  }
0x17: {  	s4 =	simm.s32 $0x1BF5;
	[smem:$0x3FAF] =	sst s0  }
0x18: {  	s0 =	sld [smem:$0x3F92];
	_ =	swait.ge [sflag:s4], $0x0  }
0x19: {  	s7 =	sld [smem:$0x3F93]  }
0x1a: {  	s8 =	sadd.s32 $0xFFFFE003, lr  }
0x1b: {  	s9 =	sadd.s32 $0xFFFFFEF7, lr;
	s5 =	simm.s32 $0xFFFFFFFF;
	p2 =	slt.u32 s8, $0xFFFFF086  }
0x1c: {  	p1 =	slt.u32 s9, $0xF7A;
	s5 =	simm.s32 @!p2 $0x0  }
0x1d: {  	s5 =	simm.s32 @p1 $0x1;
	p0 =	seq.s32 s7, s2  }
0x1e: {  	s7 =	smul.u32 @!p0 $0xF7A, s2;
	p2 =	seq.s32 @!p0 s5, $0x0  }
0x1f: {  	s9 =	smul.u32 $0xF7A, s1;
	s8 =	simm.s32 @!p0 $0x1BF5;
	p2 =	por !p2, p0  }
0x20: {  	[sflag:s8] =	ssyncset.s32 @!p0 $0xFFFFF086;
	s6 =	sadd.s32 @!p0 s3, s7;
	s7 =	simm.s32 @!p0 $0x108  }
0x21: {  	s3 =	sadd.s32 s3, s9;
	s6 =	sadd.s32 @!p0 $0x88, s6;
	s7 =	simm.s32 @p2 $0x1082  }
0x22: {  	[simem:s7], [sflag:s8] =	dma.local @!p0 [hbm:s6], $0xF7A  }
0x23: {  	s9 =	sor.u32 $0xD0000000, s2;
	s6 =	simm.s32 $0x108;
	_ =	swait.ge @!p0 [sflag:s8], $0x0  }
0x24: {  	s3 =	sadd.s32 $0x88, s3;
	s6 =	simm.s32 @!p1 $0x1082;
	[sflag:s4] =	ssyncset.s32 $0xFFFFF086  }
0x25: {  	[simem:s6], [sflag:s4] =	dma.local [hbm:s3], $0xF7A  }
0x26: {  	[smem:$0x3F93] =	sst s1;
	(tag) =	ssettag s2;
	_ =	strace s9  }
0x27: {  	s1 =	sld [smem:$0x3FA3]  }
0x28: {  	s2 =	sld [smem:$0x3FA4]  }
0x29: {  	s4 =	sld [smem:$0x3FA6]  }
0x2a: {  	p0 =	seq.s32 s5, $0x0;
	s5 =	sld [smem:$0x3FA7]  }
0x2b: {  	s6 =	sld [smem:$0x3FA8]  }
0x2c: {  	s7 =	sld [smem:$0x3FA9]  }
0x2d: {  	s3 =	simm.s32 $0x108;
	s8 =	sld [smem:$0x3FAA]  }
0x2e: {  	s3 =	simm.s32 @!p0 $0x1082;
	s9 =	sld [smem:$0x3FAB]  }
0x2f: {  	lr =	sadd.s32 s0, s3;
	s0 =	sld [smem:$0x3FA2]  }
0x30: {  	s3 =	sld [smem:$0x3FA5]  }
0x31: {  	[smem:$0x3FAE] =	sst s10  }
0x32: {  	s10 =	sld [smem:$0x3FAC];
	_ =	sdelay $0x3  }
0x33: {  	p0 =	seq.s32 s10, $0x1;
	s10 =	sld [smem:$0x3FAE];
	_ =	sdelay $0x3  }
0x34: {  	[smem:$0x3FAE] =	sst s10  }
0x35: {  	s10 =	sld [smem:$0x3FAD];
	_ =	sdelay $0x3  }
0x36: {  	p1 =	seq.s32 s10, $0x1;
	s10 =	sld [smem:$0x3FAE];
	_ =	sdelay $0x3  }
0x37: {  	[smem:$0x3FAE] =	sst s10  }
0x38: {  	s10 =	sld [smem:$0x3FAF]  }
0x39: {  	_ = 	snop;
	(pc) =	sbr.ind lr, $3  }
0x3a: {  	_ = 	snop  }
0x3b: {  	_ = 	snop  }
0x3c: {  	p2 =	seq.s32 s10, $0x1;
	s10 =	sld [smem:$0x3FAE]  }
0x3d: {  	_ =	shalt  }
0x3e: {  	_ =	shalt  }
0x3f: {  	_ =	shalt  }
0x40: {  	_ =	shalt  }
0x41: {  	_ =	shalt  }
0x42: {  	_ =	shalt  }
0x43: {  	_ =	shalt  }
0x44: {  	_ =	shalt  }
0x45: {  	_ =	shalt  }
0x46: {  	_ =	shalt  }
0x47: {  	_ =	shalt  }
0x48: {  	_ =	shalt  }
0x49: {  	_ =	shalt  }
0x4a: {  	_ =	shalt  }
0x4b: {  	_ =	shalt  }
0x4c: {  	_ =	shalt  }
0x4d: {  	_ =	shalt  }
0x4e: {  	_ =	shalt  }
0x4f: {  	_ =	shalt  }
0x50: {  	_ =	shalt  }
0x51: {  	_ =	shalt  }
0x52: {  	_ =	shalt  }
0x53: {  	_ =	shalt  }
0x54: {  	_ =	shalt  }
0x55: {  	_ =	shalt  }
0x56: {  	_ =	shalt  }
0x57: {  	_ =	shalt  }
0x58: {  	_ =	shalt  }
0x59: {  	_ =	shalt  }
0x5a: {  	_ =	shalt  }
0x5b: {  	_ =	shalt  }
0x5c: {  	_ =	shalt  }
0x5d: {  	_ =	shalt  }
0x5e: {  	_ =	shalt  }
0x5f: {  	_ =	shalt  }
0x60: {  	_ =	shalt  }
0x61: {  	_ =	shalt  }
0x62: {  	_ =	shalt  }
0x63: {  	_ =	shalt  }
0x64: {  	_ =	shalt  }
0x65: {  	_ =	shalt  }
0x66: {  	_ =	shalt  }
0x67: {  	_ =	shalt  }
0x68: {  	_ =	shalt  }
0x69: {  	_ =	shalt  }
0x6a: {  	_ =	shalt  }
0x6b: {  	_ =	shalt  }
0x6c: {  	_ =	shalt  }
0x6d: {  	_ =	shalt  }
0x6e: {  	_ =	shalt  }
0x6f: {  	_ =	shalt  }
0x70: {  	_ =	shalt  }
0x71: {  	_ =	shalt  }
0x72: {  	_ =	shalt  }
0x73: {  	_ =	shalt  }
0x74: {  	_ =	shalt  }
0x75: {  	_ =	shalt  }
0x76: {  	_ =	shalt  }
0x77: {  	_ =	shalt  }
0x78: {  	_ =	shalt  }
0x79: {  	_ =	shalt  }
0x7a: {  	_ =	shalt  }
0x7b: {  	_ =	shalt  }
0x7c: {  	_ =	shalt  }
0x7d: {  	_ =	shalt  }
0x7e: {  	_ =	shalt  }
0x7f: {  	_ =	shalt  }
0x80: {  	_ =	shalt  }
0x81: {  	_ =	shalt  }
0x82: {  	_ =	shalt  }
0x83: {  	_ =	shalt  }
0x84: {  	_ =	shalt  }
0x85: {  	_ =	shalt  }
0x86: {  	_ =	shalt  }
0x87: {  	_ =	shalt  }
.Lfunc_end0:
.L_simem_size_0:
called_computation.3_lowered:
.L_overlay_start_0:
0x88: {  	s2 =	sld [smem:$0x3FD9]  }
0x89: {  	s3 =	sld [smem:$0x3FFE];
	_ =	sdelay $0x1  }
0x8a: {  	s1 =	srdreg.scid  }
0x8b: {  	s0 =	sand.u32 $0x1, s1  }
0x8c: {  	s17 =	sshll.u32 s0, $0xA;
	s2 =	sadd.s32 s3, s2  }
0x8d: {  	s2 =	sadd.s32 s2, s17  }
0x8e: {  	[smem:$0x3FBA] =	sst s2  }
0x8f: {  	_ = 	snop  }
0x90: {  	s2 =	sld [smem:$0x3FD0];
	(tm) =	ssettm $0x1  }
0x91: {  	s18 =	sld [smem:$0x3FFB];
	_ =	sdelay $0x3  }
0x92: {  	_ =	strace s18  }
0x93: {  	s3 =	sld [smem:$0x3FFC];
	_ =	sdelay $0x3  }
0x94: {  	_ =	strace s3  }
0x95: {  	s3 =	sld [smem:$0x3FFD];
	_ =	sdelay $0x3  }
0x96: {  	_ =	strace s3  }
0x97: {  	_ =	strace $0x8FFFFFFF  }
0x98: {  	s19 =	sld [smem:$0x3FDB];
	_ =	sdelay $0x1  }
0x99: {  	s4 =	simm.s32 $_scs_section_size  }
0x9a: {  	s5 =	simm.s32 $_size__tile_overlayer_lowered;
	s6 =	simm.s32 $_tile_overlayer_lowered  }
0x9b: {  	s22 =	simm.s32 $0x1BFF;
	s21 =	sshll.u32 s6, $0x1;
	s3 =	sadd.s32 s4, s19  }
0x9c: {  	s7 =	simm.s32 $0x0;
	s20 =	sshll.u32 s5, $0x1;
	s5 =	sadd.s32 s21, s3  }
0x9d: {  	[timem:s7], [sflag:s22] =	dma.local [hbm:s5], s20  }
0x9e: {  	_ =	swait.ge [sflag:s22], s20  }
0x9f: {  	s4 =	ssub.s32 $0x0, s20;
	[sflag:s22] =	ssyncset.done $0x0  }
0xa0: {  	[sflag:s22] =	ssyncadd.s32 s4;
	_ =	sdelay $0x1  }
0xa1: {  	s23 =	simm.s32 $0x1B8B  }
0xa2: {  	_ =	swait.ge [sflag:s23], $0x1  }
0xa3: {  	[sflag:s23] =	ssyncset.done $0x0  }
0xa4: {  	s25 =	simm.s32 $0x1B8E;
	s24 =	sld [smem:$0x3FFE];
	[sflag:s23] =	ssyncadd.s32 $0xFFFFFFFF  }
0xa5: {  	s26 =	simm.s32 $execute0_lowered;
	[smem:$0x3FD2] =	sst s25  }
0xa6: {  	s5 =	sshll.u32 s26, $0x1;
	_ =	strace $0x80000046;
	[dreg:$0x1] =	wrdreg $0xFFFFFFFF  }
0xa7: {  	s28 =	simm.s32 $_size_execute0_lowered;
	s3 =	sadd.s32 s3, s5;
	[dreg:$0x0] =	wrdreg $0x0  }
0xa8: {  	s5 =	sshll.u32 s28, $0x1;
	[dreg:$0x2] =	wrdreg s3  }
0xa9: {  	[dreg:$0x3] =	wrdreg s5  }
0xaa: {  	[dreg:$0x4] =	wrdreg $0xC0  }
0xab: {  	_ =	task [dreg:s7], $0x5FFFF  }
0xac: {  	[dreg:$0x1] =	wrdreg $0xFFFFFFFF  }
0xad: {  	[dreg:$0x0] =	wrdreg $0x60  }
0xae: {  	[dreg:$0x2] =	wrdreg s24  }
0xaf: {  	[dreg:$0x3] =	wrdreg s2  }
0xb0: {  	[dreg:$0x4] =	wrdreg $0xC  }
0xb1: {  	_ =	task.clear_ibuf [dreg:s7], $0x5FFFF;
	_ =	strace $0x90000046  }
0xb2: {  	s29 =	simm.s32 $0xC;
	_ =	strace $0x80000048  }
0xb3: {  	_ =	swait.ge [sflag:s29], $0x1  }
0xb4: {  	[sflag:s29] =	ssyncadd.s32 $0xFFFFFFFF  }
0xb5: {  	_ =	strace $0x90000048  }
0xb6: {  	_ =	sfence  }
0xb7: {  	s30 =	sld [smem:$0x0];
	_ =	sdelay $0x2  }
0xb8: {  	s31 =	sshll.u32 s1, $0xD;
	s1 =	sshrl.u32 s1, $0x2  }
0xb9: {  	s3 =	sand.u32 $0x4000, s31;
	s1 =	sadd.s32 s1, s30  }
0xba: {  	s0 =	sor.u32 s3, s0;
	s1 =	sshll.u32 s1, $0x11  }
0xbb: {  	s0 =	sor.u32 s1, s0  }
0xbc: {  	s0 =	sadd.s32 $0x8F2B, s0  }
0xbd: {  	[sflag:s0] =	ssyncadd.remote.s32 $0x1  }
0xbe: {  	_ =	sfence.sel $0xFFFF  }
0xbf: {  	[dreg:$0x0] =	wrdreg $0xFFFFFFFF;
	(pc) =	sbr.abs _section_cstart, $3  }
0xc0: {  	[dreg:$0x1] =	wrdreg $0xFFFFFFFF  }
0xc1: {  	_ =	task.clear_ibuf [dreg:s7], $0x2FFFF;
	_ =	strace $0x9FFFFFFF  }
0xc2: {  	(tm) =	ssettm $0x7FFFFFFF  }
0xc3: {  	_ =	shalt  }
tec
execute0_lowered:
.L_overlay_start_1:
0x0: {  	(tag) =	ssettag $0x1  }
0x1: {  	s4 =	rddreg [dreg:$0x0]  }
0x2: {  	s5 =	rddreg [dreg:$0x1]  }
0x3: {  	s0 =	rddreg [dreg:$0x2];
	s2 =	simm.s32 $0x0  }
0x4: {  	s1 =	stileid.u32;
	s3 =	srdreg.scid;
	s11 =	simm.s32 $0x0  }
0x5: {  	[smem:$0x7FF] =	sst s2;
	s6 =	sshll.u32 s1, $0x10;
	s7 =	sand.u32 $0x1, s3  }
0x6: {  	s3 =	sadd.s32 $0x43A00, s4;
	s9 =	sshll.u32 s1, $0x9;
	_ =	strace $0x80000047  }
0x7: {  	s6 =	sadd.s32 s6, s4;
	s30 =	ssub.s32 $0x2, s7;
	s10 =	sshll.u32 s7, $0x8  }
0x8: {  	s7 =	sshll.u32 s7, $0xF;
	s8 =	sshrl.u32 s30, $0x1;
	s31 =	sor.u32 s10, s9  }
0x9: {  	s6 =	sadd.s32 s7, s6;
	s7 =	simm.s32 $0x2;
	s9 =	simm.s32 $0x800  }
0xa: {  	s10 =	simm.s32 $0x1;
	s8 =	ssub.s32 s30, s8;
	s4 =	sadd.s32 s5, s31  }
0xb: {  	s6 =	sadd.s32 $0x83A00, s6;
	s5 =	smax.u32 s8, $0x1;
	s8 =	simm.s32 $0x80  }
.LBB2_1:
0xc: {  	[tilespmem:s2], [sflag:$0x2] =	stream.linear.gather [hbm4b:s4+s2], $0x800, $0x38;
	[tilespmem:$0x4800] =	vst v63  }
0xd: {  	_ =	swait.ge [sflag:s7], $0x800  }
0xe: {  	[sflag:s7] =	ssyncset.done $0x0  }
0xf: {  	s12 =	simm.s32 $0x0;
	[sflag:s7] =	ssyncadd.s32 $0xFFFFF800  }
0x10: {  	[tilespmem:s9], [sflag:$0x1] =	stream.indirect.gather [hbm4b:s3+s8], $0x80, s12, s8, $0xb8;
	[tilespmem:$0x4800] =	vst v63  }
0x11: {  	_ =	swait.ge [sflag:s10], $0x4000  }
0x12: {  	[sflag:s10] =	ssyncset.done $0x0  }
0x13: {  	[sflag:s10] =	ssyncadd.s32 $0xFFFFC000  }
0x14: {  	[hbm4b:s6+s2] =	stream.linear.scatter [tilespmem:s9], [sflag:$0x2], $0x4000, $0x38;
	[tilespmem:$0x4800] =	vst v63  }
0x15: {  	s13 =	simm.s32 $0x200;
	_ =	swait.ge [sflag:s7], $0x4000  }
0x16: {  	s14 =	simm.s32 $0x400;
	s12 =	sadd.s32 $0x800, s6;
	[sflag:s7] =	ssyncset.done $0x0  }
.LBB2_2:
0x17: {  	s15 =	sshra.s32 s13, $0x2  }
0x18: {  	[sflag:s7] =	ssyncadd.s32 $0xFFFFC000;
	s13 =	smov.u32 s14;
	s16 =	sadd.s32 $0x200, s14  }
0x19: {  	[tilespmem:s9], [sflag:$0x1] =	stream.indirect.gather [hbm4b:s3+s8], $0x80, s15, s8, $0xb8;
	[tilespmem:$0x4800] =	vst v63  }
0x1a: {  	p0 =	sne.s32 s14, $0x1E00;
	_ =	swait.ge [sflag:s10], $0x4000  }
.Ltmp0:
0x1b: {  	[sflag:s10] =	ssyncset.done $0x0;
	(pc) =	sbr.rel @p0 .LBB2_2-.Ltmp0, $4  }
0x1c: {  	[sflag:s10] =	ssyncadd.s32 $0xFFFFC000  }
0x1d: {  	[hbm4b:s12+s2] =	stream.linear.scatter [tilespmem:s9], [sflag:$0x2], $0x4000, $0x38;
	[tilespmem:$0x4800] =	vst v63  }
0x1e: {  	_ =	swait.ge [sflag:s7], $0x4000  }
0x1f: {  	s14 =	smov.u32 s16;
	s12 =	sadd.s32 $0x800, s12;
	[sflag:s7] =	ssyncset.done $0x0  }
0x20: {  	s13 =	sshra.s32 s13, $0x2;
	[sflag:s7] =	ssyncadd.s32 $0xFFFFC000  }
0x21: {  	[tilespmem:s9], [sflag:$0x1] =	stream.indirect.gather [hbm4b:s3+s8], $0x80, s13, s8, $0xb8;
	[tilespmem:$0x4800] =	vst v63  }
0x22: {  	s11 =	sadd.s32 $0x1, s11;
	_ =	swait.ge [sflag:s10], $0x4000  }
0x23: {  	p0 =	sne.s32 s11, s5;
	[sflag:s10] =	ssyncset.done $0x0  }
.Ltmp1:
0x24: {  	[sflag:s10] =	ssyncadd.s32 $0xFFFFC000;
	(pc) =	sbr.rel @p0 .LBB2_1-.Ltmp1, $4  }
0x25: {  	[hbm4b:s12+s2] =	stream.linear.scatter [tilespmem:s9], [sflag:$0x2], $0x4000, $0x38;
	[tilespmem:$0x4800] =	vst v63  }
0x26: {  	_ =	swait.ge [sflag:s7], $0x4000  }
0x27: {  	[sflag:s7] =	ssyncset.done $0x0  }
0x28: {  	[sflag:s7] =	ssyncadd.s32 $0xFFFFC000  }
0x29: {  	_ =	sfence.sel $0x180000  }
0x2a: {  	[bflag:$0x0] =	sbarrier.arrive $0xFFFF  }
0x2b: {  	p0 =	sne.s32 s1, $0x0;
	_ =	strace $0x90000047  }
0x2c: {  	s0 =	sadd.s32 @!p0 $0x100000, s0;
	[bflag:$0x2] =	sbarrier.arrive $0xFFFF  }
0x2d: {  	[sflag:s0] =	ssyncadd.tile.s32 @!p0 $0x1;
	_ =	shalt  }
.Lfunc_end2:
_tile_overlayer_lowered:
.L_overlay_start_2:
0x2e: {  	(tag) =	ssettag $0x2  }
0x2f: {  	s0 =	rddreg [dreg:$0x0];
	s2 =	stileid.u32  }
0x30: {  	s1 =	rddreg [dreg:$0x1];
	p0 =	sne.s32 s2, $0x0  }
0x31: {  	s3 =	rddreg [dreg:$0x2];
	[bflag:$0x3] =	sbarrier.arrive $0xFFFF;
	s2 =	simm.s32 @!p0 $0x1C02  }
0x32: {  	[timem:s3], [sflag:s2] =	dma.local @!p0 [hbm:s0], s1  }
0x33: {  	s0 =	simm.s32 @!p0 $0x2  }
0x34: {  	_ =	swait.ge @!p0 [sflag:s0], s1  }
0x35: {  	s1 =	ssub.s32 @!p0 $0x0, s1;
	[sflag:s0] =	ssyncset.done @!p0 $0x0  }
0x36: {  	[sflag:s0] =	ssyncadd.s32 @!p0 s1  }
0x37: {  	[bflag:$0x3] =	sbarrier.arrive $0xFFFF  }
0x38: {  	_ =	shalt  }

</sc_bundles>
